<compile_context>
chip_gen: v7x
topology: tpu7x:2x2x1
jax: 0.10.2.dev20260603
libtpu: 0.0.44.dev20260713+nightly
codegen_flags: <defaults>
</compile_context>

<pallas_src>
import functools

import jax
import jax.numpy as jnp
from jax import lax
from jax.experimental import pallas as pl
from jax.experimental.pallas import tpu as pltpu
from jax.experimental.pallas import tpu_sc as plsc

MAX_LEN_ = 200
D_MODEL_ = 64
NC_ = 2
NS_ = 16
NW_ = NC_ * NS_
UNITS_ = MAX_LEN_ * 8
UPW_ = UNITS_ // NW_
UWORDS_ = 32 * 8 * 128


def _sc_body(pe_hbm, out_hbm, pe_v, tile0, tile1, sem0, sem1):
    wid = lax.axis_index("s") * NC_ + lax.axis_index("c")
    pltpu.sync_copy(pe_hbm, pe_v)
    tiles = (tile0, tile1)
    sems = (sem0, sem1)

    def build(tile_v, unit):
        s = unit // 8
        dg = unit % 8
        fbase = s * 64 + dg * 8
        aligned = (fbase // 16) * 16
        off = fbase - aligned
        vec16 = pe_v[pl.ds(aligned, 16)]
        dnums = lax.GatherDimensionNumbers(
            offset_dims=(), collapsed_slice_dims=(0,), start_index_map=(0,)
        )
        vecs = [
            lax.gather(
                vec16,
                jnp.full((16, 1), off + r, jnp.int32),
                dimension_numbers=dnums,
                slice_sizes=(1,),
                mode=lax.GatherScatterMode.PROMISE_IN_BOUNDS,
            )
            for r in range(8)
        ]

        def copy_body(c, _):
            base = c * 1024
            for r in range(8):
                for j in range(8):
                    tile_v[pl.ds(base + r * 128 + j * 16, 16)] = vecs[r]
            return 0

        lax.fori_loop(0, 32, copy_body, 0)

    def start_dma(tile_v, sem, unit):
        return pltpu.make_async_copy(
            tile_v, out_hbm.at[pl.ds(unit * UWORDS_, UWORDS_)], sem
        )

    def loop_body0(u, _):
        unit = wid * UPW_ + u
        buf = u % 2
        build(tiles[buf], unit)
        start_dma(tiles[buf], sems[buf], unit).start()
        return 0

    loop_body0(0, 0)
    loop_body0(1, 0)

    def steady(u, _):
        unit = wid * UPW_ + u
        prev_unit = unit - 2
        idx = u % 2

        def even():
            start_dma(tiles[0], sems[0], prev_unit).wait()
            build(tiles[0], unit)
            start_dma(tiles[0], sems[0], unit).start()
            return 0

        def odd():
            start_dma(tiles[1], sems[1], prev_unit).wait()
            build(tiles[1], unit)
            start_dma(tiles[1], sems[1], unit).start()
            return 0

        lax.cond(idx == 0, even, odd)
        return 0

    lax.fori_loop(2, UPW_, steady, 0)
    start_dma(tiles[0], sems[0], wid * UPW_ + UPW_ - 2).wait()
    start_dma(tiles[1], sems[1], wid * UPW_ + UPW_ - 1).wait()


def kernel(x, pe_weight):
    batch = x.shape[0]
    pe_flat = pe_weight.reshape(MAX_LEN_ * D_MODEL_)
    mesh = plsc.VectorSubcoreMesh(core_axis_name="c", subcore_axis_name="s")
    run = functools.partial(
        pl.kernel,
        out_type=jax.ShapeDtypeStruct((UNITS_ * UWORDS_,), jnp.float32),
        mesh=mesh,
        scratch_types=[
            pltpu.VMEM((MAX_LEN_ * D_MODEL_,), jnp.float32),
            pltpu.VMEM((UWORDS_,), jnp.float32),
            pltpu.VMEM((UWORDS_,), jnp.float32),
            pltpu.SemaphoreType.DMA,
            pltpu.SemaphoreType.DMA,
        ],
    )(_sc_body)
    out_1d = run(pe_flat)
    t3 = out_1d.reshape(UNITS_ * 32, 8, 128)
    t5 = t3.reshape(MAX_LEN_, 8, 32, 8, 128)
    t5 = jnp.transpose(t5, (2, 4, 0, 1, 3))
    return t5.reshape(batch, MAX_LEN_, D_MODEL_)

# --- scband reference (transcript-rebuilt; emitter-appended) ---
"""Pipeline reference for scband-positional-embedding-18459769438631 (READ-ONLY COPY).

The authoritative reference and input builder live on the scoring server;
editing this copy changes nothing except your own understanding.
"""

import jax, jax.numpy as jnp
import numpy as np

MAX_LEN = 200
D_MODEL = 64
BATCH = 4096

def setup_inputs(seed: int = 0) -> dict:
    key = jax.random.key(seed)
    k1, k2 = jax.random.split(key)
    x = jax.random.normal(k1, (BATCH, MAX_LEN, D_MODEL), dtype=jnp.float32)
    pe_weight = jax.random.normal(k2, (MAX_LEN, D_MODEL), dtype=jnp.float32)
    return {"x": x, "pe_weight": pe_weight}

def reference(x, pe_weight):
    # forward: pe.weight.unsqueeze(0).repeat(batch_size, 1, 1)
    batch_size = x.shape[0]
    return jnp.tile(pe_weight[None, :, :], (batch_size, 1, 1))

if __name__ == "__main__":
    import jax
    _d = setup_inputs()
    print(jax.jit(kernel)(*tuple(_d.values())))

</pallas_src>

<mosaic_0001>
#map = affine_map<(d0, d1) -> (0)>
module attributes {stable_mosaic.version = 14 : i64} {
  func.func @_sc_body(%arg0: i32, %arg1: i32, %arg2: memref<12800xf32, #tpu.memory_space<hbm>>, %arg3: memref<52428800xf32, #tpu.memory_space<hbm>>, %arg4: memref<12800xf32, #tpu.memory_space<vmem>>, %arg5: memref<32768xf32, #tpu.memory_space<vmem>>, %arg6: memref<32768xf32, #tpu.memory_space<vmem>>, %arg7: memref<!tpu.dma_semaphore, #tpu.memory_space<semaphore_mem>>, %arg8: memref<!tpu.dma_semaphore, #tpu.memory_space<semaphore_mem>>) attributes {dimension_semantics = [#tpu.dimension_semantics<core_parallel>, #tpu.dimension_semantics<subcore_parallel>], iteration_bounds = array<i64: 2, 16>, scalar_prefetch = 0 : i64, scratch_operands = 5 : i64, tpu.core_type = #tpu.core_type<sc_vector_subcore>, window_params = [{transform_indices = #map}, {transform_indices = #map}]} {
    %mul3A = arith.constant 2 : i32
    %mul3A_0 = arith.muli %arg1, %mul3A : i32
    %add3A = arith.addi %mul3A_0, %arg0 : i32
    "tpu.region"() ({
      %run_scoped3A = tpu.sem_alloc : memref<!tpu.dma_semaphore, #tpu.memory_space<semaphore_mem>>
      tpu.enqueue_dma source(%arg2 : memref<12800xf32, #tpu.memory_space<hbm>>) target(%arg4 : memref<12800xf32, #tpu.memory_space<vmem>>) target_semaphore(%run_scoped3A : memref<!tpu.dma_semaphore, #tpu.memory_space<semaphore_mem>>)
      tpu.wait_dma2 semaphore(%run_scoped3A : memref<!tpu.dma_semaphore, #tpu.memory_space<semaphore_mem>>) src(%arg2 : memref<12800xf32, #tpu.memory_space<hbm>>) dst(%arg4 : memref<12800xf32, #tpu.memory_space<vmem>>)
      tpu.yield
    }) : () -> ()
    %mul3A_1 = arith.constant 50 : i32
    %mul3A_2 = arith.muli %add3A, %mul3A_1 : i32
    %add3A_3 = arith.constant 0 : i32
    %add3A_4 = arith.addi %mul3A_2, %add3A_3 : i32
    %jit3A = arith.constant 8 : i32
    %div3A = arith.divsi %add3A_4, %jit3A : i32
    %sign3A = arith.constant 0 : i32
    %sign3A_5 = arith.cmpi sgt, %add3A_4, %sign3A : i32
    %sign3A_6 = arith.extui %sign3A_5 : i1 to i32
    %sign3A_7 = arith.constant 0 : i32
    %sign3A_8 = arith.cmpi slt, %add3A_4, %sign3A_7 : i32
    %sign3A_9 = arith.extui %sign3A_8 : i1 to i32
    %sign3A_10 = arith.subi %sign3A_6, %sign3A_9 : i32
    %sign3A_11 = arith.constant 0 : i32
    %sign3A_12 = arith.cmpi sgt, %jit3A, %sign3A_11 : i32
    %sign3A_13 = arith.extui %sign3A_12 : i1 to i32
    %sign3A_14 = arith.constant 0 : i32
    %sign3A_15 = arith.cmpi slt, %jit3A, %sign3A_14 : i32
    %sign3A_16 = arith.extui %sign3A_15 : i1 to i32
    %sign3A_17 = arith.subi %sign3A_13, %sign3A_16 : i32
    %ne3A = arith.cmpi ne, %sign3A_10, %sign3A_17 : i32
    %rem3A = arith.remsi %add3A_4, %jit3A : i32
    %ne3A_18 = arith.constant 0 : i32
    %ne3A_19 = arith.cmpi ne, %rem3A, %ne3A_18 : i32
    %and3A = arith.andi %ne3A, %ne3A_19 : i1
    %sub3A = arith.constant 1 : i32
    %sub3A_20 = arith.subi %div3A, %sub3A : i32
    %select_n3A = arith.select %and3A, %sub3A_20, %div3A : i32
    %jit3A_21 = arith.constant 8 : i32
    %eq3A = arith.constant 0 : i32
    %eq3A_22 = arith.cmpi eq, %jit3A_21, %eq3A : i32
    %jit3A_23 = arith.constant 1 : i32
    %select_n3A_24 = arith.select %eq3A_22, %jit3A_23, %jit3A_21 : i32
    %rem3A_25 = arith.remsi %add3A_4, %select_n3A_24 : i32
    %ne3A_26 = arith.constant 0 : i32
    %ne3A_27 = arith.cmpi ne, %rem3A_25, %ne3A_26 : i32
    %lt3A = arith.constant 0 : i32
    %lt3A_28 = arith.cmpi slt, %rem3A_25, %lt3A : i32
    %lt3A_29 = arith.constant 0 : i32
    %lt3A_30 = arith.cmpi slt, %select_n3A_24, %lt3A_29 : i32
    %ne3A_31 = arith.xori %lt3A_28, %lt3A_30 : i1
    %and3A_32 = arith.andi %ne3A_31, %ne3A_27 : i1
    %add3A_33 = arith.addi %rem3A_25, %select_n3A_24 : i32
    %select_n3A_34 = arith.select %and3A_32, %add3A_33, %rem3A_25 : i32
    %mul3A_35 = arith.constant 64 : i32
    %mul3A_36 = arith.muli %select_n3A, %mul3A_35 : i32
    %mul3A_37 = arith.constant 8 : i32
    %mul3A_38 = arith.muli %select_n3A_34, %mul3A_37 : i32
    %add3A_39 = arith.addi %mul3A_36, %mul3A_38 : i32
    %jit3A_40 = arith.constant 16 : i32
    %div3A_41 = arith.divsi %add3A_39, %jit3A_40 : i32
    %sign3A_42 = arith.constant 0 : i32
    %sign3A_43 = arith.cmpi sgt, %add3A_39, %sign3A_42 : i32
    %sign3A_44 = arith.extui %sign3A_43 : i1 to i32
    %sign3A_45 = arith.constant 0 : i32
    %sign3A_46 = arith.cmpi slt, %add3A_39, %sign3A_45 : i32
    %sign3A_47 = arith.extui %sign3A_46 : i1 to i32
    %sign3A_48 = arith.subi %sign3A_44, %sign3A_47 : i32
    %sign3A_49 = arith.constant 0 : i32
    %sign3A_50 = arith.cmpi sgt, %jit3A_40, %sign3A_49 : i32
    %sign3A_51 = arith.extui %sign3A_50 : i1 to i32
    %sign3A_52 = arith.constant 0 : i32
    %sign3A_53 = arith.cmpi slt, %jit3A_40, %sign3A_52 : i32
    %sign3A_54 = arith.extui %sign3A_53 : i1 to i32
    %sign3A_55 = arith.subi %sign3A_51, %sign3A_54 : i32
    %ne3A_56 = arith.cmpi ne, %sign3A_48, %sign3A_55 : i32
    %rem3A_57 = arith.remsi %add3A_39, %jit3A_40 : i32
    %ne3A_58 = arith.constant 0 : i32
    %ne3A_59 = arith.cmpi ne, %rem3A_57, %ne3A_58 : i32
    %and3A_60 = arith.andi %ne3A_56, %ne3A_59 : i1
    %sub3A_61 = arith.constant 1 : i32
    %sub3A_62 = arith.subi %div3A_41, %sub3A_61 : i32
    %select_n3A_63 = arith.select %and3A_60, %sub3A_62, %div3A_41 : i32
    %mul3A_64 = arith.constant 16 : i32
    %mul3A_65 = arith.muli %select_n3A_63, %mul3A_64 : i32
    %sub3A_66 = arith.subi %add3A_39, %mul3A_65 : i32
    %get3A = arith.index_cast %mul3A_65 : i32 to index
    %get3A_67 = tpu.vector_load %arg4[%get3A] {strides = array<i32>} : memref<12800xf32, #tpu.memory_space<vmem>>, vector<16xf32>,
    %get3A_68 = vector.shape_cast %get3A_67 : vector<16xf32> to vector<16xf32>
    %add3A_69 = arith.constant 0 : i32
    %add3A_70 = arith.addi %sub3A_66, %add3A_69 : i32
    %broadcast_in_dim3A = vector.broadcast %add3A_70 : i32 to vector<16x1xi32>
    %gather3A = vector.shape_cast %broadcast_in_dim3A : vector<16x1xi32> to vector<16xi32>
    %gather3A_71 = tpu.dynamic_gather %get3A_68[%gather3A] in [0] : vector<16xf32>, vector<16xi32> -> vector<16xf32>
    %add3A_72 = arith.constant 1 : i32
    %add3A_73 = arith.addi %sub3A_66, %add3A_72 : i32
    %broadcast_in_dim3A_74 = vector.broadcast %add3A_73 : i32 to vector<16x1xi32>
    %gather3A_75 = vector.shape_cast %broadcast_in_dim3A_74 : vector<16x1xi32> to vector<16xi32>
    %gather3A_76 = tpu.dynamic_gather %get3A_68[%gather3A_75] in [0] : vector<16xf32>, vector<16xi32> -> vector<16xf32>
    %add3A_77 = arith.constant 2 : i32
    %add3A_78 = arith.addi %sub3A_66, %add3A_77 : i32
    %broadcast_in_dim3A_79 = vector.broadcast %add3A_78 : i32 to vector<16x1xi32>
    %gather3A_80 = vector.shape_cast %broadcast_in_dim3A_79 : vector<16x1xi32> to vector<16xi32>
    %gather3A_81 = tpu.dynamic_gather %get3A_68[%gather3A_80] in [0] : vector<16xf32>, vector<16xi32> -> vector<16xf32>
    %add3A_82 = arith.constant 3 : i32
    %add3A_83 = arith.addi %sub3A_66, %add3A_82 : i32
    %broadcast_in_dim3A_84 = vector.broadcast %add3A_83 : i32 to vector<16x1xi32>
    %gather3A_85 = vector.shape_cast %broadcast_in_dim3A_84 : vector<16x1xi32> to vector<16xi32>
    %gather3A_86 = tpu.dynamic_gather %get3A_68[%gather3A_85] in [0] : vector<16xf32>, vector<16xi32> -> vector<16xf32>
    %add3A_87 = arith.constant 4 : i32
    %add3A_88 = arith.addi %sub3A_66, %add3A_87 : i32
    %broadcast_in_dim3A_89 = vector.broadcast %add3A_88 : i32 to vector<16x1xi32>
    %gather3A_90 = vector.shape_cast %broadcast_in_dim3A_89 : vector<16x1xi32> to vector<16xi32>
    %gather3A_91 = tpu.dynamic_gather %get3A_68[%gather3A_90] in [0] : vector<16xf32>, vector<16xi32> -> vector<16xf32>
    %add3A_92 = arith.constant 5 : i32
    %add3A_93 = arith.addi %sub3A_66, %add3A_92 : i32
    %broadcast_in_dim3A_94 = vector.broadcast %add3A_93 : i32 to vector<16x1xi32>
    %gather3A_95 = vector.shape_cast %broadcast_in_dim3A_94 : vector<16x1xi32> to vector<16xi32>
    %gather3A_96 = tpu.dynamic_gather %get3A_68[%gather3A_95] in [0] : vector<16xf32>, vector<16xi32> -> vector<16xf32>
    %add3A_97 = arith.constant 6 : i32
    %add3A_98 = arith.addi %sub3A_66, %add3A_97 : i32
    %broadcast_in_dim3A_99 = vector.broadcast %add3A_98 : i32 to vector<16x1xi32>
    %gather3A_100 = vector.shape_cast %broadcast_in_dim3A_99 : vector<16x1xi32> to vector<16xi32>
    %gather3A_101 = tpu.dynamic_gather %get3A_68[%gather3A_100] in [0] : vector<16xf32>, vector<16xi32> -> vector<16xf32>
    %add3A_102 = arith.constant 7 : i32
    %add3A_103 = arith.addi %sub3A_66, %add3A_102 : i32
    %broadcast_in_dim3A_104 = vector.broadcast %add3A_103 : i32 to vector<16x1xi32>
    %gather3A_105 = vector.shape_cast %broadcast_in_dim3A_104 : vector<16x1xi32> to vector<16xi32>
    %gather3A_106 = tpu.dynamic_gather %get3A_68[%gather3A_105] in [0] : vector<16xf32>, vector<16xi32> -> vector<16xf32>
    %scan3A = arith.constant 0 : i32
    %scan3A_107 = arith.constant 0 : i32
    %scan3A_108 = arith.constant 32 : i32
    %scan3A_109 = arith.addi %scan3A_107, %scan3A_108 : i32
    %scan3A_110 = arith.constant 1 : i32
    %scan3A_111 = scf.for %scan3A_272 = %scan3A_107 to %scan3A_109 step %scan3A_110 iter_args(%scan3A_273 = %scan3A) -> (i32)  : i32 {
      %mul3A_274 = arith.constant 1024 : i32
      %mul3A_275 = arith.muli %scan3A_272, %mul3A_274 : i32
      %add3A_276 = arith.constant 0 : i32
      %add3A_277 = arith.addi %mul3A_275, %add3A_276 : i32
      %add3A_278 = arith.constant 0 : i32
      %add3A_279 = arith.addi %add3A_277, %add3A_278 : i32
      %swap3A = arith.index_cast %add3A_279 : i32 to index
      %swap3A_280 = tpu.vector_load %arg5[%swap3A] {strides = array<i32>} : memref<32768xf32, #tpu.memory_space<vmem>>, vector<16xf32>,
      %swap3A_281 = vector.shape_cast %swap3A_280 : vector<16xf32> to vector<16xf32>
      %swap3A_282 = vector.shape_cast %gather3A_71 : vector<16xf32> to vector<16xf32>
      tpu.vector_store %arg5[%swap3A], %swap3A_282 {strides = array<i32>} : memref<32768xf32, #tpu.memory_space<vmem>>, vector<16xf32>,
      %add3A_283 = arith.constant 0 : i32
      %add3A_284 = arith.addi %mul3A_275, %add3A_283 : i32
      %add3A_285 = arith.constant 16 : i32
      %add3A_286 = arith.addi %add3A_284, %add3A_285 : i32
      %swap3A_287 = arith.index_cast %add3A_286 : i32 to index
      %swap3A_288 = tpu.vector_load %arg5[%swap3A_287] {strides = array<i32>} : memref<32768xf32, #tpu.memory_space<vmem>>, vector<16xf32>,
      %swap3A_289 = vector.shape_cast %swap3A_288 : vector<16xf32> to vector<16xf32>
      %swap3A_290 = vector.shape_cast %gather3A_71 : vector<16xf32> to vector<16xf32>
      tpu.vector_store %arg5[%swap3A_287], %swap3A_290 {strides = array<i32>} : memref<32768xf32, #tpu.memory_space<vmem>>, vector<16xf32>,
      %add3A_291 = arith.constant 0 : i32
      %add3A_292 = arith.addi %mul3A_275, %add3A_291 : i32
      %add3A_293 = arith.constant 32 : i32
      %add3A_294 = arith.addi %add3A_292, %add3A_293 : i32
      %swap3A_295 = arith.index_cast %add3A_294 : i32 to index
      %swap3A_296 = tpu.vector_load %arg5[%swap3A_295] {strides = array<i32>} : memref<32768xf32, #tpu.memory_space<vmem>>, vector<16xf32>,
      %swap3A_297 = vector.shape_cast %swap3A_296 : vector<16xf32> to vector<16xf32>
      %swap3A_298 = vector.shape_cast %gather3A_71 : vector<16xf32> to vector<16xf32>
      tpu.vector_store %arg5[%swap3A_295], %swap3A_298 {strides = array<i32>} : memref<32768xf32, #tpu.memory_space<vmem>>, vector<16xf32>,
      %add3A_299 = arith.constant 0 : i32
      %add3A_300 = arith.addi %mul3A_275, %add3A_299 : i32
      %add3A_301 = arith.constant 48 : i32
      %add3A_302 = arith.addi %add3A_300, %add3A_301 : i32
      %swap3A_303 = arith.index_cast %add3A_302 : i32 to index
      %swap3A_304 = tpu.vector_load %arg5[%swap3A_303] {strides = array<i32>} : memref<32768xf32, #tpu.memory_space<vmem>>, vector<16xf32>,
      %swap3A_305 = vector.shape_cast %swap3A_304 : vector<16xf32> to vector<16xf32>
      %swap3A_306 = vector.shape_cast %gather3A_71 : vector<16xf32> to vector<16xf32>
      tpu.vector_store %arg5[%swap3A_303], %swap3A_306 {strides = array<i32>} : memref<32768xf32, #tpu.memory_space<vmem>>, vector<16xf32>,
      %add3A_307 = arith.constant 0 : i32
      %add3A_308 = arith.addi %mul3A_275, %add3A_307 : i32
      %add3A_309 = arith.constant 64 : i32
      %add3A_310 = arith.addi %add3A_308, %add3A_309 : i32
      %swap3A_311 = arith.index_cast %add3A_310 : i32 to index
      %swap3A_312 = tpu.vector_load %arg5[%swap3A_311] {strides = array<i32>} : memref<32768xf32, #tpu.memory_space<vmem>>, vector<16xf32>,
      %swap3A_313 = vector.shape_cast %swap3A_312 : vector<16xf32> to vector<16xf32>
      %swap3A_314 = vector.shape_cast %gather3A_71 : vector<16xf32> to vector<16xf32>
      tpu.vector_store %arg5[%swap3A_311], %swap3A_314 {strides = array<i32>} : memref<32768xf32, #tpu.memory_space<vmem>>, vector<16xf32>,
      %add3A_315 = arith.constant 0 : i32
      %add3A_316 = arith.addi %mul3A_275, %add3A_315 : i32
      %add3A_317 = arith.constant 80 : i32
      %add3A_318 = arith.addi %add3A_316, %add3A_317 : i32
      %swap3A_319 = arith.index_cast %add3A_318 : i32 to index
      %swap3A_320 = tpu.vector_load %arg5[%swap3A_319] {strides = array<i32>} : memref<32768xf32, #tpu.memory_space<vmem>>, vector<16xf32>,
      %swap3A_321 = vector.shape_cast %swap3A_320 : vector<16xf32> to vector<16xf32>
      %swap3A_322 = vector.shape_cast %gather3A_71 : vector<16xf32> to vector<16xf32>
      tpu.vector_store %arg5[%swap3A_319], %swap3A_322 {strides = array<i32>} : memref<32768xf32, #tpu.memory_space<vmem>>, vector<16xf32>,
      %add3A_323 = arith.constant 0 : i32
      %add3A_324 = arith.addi %mul3A_275, %add3A_323 : i32
      %add3A_325 = arith.constant 96 : i32
      %add3A_326 = arith.addi %add3A_324, %add3A_325 : i32
      %swap3A_327 = arith.index_cast %add3A_326 : i32 to index
      %swap3A_328 = tpu.vector_load %arg5[%swap3A_327] {strides = array<i32>} : memref<32768xf32, #tpu.memory_space<vmem>>, vector<16xf32>,
      %swap3A_329 = vector.shape_cast %swap3A_328 : vector<16xf32> to vector<16xf32>
      %swap3A_330 = vector.shape_cast %gather3A_71 : vector<16xf32> to vector<16xf32>
      tpu.vector_store %arg5[%swap3A_327], %swap3A_330 {strides = array<i32>} : memref<32768xf32, #tpu.memory_space<vmem>>, vector<16xf32>,
      %add3A_331 = arith.constant 0 : i32
      %add3A_332 = arith.addi %mul3A_275, %add3A_331 : i32
      %add3A_333 = arith.constant 112 : i32
      %add3A_334 = arith.addi %add3A_332, %add3A_333 : i32
      %swap3A_335 = arith.index_cast %add3A_334 : i32 to index
      %swap3A_336 = tpu.vector_load %arg5[%swap3A_335] {strides = array<i32>} : memref<32768xf32, #tpu.memory_space<vmem>>, vector<16xf32>,
      %swap3A_337 = vector.shape_cast %swap3A_336 : vector<16xf32> to vector<16xf32>
      %swap3A_338 = vector.shape_cast %gather3A_71 : vector<16xf32> to vector<16xf32>
      tpu.vector_store %arg5[%swap3A_335], %swap3A_338 {strides = array<i32>} : memref<32768xf32, #tpu.memory_space<vmem>>, vector<16xf32>,
      %add3A_339 = arith.constant 128 : i32
      %add3A_340 = arith.addi %mul3A_275, %add3A_339 : i32
      %add3A_341 = arith.constant 0 : i32
      %add3A_342 = arith.addi %add3A_340, %add3A_341 : i32
      %swap3A_343 = arith.index_cast %add3A_342 : i32 to index
      %swap3A_344 = tpu.vector_load %arg5[%swap3A_343] {strides = array<i32>} : memref<32768xf32, #tpu.memory_space<vmem>>, vector<16xf32>,
      %swap3A_345 = vector.shape_cast %swap3A_344 : vector<16xf32> to vector<16xf32>
      %swap3A_346 = vector.shape_cast %gather3A_76 : vector<16xf32> to vector<16xf32>
      tpu.vector_store %arg5[%swap3A_343], %swap3A_346 {strides = array<i32>} : memref<32768xf32, #tpu.memory_space<vmem>>, vector<16xf32>,
      %add3A_347 = arith.constant 128 : i32
      %add3A_348 = arith.addi %mul3A_275, %add3A_347 : i32
      %add3A_349 = arith.constant 16 : i32
      %add3A_350 = arith.addi %add3A_348, %add3A_349 : i32
      %swap3A_351 = arith.index_cast %add3A_350 : i32 to index
      %swap3A_352 = tpu.vector_load %arg5[%swap3A_351] {strides = array<i32>} : memref<32768xf32, #tpu.memory_space<vmem>>, vector<16xf32>,
      %swap3A_353 = vector.shape_cast %swap3A_352 : vector<16xf32> to vector<16xf32>
      %swap3A_354 = vector.shape_cast %gather3A_76 : vector<16xf32> to vector<16xf32>
      tpu.vector_store %arg5[%swap3A_351], %swap3A_354 {strides = array<i32>} : memref<32768xf32, #tpu.memory_space<vmem>>, vector<16xf32>,
      %add3A_355 = arith.constant 128 : i32
      %add3A_356 = arith.addi %mul3A_275, %add3A_355 : i32
      %add3A_357 = arith.constant 32 : i32
      %add3A_358 = arith.addi %add3A_356, %add3A_357 : i32
      %swap3A_359 = arith.index_cast %add3A_358 : i32 to index
      %swap3A_360 = tpu.vector_load %arg5[%swap3A_359] {strides = array<i32>} : memref<32768xf32, #tpu.memory_space<vmem>>, vector<16xf32>,
      %swap3A_361 = vector.shape_cast %swap3A_360 : vector<16xf32> to vector<16xf32>
      %swap3A_362 = vector.shape_cast %gather3A_76 : vector<16xf32> to vector<16xf32>
      tpu.vector_store %arg5[%swap3A_359], %swap3A_362 {strides = array<i32>} : memref<32768xf32, #tpu.memory_space<vmem>>, vector<16xf32>,
      %add3A_363 = arith.constant 128 : i32
      %add3A_364 = arith.addi %mul3A_275, %add3A_363 : i32
      %add3A_365 = arith.constant 48 : i32
      %add3A_366 = arith.addi %add3A_364, %add3A_365 : i32
      %swap3A_367 = arith.index_cast %add3A_366 : i32 to index
      %swap3A_368 = tpu.vector_load %arg5[%swap3A_367] {strides = array<i32>} : memref<32768xf32, #tpu.memory_space<vmem>>, vector<16xf32>,
      %swap3A_369 = vector.shape_cast %swap3A_368 : vector<16xf32> to vector<16xf32>
      %swap3A_370 = vector.shape_cast %gather3A_76 : vector<16xf32> to vector<16xf32>
      tpu.vector_store %arg5[%swap3A_367], %swap3A_370 {strides = array<i32>} : memref<32768xf32, #tpu.memory_space<vmem>>, vector<16xf32>,
      %add3A_371 = arith.constant 128 : i32
      %add3A_372 = arith.addi %mul3A_275, %add3A_371 : i32
      %add3A_373 = arith.constant 64 : i32
      %add3A_374 = arith.addi %add3A_372, %add3A_373 : i32
      %swap3A_375 = arith.index_cast %add3A_374 : i32 to index
      %swap3A_376 = tpu.vector_load %arg5[%swap3A_375] {strides = array<i32>} : memref<32768xf32, #tpu.memory_space<vmem>>, vector<16xf32>,
      %swap3A_377 = vector.shape_cast %swap3A_376 : vector<16xf32> to vector<16xf32>
      %swap3A_378 = vector.shape_cast %gather3A_76 : vector<16xf32> to vector<16xf32>
      tpu.vector_store %arg5[%swap3A_375], %swap3A_378 {strides = array<i32>} : memref<32768xf32, #tpu.memory_space<vmem>>, vector<16xf32>,
      %add3A_379 = arith.constant 128 : i32
      %add3A_380 = arith.addi %mul3A_275, %add3A_379 : i32
      %add3A_381 = arith.constant 80 : i32
      %add3A_382 = arith.addi %add3A_380, %add3A_381 : i32
      %swap3A_383 = arith.index_cast %add3A_382 : i32 to index
      %swap3A_384 = tpu.vector_load %arg5[%swap3A_383] {strides = array<i32>} : memref<32768xf32, #tpu.memory_space<vmem>>, vector<16xf32>,
      %swap3A_385 = vector.shape_cast %swap3A_384 : vector<16xf32> to vector<16xf32>
      %swap3A_386 = vector.shape_cast %gather3A_76 : vector<16xf32> to vector<16xf32>
      tpu.vector_store %arg5[%swap3A_383], %swap3A_386 {strides = array<i32>} : memref<32768xf32, #tpu.memory_space<vmem>>, vector<16xf32>,
      %add3A_387 = arith.constant 128 : i32
      %add3A_388 = arith.addi %mul3A_275, %add3A_387 : i32
      %add3A_389 = arith.constant 96 : i32
      %add3A_390 = arith.addi %add3A_388, %add3A_389 : i32
      %swap3A_391 = arith.index_cast %add3A_390 : i32 to index
      %swap3A_392 = tpu.vector_load %arg5[%swap3A_391] {strides = array<i32>} : memref<32768xf32, #tpu.memory_space<vmem>>, vector<16xf32>,
      %swap3A_393 = vector.shape_cast %swap3A_392 : vector<16xf32> to vector<16xf32>
      %swap3A_394 = vector.shape_cast %gather3A_76 : vector<16xf32> to vector<16xf32>
      tpu.vector_store %arg5[%swap3A_391], %swap3A_394 {strides = array<i32>} : memref<32768xf32, #tpu.memory_space<vmem>>, vector<16xf32>,
      %add3A_395 = arith.constant 128 : i32
      %add3A_396 = arith.addi %mul3A_275, %add3A_395 : i32
      %add3A_397 = arith.constant 112 : i32
      %add3A_398 = arith.addi %add3A_396, %add3A_397 : i32
      %swap3A_399 = arith.index_cast %add3A_398 : i32 to index
      %swap3A_400 = tpu.vector_load %arg5[%swap3A_399] {strides = array<i32>} : memref<32768xf32, #tpu.memory_space<vmem>>, vector<16xf32>,
      %swap3A_401 = vector.shape_cast %swap3A_400 : vector<16xf32> to vector<16xf32>
      %swap3A_402 = vector.shape_cast %gather3A_76 : vector<16xf32> to vector<16xf32>
      tpu.vector_store %arg5[%swap3A_399], %swap3A_402 {strides = array<i32>} : memref<32768xf32, #tpu.memory_space<vmem>>, vector<16xf32>,
      %add3A_403 = arith.constant 256 : i32
      %add3A_404 = arith.addi %mul3A_275, %add3A_403 : i32
      %add3A_405 = arith.constant 0 : i32
      %add3A_406 = arith.addi %add3A_404, %add3A_405 : i32
      %swap3A_407 = arith.index_cast %add3A_406 : i32 to index
      %swap3A_408 = tpu.vector_load %arg5[%swap3A_407] {strides = array<i32>} : memref<32768xf32, #tpu.memory_space<vmem>>, vector<16xf32>,
      %swap3A_409 = vector.shape_cast %swap3A_408 : vector<16xf32> to vector<16xf32>
      %swap3A_410 = vector.shape_cast %gather3A_81 : vector<16xf32> to vector<16xf32>
      tpu.vector_store %arg5[%swap3A_407], %swap3A_410 {strides = array<i32>} : memref<32768xf32, #tpu.memory_space<vmem>>, vector<16xf32>,
      %add3A_411 = arith.constant 256 : i32
      %add3A_412 = arith.addi %mul3A_275, %add3A_411 : i32
      %add3A_413 = arith.constant 16 : i32
      %add3A_414 = arith.addi %add3A_412, %add3A_413 : i32
      %swap3A_415 = arith.index_cast %add3A_414 : i32 to index
      %swap3A_416 = tpu.vector_load %arg5[%swap3A_415] {strides = array<i32>} : memref<32768xf32, #tpu.memory_space<vmem>>, vector<16xf32>,
      %swap3A_417 = vector.shape_cast %swap3A_416 : vector<16xf32> to vector<16xf32>
      %swap3A_418 = vector.shape_cast %gather3A_81 : vector<16xf32> to vector<16xf32>
      tpu.vector_store %arg5[%swap3A_415], %swap3A_418 {strides = array<i32>} : memref<32768xf32, #tpu.memory_space<vmem>>, vector<16xf32>,
      %add3A_419 = arith.constant 256 : i32
      %add3A_420 = arith.addi %mul3A_275, %add3A_419 : i32
      %add3A_421 = arith.constant 32 : i32
      %add3A_422 = arith.addi %add3A_420, %add3A_421 : i32
      %swap3A_423 = arith.index_cast %add3A_422 : i32 to index
      %swap3A_424 = tpu.vector_load %arg5[%swap3A_423] {strides = array<i32>} : memref<32768xf32, #tpu.memory_space<vmem>>, vector<16xf32>,
      %swap3A_425 = vector.shape_cast %swap3A_424 : vector<16xf32> to vector<16xf32>
      %swap3A_426 = vector.shape_cast %gather3A_81 : vector<16xf32> to vector<16xf32>
      tpu.vector_store %arg5[%swap3A_423], %swap3A_426 {strides = array<i32>} : memref<32768xf32, #tpu.memory_space<vmem>>, vector<16xf32>,
      %add3A_427 = arith.constant 256 : i32
      %add3A_428 = arith.addi %mul3A_275, %add3A_427 : i32
      %add3A_429 = arith.constant 48 : i32
      %add3A_430 = arith.addi %add3A_428, %add3A_429 : i32
      %swap3A_431 = arith.index_cast %add3A_430 : i32 to index
      %swap3A_432 = tpu.vector_load %arg5[%swap3A_431] {strides = array<i32>} : memref<32768xf32, #tpu.memory_space<vmem>>, vector<16xf32>,
      %swap3A_433 = vector.shape_cast %swap3A_432 : vector<16xf32> to vector<16xf32>
      %swap3A_434 = vector.shape_cast %gather3A_81 : vector<16xf32> to vector<16xf32>
      tpu.vector_store %arg5[%swap3A_431], %swap3A_434 {strides = array<i32>} : memref<32768xf32, #tpu.memory_space<vmem>>, vector<16xf32>,
      %add3A_435 = arith.constant 256 : i32
      %add3A_436 = arith.addi %mul3A_275, %add3A_435 : i32
      %add3A_437 = arith.constant 64 : i32
      %add3A_438 = arith.addi %add3A_436, %add3A_437 : i32
      %swap3A_439 = arith.index_cast %add3A_438 : i32 to index
      %swap3A_440 = tpu.vector_load %arg5[%swap3A_439] {strides = array<i32>} : memref<32768xf32, #tpu.memory_space<vmem>>, vector<16xf32>,
      %swap3A_441 = vector.shape_cast %swap3A_440 : vector<16xf32> to vector<16xf32>
      %swap3A_442 = vector.shape_cast %gather3A_81 : vector<16xf32> to vector<16xf32>
      tpu.vector_store %arg5[%swap3A_439], %swap3A_442 {strides = array<i32>} : memref<32768xf32, #tpu.memory_space<vmem>>, vector<16xf32>,
      %add3A_443 = arith.constant 256 : i32
      %add3A_444 = arith.addi %mul3A_275, %add3A_443 : i32
      %add3A_445 = arith.constant 80 : i32
      %add3A_446 = arith.addi %add3A_444, %add3A_445 : i32
      %swap3A_447 = arith.index_cast %add3A_446 : i32 to index
      %swap3A_448 = tpu.vector_load %arg5[%swap3A_447] {strides = array<i32>} : memref<32768xf32, #tpu.memory_space<vmem>>, vector<16xf32>,
      %swap3A_449 = vector.shape_cast %swap3A_448 : vector<16xf32> to vector<16xf32>
      %swap3A_450 = vector.shape_cast %gather3A_81 : vector<16xf32> to vector<16xf32>
      tpu.vector_store %arg5[%swap3A_447], %swap3A_450 {strides = array<i32>} : memref<32768xf32, #tpu.memory_space<vmem>>, vector<16xf32>,
      %add3A_451 = arith.constant 256 : i32
      %add3A_452 = arith.addi %mul3A_275, %add3A_451 : i32
      %add3A_453 = arith.constant 96 : i32
      %add3A_454 = arith.addi %add3A_452, %add3A_453 : i32
      %swap3A_455 = arith.index_cast %add3A_454 : i32 to index
      %swap3A_456 = tpu.vector_load %arg5[%swap3A_455] {strides = array<i32>} : memref<32768xf32, #tpu.memory_space<vmem>>, vector<16xf32>,
      %swap3A_457 = vector.shape_cast %swap3A_456 : vector<16xf32> to vector<16xf32>
      %swap3A_458 = vector.shape_cast %gather3A_81 : vector<16xf32> to vector<16xf32>
      tpu.vector_store %arg5[%swap3A_455], %swap3A_458 {strides = array<i32>} : memref<32768xf32, #tpu.memory_space<vmem>>, vector<16xf32>,
      %add3A_459 = arith.constant 256 : i32
      %add3A_460 = arith.addi %mul3A_275, %add3A_459 : i32
      %add3A_461 = arith.constant 112 : i32
      %add3A_462 = arith.addi %add3A_460, %add3A_461 : i32
      %swap3A_463 = arith.index_cast %add3A_462 : i32 to index
      %swap3A_464 = tpu.vector_load %arg5[%swap3A_463] {strides = array<i32>} : memref<32768xf32, #tpu.memory_space<vmem>>, vector<16xf32>,
      %swap3A_465 = vector.shape_cast %swap3A_464 : vector<16xf32> to vector<16xf32>
      %swap3A_466 = vector.shape_cast %gather3A_81 : vector<16xf32> to vector<16xf32>
      tpu.vector_store %arg5[%swap3A_463], %swap3A_466 {strides = array<i32>} : memref<32768xf32, #tpu.memory_space<vmem>>, vector<16xf32>,
      %add3A_467 = arith.constant 384 : i32
      %add3A_468 = arith.addi %mul3A_275, %add3A_467 : i32
      %add3A_469 = arith.constant 0 : i32
      %add3A_470 = arith.addi %add3A_468, %add3A_469 : i32
      %swap3A_471 = arith.index_cast %add3A_470 : i32 to index
      %swap3A_472 = tpu.vector_load %arg5[%swap3A_471] {strides = array<i32>} : memref<32768xf32, #tpu.memory_space<vmem>>, vector<16xf32>,
      %swap3A_473 = vector.shape_cast %swap3A_472 : vector<16xf32> to vector<16xf32>
      %swap3A_474 = vector.shape_cast %gather3A_86 : vector<16xf32> to vector<16xf32>
      tpu.vector_store %arg5[%swap3A_471], %swap3A_474 {strides = array<i32>} : memref<32768xf32, #tpu.memory_space<vmem>>, vector<16xf32>,
      %add3A_475 = arith.constant 384 : i32
      %add3A_476 = arith.addi %mul3A_275, %add3A_475 : i32
      %add3A_477 = arith.constant 16 : i32
      %add3A_478 = arith.addi %add3A_476, %add3A_477 : i32
      %swap3A_479 = arith.index_cast %add3A_478 : i32 to index
      %swap3A_480 = tpu.vector_load %arg5[%swap3A_479] {strides = array<i32>} : memref<32768xf32, #tpu.memory_space<vmem>>, vector<16xf32>,
      %swap3A_481 = vector.shape_cast %swap3A_480 : vector<16xf32> to vector<16xf32>
      %swap3A_482 = vector.shape_cast %gather3A_86 : vector<16xf32> to vector<16xf32>
      tpu.vector_store %arg5[%swap3A_479], %swap3A_482 {strides = array<i32>} : memref<32768xf32, #tpu.memory_space<vmem>>, vector<16xf32>,
      %add3A_483 = arith.constant 384 : i32
      %add3A_484 = arith.addi %mul3A_275, %add3A_483 : i32
      %add3A_485 = arith.constant 32 : i32
      %add3A_486 = arith.addi %add3A_484, %add3A_485 : i32
      %swap3A_487 = arith.index_cast %add3A_486 : i32 to index
      %swap3A_488 = tpu.vector_load %arg5[%swap3A_487] {strides = array<i32>} : memref<32768xf32, #tpu.memory_space<vmem>>, vector<16xf32>,
      %swap3A_489 = vector.shape_cast %swap3A_488 : vector<16xf32> to vector<16xf32>
      %swap3A_490 = vector.shape_cast %gather3A_86 : vector<16xf32> to vector<16xf32>
      tpu.vector_store %arg5[%swap3A_487], %swap3A_490 {strides = array<i32>} : memref<32768xf32, #tpu.memory_space<vmem>>, vector<16xf32>,
      %add3A_491 = arith.constant 384 : i32
      %add3A_492 = arith.addi %mul3A_275, %add3A_491 : i32
      %add3A_493 = arith.constant 48 : i32
      %add3A_494 = arith.addi %add3A_492, %add3A_493 : i32
      %swap3A_495 = arith.index_cast %add3A_494 : i32 to index
      %swap3A_496 = tpu.vector_load %arg5[%swap3A_495] {strides = array<i32>} : memref<32768xf32, #tpu.memory_space<vmem>>, vector<16xf32>,
      %swap3A_497 = vector.shape_cast %swap3A_496 : vector<16xf32> to vector<16xf32>
      %swap3A_498 = vector.shape_cast %gather3A_86 : vector<16xf32> to vector<16xf32>
      tpu.vector_store %arg5[%swap3A_495], %swap3A_498 {strides = array<i32>} : memref<32768xf32, #tpu.memory_space<vmem>>, vector<16xf32>,
      %add3A_499 = arith.constant 384 : i32
      %add3A_500 = arith.addi %mul3A_275, %add3A_499 : i32
      %add3A_501 = arith.constant 64 : i32
      %add3A_502 = arith.addi %add3A_500, %add3A_501 : i32
      %swap3A_503 = arith.index_cast %add3A_502 : i32 to index
      %swap3A_504 = tpu.vector_load %arg5[%swap3A_503] {strides = array<i32>} : memref<32768xf32, #tpu.memory_space<vmem>>, vector<16xf32>,
      %swap3A_505 = vector.shape_cast %swap3A_504 : vector<16xf32> to vector<16xf32>
      %swap3A_506 = vector.shape_cast %gather3A_86 : vector<16xf32> to vector<16xf32>
      tpu.vector_store %arg5[%swap3A_503], %swap3A_506 {strides = array<i32>} : memref<32768xf32, #tpu.memory_space<vmem>>, vector<16xf32>,
      %add3A_507 = arith.constant 384 : i32
      %add3A_508 = arith.addi %mul3A_275, %add3A_507 : i32
      %add3A_509 = arith.constant 80 : i32
      %add3A_510 = arith.addi %add3A_508, %add3A_509 : i32
      %swap3A_511 = arith.index_cast %add3A_510 : i32 to index
      %swap3A_512 = tpu.vector_load %arg5[%swap3A_511] {strides = array<i32>} : memref<32768xf32, #tpu.memory_space<vmem>>, vector<16xf32>,
      %swap3A_513 = vector.shape_cast %swap3A_512 : vector<16xf32> to vector<16xf32>
      %swap3A_514 = vector.shape_cast %gather3A_86 : vector<16xf32> to vector<16xf32>
      tpu.vector_store %arg5[%swap3A_511], %swap3A_514 {strides = array<i32>} : memref<32768xf32, #tpu.memory_space<vmem>>, vector<16xf32>,
      %add3A_515 = arith.constant 384 : i32
      %add3A_516 = arith.addi %mul3A_275, %add3A_515 : i32
      %add3A_517 = arith.constant 96 : i32
      %add3A_518 = arith.addi %add3A_516, %add3A_517 : i32
      %swap3A_519 = arith.index_cast %add3A_518 : i32 to index
      %swap3A_520 = tpu.vector_load %arg5[%swap3A_519] {strides = array<i32>} : memref<32768xf32, #tpu.memory_space<vmem>>, vector<16xf32>,
      %swap3A_521 = vector.shape_cast %swap3A_520 : vector<16xf32> to vector<16xf32>
      %swap3A_522 = vector.shape_cast %gather3A_86 : vector<16xf32> to vector<16xf32>
      tpu.vector_store %arg5[%swap3A_519], %swap3A_522 {strides = array<i32>} : memref<32768xf32, #tpu.memory_space<vmem>>, vector<16xf32>,
      %add3A_523 = arith.constant 384 : i32
      %add3A_524 = arith.addi %mul3A_275, %add3A_523 : i32
      %add3A_525 = arith.constant 112 : i32
      %add3A_526 = arith.addi %add3A_524, %add3A_525 : i32
      %swap3A_527 = arith.index_cast %add3A_526 : i32 to index
      %swap3A_528 = tpu.vector_load %arg5[%swap3A_527] {strides = array<i32>} : memref<32768xf32, #tpu.memory_space<vmem>>, vector<16xf32>,
      %swap3A_529 = vector.shape_cast %swap3A_528 : vector<16xf32> to vector<16xf32>
      %swap3A_530 = vector.shape_cast %gather3A_86 : vector<16xf32> to vector<16xf32>
      tpu.vector_store %arg5[%swap3A_527], %swap3A_530 {strides = array<i32>} : memref<32768xf32, #tpu.memory_space<vmem>>, vector<16xf32>,
      %add3A_531 = arith.constant 512 : i32
      %add3A_532 = arith.addi %mul3A_275, %add3A_531 : i32
      %add3A_533 = arith.constant 0 : i32
      %add3A_534 = arith.addi %add3A_532, %add3A_533 : i32
      %swap3A_535 = arith.index_cast %add3A_534 : i32 to index
      %swap3A_536 = tpu.vector_load %arg5[%swap3A_535] {strides = array<i32>} : memref<32768xf32, #tpu.memory_space<vmem>>, vector<16xf32>,
      %swap3A_537 = vector.shape_cast %swap3A_536 : vector<16xf32> to vector<16xf32>
      %swap3A_538 = vector.shape_cast %gather3A_91 : vector<16xf32> to vector<16xf32>
      tpu.vector_store %arg5[%swap3A_535], %swap3A_538 {strides = array<i32>} : memref<32768xf32, #tpu.memory_space<vmem>>, vector<16xf32>,
      %add3A_539 = arith.constant 512 : i32
      %add3A_540 = arith.addi %mul3A_275, %add3A_539 : i32
      %add3A_541 = arith.constant 16 : i32
      %add3A_542 = arith.addi %add3A_540, %add3A_541 : i32
      %swap3A_543 = arith.index_cast %add3A_542 : i32 to index
      %swap3A_544 = tpu.vector_load %arg5[%swap3A_543] {strides = array<i32>} : memref<32768xf32, #tpu.memory_space<vmem>>, vector<16xf32>,
      %swap3A_545 = vector.shape_cast %swap3A_544 : vector<16xf32> to vector<16xf32>
      %swap3A_546 = vector.shape_cast %gather3A_91 : vector<16xf32> to vector<16xf32>
      tpu.vector_store %arg5[%swap3A_543], %swap3A_546 {strides = array<i32>} : memref<32768xf32, #tpu.memory_space<vmem>>, vector<16xf32>,
      %add3A_547 = arith.constant 512 : i32
      %add3A_548 = arith.addi %mul3A_275, %add3A_547 : i32
      %add3A_549 = arith.constant 32 : i32
      %add3A_550 = arith.addi %add3A_548, %add3A_549 : i32
      %swap3A_551 = arith.index_cast %add3A_550 : i32 to index
      %swap3A_552 = tpu.vector_load %arg5[%swap3A_551] {strides = array<i32>} : memref<32768xf32, #tpu.memory_space<vmem>>, vector<16xf32>,
      %swap3A_553 = vector.shape_cast %swap3A_552 : vector<16xf32> to vector<16xf32>
      %swap3A_554 = vector.shape_cast %gather3A_91 : vector<16xf32> to vector<16xf32>
      tpu.vector_store %arg5[%swap3A_551], %swap3A_554 {strides = array<i32>} : memref<32768xf32, #tpu.memory_space<vmem>>, vector<16xf32>,
      %add3A_555 = arith.constant 512 : i32
      %add3A_556 = arith.addi %mul3A_275, %add3A_555 : i32
      %add3A_557 = arith.constant 48 : i32
      %add3A_558 = arith.addi %add3A_556, %add3A_557 : i32
      %swap3A_559 = arith.index_cast %add3A_558 : i32 to index
      %swap3A_560 = tpu.vector_load %arg5[%swap3A_559] {strides = array<i32>} : memref<32768xf32, #tpu.memory_space<vmem>>, vector<16xf32>,
      %swap3A_561 = vector.shape_cast %swap3A_560 : vector<16xf32> to vector<16xf32>
      %swap3A_562 = vector.shape_cast %gather3A_91 : vector<16xf32> to vector<16xf32>
      tpu.vector_store %arg5[%swap3A_559], %swap3A_562 {strides = array<i32>} : memref<32768xf32, #tpu.memory_space<vmem>>, vector<16xf32>,
      %add3A_563 = arith.constant 512 : i32
      %add3A_564 = arith.addi %mul3A_275, %add3A_563 : i32
      %add3A_565 = arith.constant 64 : i32
      %add3A_566 = arith.addi %add3A_564, %add3A_565 : i32
      %swap3A_567 = arith.index_cast %add3A_566 : i32 to index
      %swap3A_568 = tpu.vector_load %arg5[%swap3A_567] {strides = array<i32>} : memref<32768xf32, #tpu.memory_space<vmem>>, vector<16xf32>,
      %swap3A_569 = vector.shape_cast %swap3A_568 : vector<16xf32> to vector<16xf32>
      %swap3A_570 = vector.shape_cast %gather3A_91 : vector<16xf32> to vector<16xf32>
      tpu.vector_store %arg5[%swap3A_567], %swap3A_570 {strides = array<i32>} : memref<32768xf32, #tpu.memory_space<vmem>>, vector<16xf32>,
      %add3A_571 = arith.constant 512 : i32
      %add3A_572 = arith.addi %mul3A_275, %add3A_571 : i32
      %add3A_573 = arith.constant 80 : i32
      %add3A_574 = arith.addi %add3A_572, %add3A_573 : i32
      %swap3A_575 = arith.index_cast %add3A_574 : i32 to index
      %swap3A_576 = tpu.vector_load %arg5[%swap3A_575] {strides = array<i32>} : memref<32768xf32, #tpu.memory_space<vmem>>, vector<16xf32>,
      %swap3A_577 = vector.shape_cast %swap3A_576 : vector<16xf32> to vector<16xf32>
      %swap3A_578 = vector.shape_cast %gather3A_91 : vector<16xf32> to vector<16xf32>
      tpu.vector_store %arg5[%swap3A_575], %swap3A_578 {strides = array<i32>} : memref<32768xf32, #tpu.memory_space<vmem>>, vector<16xf32>,
      %add3A_579 = arith.constant 512 : i32
      %add3A_580 = arith.addi %mul3A_275, %add3A_579 : i32
      %add3A_581 = arith.constant 96 : i32
      %add3A_582 = arith.addi %add3A_580, %add3A_581 : i32
      %swap3A_583 = arith.index_cast %add3A_582 : i32 to index
      %swap3A_584 = tpu.vector_load %arg5[%swap3A_583] {strides = array<i32>} : memref<32768xf32, #tpu.memory_space<vmem>>, vector<16xf32>,
      %swap3A_585 = vector.shape_cast %swap3A_584 : vector<16xf32> to vector<16xf32>
      %swap3A_586 = vector.shape_cast %gather3A_91 : vector<16xf32> to vector<16xf32>
      tpu.vector_store %arg5[%swap3A_583], %swap3A_586 {strides = array<i32>} : memref<32768xf32, #tpu.memory_space<vmem>>, vector<16xf32>,
      %add3A_587 = arith.constant 512 : i32
      %add3A_588 = arith.addi %mul3A_275, %add3A_587 : i32
      %add3A_589 = arith.constant 112 : i32
      %add3A_590 = arith.addi %add3A_588, %add3A_589 : i32
      %swap3A_591 = arith.index_cast %add3A_590 : i32 to index
      %swap3A_592 = tpu.vector_load %arg5[%swap3A_591] {strides = array<i32>} : memref<32768xf32, #tpu.memory_space<vmem>>, vector<16xf32>,
      %swap3A_593 = vector.shape_cast %swap3A_592 : vector<16xf32> to vector<16xf32>
      %swap3A_594 = vector.shape_cast %gather3A_91 : vector<16xf32> to vector<16xf32>
      tpu.vector_store %arg5[%swap3A_591], %swap3A_594 {strides = array<i32>} : memref<32768xf32, #tpu.memory_space<vmem>>, vector<16xf32>,
      %add3A_595 = arith.constant 640 : i32
      %add3A_596 = arith.addi %mul3A_275, %add3A_595 : i32
      %add3A_597 = arith.constant 0 : i32
      %add3A_598 = arith.addi %add3A_596, %add3A_597 : i32
      %swap3A_599 = arith.index_cast %add3A_598 : i32 to index
      %swap3A_600 = tpu.vector_load %arg5[%swap3A_599] {strides = array<i32>} : memref<32768xf32, #tpu.memory_space<vmem>>, vector<16xf32>,
      %swap3A_601 = vector.shape_cast %swap3A_600 : vector<16xf32> to vector<16xf32>
      %swap3A_602 = vector.shape_cast %gather3A_96 : vector<16xf32> to vector<16xf32>
      tpu.vector_store %arg5[%swap3A_599], %swap3A_602 {strides = array<i32>} : memref<32768xf32, #tpu.memory_space<vmem>>, vector<16xf32>,
      %add3A_603 = arith.constant 640 : i32
      %add3A_604 = arith.addi %mul3A_275, %add3A_603 : i32
      %add3A_605 = arith.constant 16 : i32
      %add3A_606 = arith.addi %add3A_604, %add3A_605 : i32
      %swap3A_607 = arith.index_cast %add3A_606 : i32 to index
      %swap3A_608 = tpu.vector_load %arg5[%swap3A_607] {strides = array<i32>} : memref<32768xf32, #tpu.memory_space<vmem>>, vector<16xf32>,
      %swap3A_609 = vector.shape_cast %swap3A_608 : vector<16xf32> to vector<16xf32>
      %swap3A_610 = vector.shape_cast %gather3A_96 : vector<16xf32> to vector<16xf32>
      tpu.vector_store %arg5[%swap3A_607], %swap3A_610 {strides = array<i32>} : memref<32768xf32, #tpu.memory_space<vmem>>, vector<16xf32>,
      %add3A_611 = arith.constant 640 : i32
      %add3A_612 = arith.addi %mul3A_275, %add3A_611 : i32
      %add3A_613 = arith.constant 32 : i32
      %add3A_614 = arith.addi %add3A_612, %add3A_613 : i32
      %swap3A_615 = arith.index_cast %add3A_614 : i32 to index
      %swap3A_616 = tpu.vector_load %arg5[%swap3A_615] {strides = array<i32>} : memref<32768xf32, #tpu.memory_space<vmem>>, vector<16xf32>,
      %swap3A_617 = vector.shape_cast %swap3A_616 : vector<16xf32> to vector<16xf32>
      %swap3A_618 = vector.shape_cast %gather3A_96 : vector<16xf32> to vector<16xf32>
      tpu.vector_store %arg5[%swap3A_615], %swap3A_618 {strides = array<i32>} : memref<32768xf32, #tpu.memory_space<vmem>>, vector<16xf32>,
      %add3A_619 = arith.constant 640 : i32
      %add3A_620 = arith.addi %mul3A_275, %add3A_619 : i32
      %add3A_621 = arith.constant 48 : i32
      %add3A_622 = arith.addi %add3A_620, %add3A_621 : i32
      %swap3A_623 = arith.index_cast %add3A_622 : i32 to index
      %swap3A_624 = tpu.vector_load %arg5[%swap3A_623] {strides = array<i32>} : memref<32768xf32, #tpu.memory_space<vmem>>, vector<16xf32>,
      %swap3A_625 = vector.shape_cast %swap3A_624 : vector<16xf32> to vector<16xf32>
      %swap3A_626 = vector.shape_cast %gather3A_96 : vector<16xf32> to vector<16xf32>
      tpu.vector_store %arg5[%swap3A_623], %swap3A_626 {strides = array<i32>} : memref<32768xf32, #tpu.memory_space<vmem>>, vector<16xf32>,
      %add3A_627 = arith.constant 640 : i32
      %add3A_628 = arith.addi %mul3A_275, %add3A_627 : i32
      %add3A_629 = arith.constant 64 : i32
      %add3A_630 = arith.addi %add3A_628, %add3A_629 : i32
      %swap3A_631 = arith.index_cast %add3A_630 : i32 to index
      %swap3A_632 = tpu.vector_load %arg5[%swap3A_631] {strides = array<i32>} : memref<32768xf32, #tpu.memory_space<vmem>>, vector<16xf32>,
      %swap3A_633 = vector.shape_cast %swap3A_632 : vector<16xf32> to vector<16xf32>
      %swap3A_634 = vector.shape_cast %gather3A_96 : vector<16xf32> to vector<16xf32>
      tpu.vector_store %arg5[%swap3A_631], %swap3A_634 {strides = array<i32>} : memref<32768xf32, #tpu.memory_space<vmem>>, vector<16xf32>,
      %add3A_635 = arith.constant 640 : i32
      %add3A_636 = arith.addi %mul3A_275, %add3A_635 : i32
      %add3A_637 = arith.constant 80 : i32
      %add3A_638 = arith.addi %add3A_636, %add3A_637 : i32
      %swap3A_639 = arith.index_cast %add3A_638 : i32 to index
      %swap3A_640 = tpu.vector_load %arg5[%swap3A_639] {strides = array<i32>} : memref<32768xf32, #tpu.memory_space<vmem>>, vector<16xf32>,
      %swap3A_641 = vector.shape_cast %swap3A_640 : vector<16xf32> to vector<16xf32>
      %swap3A_642 = vector.shape_cast %gather3A_96 : vector<16xf32> to vector<16xf32>
      tpu.vector_store %arg5[%swap3A_639], %swap3A_642 {strides = array<i32>} : memref<32768xf32, #tpu.memory_space<vmem>>, vector<16xf32>,
      %add3A_643 = arith.constant 640 : i32
      %add3A_644 = arith.addi %mul3A_275, %add3A_643 : i32
      %add3A_645 = arith.constant 96 : i32
      %add3A_646 = arith.addi %add3A_644, %add3A_645 : i32
      %swap3A_647 = arith.index_cast %add3A_646 : i32 to index
      %swap3A_648 = tpu.vector_load %arg5[%swap3A_647] {strides = array<i32>} : memref<32768xf32, #tpu.memory_space<vmem>>, vector<16xf32>,
      %swap3A_649 = vector.shape_cast %swap3A_648 : vector<16xf32> to vector<16xf32>
      %swap3A_650 = vector.shape_cast %gather3A_96 : vector<16xf32> to vector<16xf32>
      tpu.vector_store %arg5[%swap3A_647], %swap3A_650 {strides = array<i32>} : memref<32768xf32, #tpu.memory_space<vmem>>, vector<16xf32>,
      %add3A_651 = arith.constant 640 : i32
      %add3A_652 = arith.addi %mul3A_275, %add3A_651 : i32
      %add3A_653 = arith.constant 112 : i32
      %add3A_654 = arith.addi %add3A_652, %add3A_653 : i32
      %swap3A_655 = arith.index_cast %add3A_654 : i32 to index
      %swap3A_656 = tpu.vector_load %arg5[%swap3A_655] {strides = array<i32>} : memref<32768xf32, #tpu.memory_space<vmem>>, vector<16xf32>,
      %swap3A_657 = vector.shape_cast %swap3A_656 : vector<16xf32> to vector<16xf32>
      %swap3A_658 = vector.shape_cast %gather3A_96 : vector<16xf32> to vector<16xf32>
      tpu.vector_store %arg5[%swap3A_655], %swap3A_658 {strides = array<i32>} : memref<32768xf32, #tpu.memory_space<vmem>>, vector<16xf32>,
      %add3A_659 = arith.constant 768 : i32
      %add3A_660 = arith.addi %mul3A_275, %add3A_659 : i32
      %add3A_661 = arith.constant 0 : i32
      %add3A_662 = arith.addi %add3A_660, %add3A_661 : i32
      %swap3A_663 = arith.index_cast %add3A_662 : i32 to index
      %swap3A_664 = tpu.vector_load %arg5[%swap3A_663] {strides = array<i32>} : memref<32768xf32, #tpu.memory_space<vmem>>, vector<16xf32>,
      %swap3A_665 = vector.shape_cast %swap3A_664 : vector<16xf32> to vector<16xf32>
      %swap3A_666 = vector.shape_cast %gather3A_101 : vector<16xf32> to vector<16xf32>
      tpu.vector_store %arg5[%swap3A_663], %swap3A_666 {strides = array<i32>} : memref<32768xf32, #tpu.memory_space<vmem>>, vector<16xf32>,
      %add3A_667 = arith.constant 768 : i32
      %add3A_668 = arith.addi %mul3A_275, %add3A_667 : i32
      %add3A_669 = arith.constant 16 : i32
      %add3A_670 = arith.addi %add3A_668, %add3A_669 : i32
      %swap3A_671 = arith.index_cast %add3A_670 : i32 to index
      %swap3A_672 = tpu.vector_load %arg5[%swap3A_671] {strides = array<i32>} : memref<32768xf32, #tpu.memory_space<vmem>>, vector<16xf32>,
      %swap3A_673 = vector.shape_cast %swap3A_672 : vector<16xf32> to vector<16xf32>
      %swap3A_674 = vector.shape_cast %gather3A_101 : vector<16xf32> to vector<16xf32>
      tpu.vector_store %arg5[%swap3A_671], %swap3A_674 {strides = array<i32>} : memref<32768xf32, #tpu.memory_space<vmem>>, vector<16xf32>,
      %add3A_675 = arith.constant 768 : i32
      %add3A_676 = arith.addi %mul3A_275, %add3A_675 : i32
      %add3A_677 = arith.constant 32 : i32
      %add3A_678 = arith.addi %add3A_676, %add3A_677 : i32
      %swap3A_679 = arith.index_cast %add3A_678 : i32 to index
      %swap3A_680 = tpu.vector_load %arg5[%swap3A_679] {strides = array<i32>} : memref<32768xf32, #tpu.memory_space<vmem>>, vector<16xf32>,
      %swap3A_681 = vector.shape_cast %swap3A_680 : vector<16xf32> to vector<16xf32>
      %swap3A_682 = vector.shape_cast %gather3A_101 : vector<16xf32> to vector<16xf32>
      tpu.vector_store %arg5[%swap3A_679], %swap3A_682 {strides = array<i32>} : memref<32768xf32, #tpu.memory_space<vmem>>, vector<16xf32>,
      %add3A_683 = arith.constant 768 : i32
      %add3A_684 = arith.addi %mul3A_275, %add3A_683 : i32
      %add3A_685 = arith.constant 48 : i32
      %add3A_686 = arith.addi %add3A_684, %add3A_685 : i32
      %swap3A_687 = arith.index_cast %add3A_686 : i32 to index
      %swap3A_688 = tpu.vector_load %arg5[%swap3A_687] {strides = array<i32>} : memref<32768xf32, #tpu.memory_space<vmem>>, vector<16xf32>,
      %swap3A_689 = vector.shape_cast %swap3A_688 : vector<16xf32> to vector<16xf32>
      %swap3A_690 = vector.shape_cast %gather3A_101 : vector<16xf32> to vector<16xf32>
      tpu.vector_store %arg5[%swap3A_687], %swap3A_690 {strides = array<i32>} : memref<32768xf32, #tpu.memory_space<vmem>>, vector<16xf32>,
      %add3A_691 = arith.constant 768 : i32
      %add3A_692 = arith.addi %mul3A_275, %add3A_691 : i32
      %add3A_693 = arith.constant 64 : i32
      %add3A_694 = arith.addi %add3A_692, %add3A_693 : i32
      %swap3A_695 = arith.index_cast %add3A_694 : i32 to index
      %swap3A_696 = tpu.vector_load %arg5[%swap3A_695] {strides = array<i32>} : memref<32768xf32, #tpu.memory_space<vmem>>, vector<16xf32>,
      %swap3A_697 = vector.shape_cast %swap3A_696 : vector<16xf32> to vector<16xf32>
      %swap3A_698 = vector.shape_cast %gather3A_101 : vector<16xf32> to vector<16xf32>
      tpu.vector_store %arg5[%swap3A_695], %swap3A_698 {strides = array<i32>} : memref<32768xf32, #tpu.memory_space<vmem>>, vector<16xf32>,
      %add3A_699 = arith.constant 768 : i32
      %add3A_700 = arith.addi %mul3A_275, %add3A_699 : i32
      %add3A_701 = arith.constant 80 : i32
      %add3A_702 = arith.addi %add3A_700, %add3A_701 : i32
      %swap3A_703 = arith.index_cast %add3A_702 : i32 to index
      %swap3A_704 = tpu.vector_load %arg5[%swap3A_703] {strides = array<i32>} : memref<32768xf32, #tpu.memory_space<vmem>>, vector<16xf32>,
      %swap3A_705 = vector.shape_cast %swap3A_704 : vector<16xf32> to vector<16xf32>
      %swap3A_706 = vector.shape_cast %gather3A_101 : vector<16xf32> to vector<16xf32>
      tpu.vector_store %arg5[%swap3A_703], %swap3A_706 {strides = array<i32>} : memref<32768xf32, #tpu.memory_space<vmem>>, vector<16xf32>,
      %add3A_707 = arith.constant 768 : i32
      %add3A_708 = arith.addi %mul3A_275, %add3A_707 : i32
      %add3A_709 = arith.constant 96 : i32
      %add3A_710 = arith.addi %add3A_708, %add3A_709 : i32
      %swap3A_711 = arith.index_cast %add3A_710 : i32 to index
      %swap3A_712 = tpu.vector_load %arg5[%swap3A_711] {strides = array<i32>} : memref<32768xf32, #tpu.memory_space<vmem>>, vector<16xf32>,
      %swap3A_713 = vector.shape_cast %swap3A_712 : vector<16xf32> to vector<16xf32>
      %swap3A_714 = vector.shape_cast %gather3A_101 : vector<16xf32> to vector<16xf32>
      tpu.vector_store %arg5[%swap3A_711], %swap3A_714 {strides = array<i32>} : memref<32768xf32, #tpu.memory_space<vmem>>, vector<16xf32>,
      %add3A_715 = arith.constant 768 : i32
      %add3A_716 = arith.addi %mul3A_275, %add3A_715 : i32
      %add3A_717 = arith.constant 112 : i32
      %add3A_718 = arith.addi %add3A_716, %add3A_717 : i32
      %swap3A_719 = arith.index_cast %add3A_718 : i32 to index
      %swap3A_720 = tpu.vector_load %arg5[%swap3A_719] {strides = array<i32>} : memref<32768xf32, #tpu.memory_space<vmem>>, vector<16xf32>,
      %swap3A_721 = vector.shape_cast %swap3A_720 : vector<16xf32> to vector<16xf32>
      %swap3A_722 = vector.shape_cast %gather3A_101 : vector<16xf32> to vector<16xf32>
      tpu.vector_store %arg5[%swap3A_719], %swap3A_722 {strides = array<i32>} : memref<32768xf32, #tpu.memory_space<vmem>>, vector<16xf32>,
      %add3A_723 = arith.constant 896 : i32
      %add3A_724 = arith.addi %mul3A_275, %add3A_723 : i32
      %add3A_725 = arith.constant 0 : i32
      %add3A_726 = arith.addi %add3A_724, %add3A_725 : i32
      %swap3A_727 = arith.index_cast %add3A_726 : i32 to index
      %swap3A_728 = tpu.vector_load %arg5[%swap3A_727] {strides = array<i32>} : memref<32768xf32, #tpu.memory_space<vmem>>, vector<16xf32>,
      %swap3A_729 = vector.shape_cast %swap3A_728 : vector<16xf32> to vector<16xf32>
      %swap3A_730 = vector.shape_cast %gather3A_106 : vector<16xf32> to vector<16xf32>
      tpu.vector_store %arg5[%swap3A_727], %swap3A_730 {strides = array<i32>} : memref<32768xf32, #tpu.memory_space<vmem>>, vector<16xf32>,
      %add3A_731 = arith.constant 896 : i32
      %add3A_732 = arith.addi %mul3A_275, %add3A_731 : i32
      %add3A_733 = arith.constant 16 : i32
      %add3A_734 = arith.addi %add3A_732, %add3A_733 : i32
      %swap3A_735 = arith.index_cast %add3A_734 : i32 to index
      %swap3A_736 = tpu.vector_load %arg5[%swap3A_735] {strides = array<i32>} : memref<32768xf32, #tpu.memory_space<vmem>>, vector<16xf32>,
      %swap3A_737 = vector.shape_cast %swap3A_736 : vector<16xf32> to vector<16xf32>
      %swap3A_738 = vector.shape_cast %gather3A_106 : vector<16xf32> to vector<16xf32>
      tpu.vector_store %arg5[%swap3A_735], %swap3A_738 {strides = array<i32>} : memref<32768xf32, #tpu.memory_space<vmem>>, vector<16xf32>,
      %add3A_739 = arith.constant 896 : i32
      %add3A_740 = arith.addi %mul3A_275, %add3A_739 : i32
      %add3A_741 = arith.constant 32 : i32
      %add3A_742 = arith.addi %add3A_740, %add3A_741 : i32
      %swap3A_743 = arith.index_cast %add3A_742 : i32 to index
      %swap3A_744 = tpu.vector_load %arg5[%swap3A_743] {strides = array<i32>} : memref<32768xf32, #tpu.memory_space<vmem>>, vector<16xf32>,
      %swap3A_745 = vector.shape_cast %swap3A_744 : vector<16xf32> to vector<16xf32>
      %swap3A_746 = vector.shape_cast %gather3A_106 : vector<16xf32> to vector<16xf32>
      tpu.vector_store %arg5[%swap3A_743], %swap3A_746 {strides = array<i32>} : memref<32768xf32, #tpu.memory_space<vmem>>, vector<16xf32>,
      %add3A_747 = arith.constant 896 : i32
      %add3A_748 = arith.addi %mul3A_275, %add3A_747 : i32
      %add3A_749 = arith.constant 48 : i32
      %add3A_750 = arith.addi %add3A_748, %add3A_749 : i32
      %swap3A_751 = arith.index_cast %add3A_750 : i32 to index
      %swap3A_752 = tpu.vector_load %arg5[%swap3A_751] {strides = array<i32>} : memref<32768xf32, #tpu.memory_space<vmem>>, vector<16xf32>,
      %swap3A_753 = vector.shape_cast %swap3A_752 : vector<16xf32> to vector<16xf32>
      %swap3A_754 = vector.shape_cast %gather3A_106 : vector<16xf32> to vector<16xf32>
      tpu.vector_store %arg5[%swap3A_751], %swap3A_754 {strides = array<i32>} : memref<32768xf32, #tpu.memory_space<vmem>>, vector<16xf32>,
      %add3A_755 = arith.constant 896 : i32
      %add3A_756 = arith.addi %mul3A_275, %add3A_755 : i32
      %add3A_757 = arith.constant 64 : i32
      %add3A_758 = arith.addi %add3A_756, %add3A_757 : i32
      %swap3A_759 = arith.index_cast %add3A_758 : i32 to index
      %swap3A_760 = tpu.vector_load %arg5[%swap3A_759] {strides = array<i32>} : memref<32768xf32, #tpu.memory_space<vmem>>, vector<16xf32>,
      %swap3A_761 = vector.shape_cast %swap3A_760 : vector<16xf32> to vector<16xf32>
      %swap3A_762 = vector.shape_cast %gather3A_106 : vector<16xf32> to vector<16xf32>
      tpu.vector_store %arg5[%swap3A_759], %swap3A_762 {strides = array<i32>} : memref<32768xf32, #tpu.memory_space<vmem>>, vector<16xf32>,
      %add3A_763 = arith.constant 896 : i32
      %add3A_764 = arith.addi %mul3A_275, %add3A_763 : i32
      %add3A_765 = arith.constant 80 : i32
      %add3A_766 = arith.addi %add3A_764, %add3A_765 : i32
      %swap3A_767 = arith.index_cast %add3A_766 : i32 to index
      %swap3A_768 = tpu.vector_load %arg5[%swap3A_767] {strides = array<i32>} : memref<32768xf32, #tpu.memory_space<vmem>>, vector<16xf32>,
      %swap3A_769 = vector.shape_cast %swap3A_768 : vector<16xf32> to vector<16xf32>
      %swap3A_770 = vector.shape_cast %gather3A_106 : vector<16xf32> to vector<16xf32>
      tpu.vector_store %arg5[%swap3A_767], %swap3A_770 {strides = array<i32>} : memref<32768xf32, #tpu.memory_space<vmem>>, vector<16xf32>,
      %add3A_771 = arith.constant 896 : i32
      %add3A_772 = arith.addi %mul3A_275, %add3A_771 : i32
      %add3A_773 = arith.constant 96 : i32
      %add3A_774 = arith.addi %add3A_772, %add3A_773 : i32
      %swap3A_775 = arith.index_cast %add3A_774 : i32 to index
      %swap3A_776 = tpu.vector_load %arg5[%swap3A_775] {strides = array<i32>} : memref<32768xf32, #tpu.memory_space<vmem>>, vector<16xf32>,
      %swap3A_777 = vector.shape_cast %swap3A_776 : vector<16xf32> to vector<16xf32>
      %swap3A_778 = vector.shape_cast %gather3A_106 : vector<16xf32> to vector<16xf32>
      tpu.vector_store %arg5[%swap3A_775], %swap3A_778 {strides = array<i32>} : memref<32768xf32, #tpu.memory_space<vmem>>, vector<16xf32>,
      %add3A_779 = arith.constant 896 : i32
      %add3A_780 = arith.addi %mul3A_275, %add3A_779 : i32
      %add3A_781 = arith.constant 112 : i32
      %add3A_782 = arith.addi %add3A_780, %add3A_781 : i32
      %swap3A_783 = arith.index_cast %add3A_782 : i32 to index
      %swap3A_784 = tpu.vector_load %arg5[%swap3A_783] {strides = array<i32>} : memref<32768xf32, #tpu.memory_space<vmem>>, vector<16xf32>,
      %swap3A_785 = vector.shape_cast %swap3A_784 : vector<16xf32> to vector<16xf32>
      %swap3A_786 = vector.shape_cast %gather3A_106 : vector<16xf32> to vector<16xf32>
      tpu.vector_store %arg5[%swap3A_783], %swap3A_786 {strides = array<i32>} : memref<32768xf32, #tpu.memory_space<vmem>>, vector<16xf32>,
      %scan3A_787 = arith.constant 0 : i32
      scf.yield %scan3A_787 : i32
    }
    %scan3A_112 = arith.constant 32 : i32
    %mul3A_113 = arith.constant 32768 : i32
    %mul3A_114 = arith.muli %add3A_4, %mul3A_113 : i32
    %dma_start3A = tpu.memref_slice %arg3[%mul3A_114] : memref<52428800xf32, #tpu.memory_space<hbm>> -> memref<32768xf32, #tpu.memory_space<hbm>>
    %dma_start3A_115 = tpu.memref_slice %arg3[%mul3A_114] : memref<52428800xf32, #tpu.memory_space<hbm>> -> memref<32768xf32, #tpu.memory_space<hbm>>
    tpu.enqueue_dma source(%arg5 : memref<32768xf32, #tpu.memory_space<vmem>>) target(%dma_start3A_115 : memref<32768xf32, #tpu.memory_space<hbm>>) target_semaphore(%arg7 : memref<!tpu.dma_semaphore, #tpu.memory_space<semaphore_mem>>)
    %mul3A_116 = arith.constant 50 : i32
    %mul3A_117 = arith.muli %add3A, %mul3A_116 : i32
    %add3A_118 = arith.constant 1 : i32
    %add3A_119 = arith.addi %mul3A_117, %add3A_118 : i32
    %jit3A_120 = arith.constant 8 : i32
    %div3A_121 = arith.divsi %add3A_119, %jit3A_120 : i32
    %sign3A_122 = arith.constant 0 : i32
    %sign3A_123 = arith.cmpi sgt, %add3A_119, %sign3A_122 : i32
    %sign3A_124 = arith.extui %sign3A_123 : i1 to i32
    %sign3A_125 = arith.constant 0 : i32
    %sign3A_126 = arith.cmpi slt, %add3A_119, %sign3A_125 : i32
    %sign3A_127 = arith.extui %sign3A_126 : i1 to i32
    %sign3A_128 = arith.subi %sign3A_124, %sign3A_127 : i32
    %sign3A_129 = arith.constant 0 : i32
    %sign3A_130 = arith.cmpi sgt, %jit3A_120, %sign3A_129 : i32
    %sign3A_131 = arith.extui %sign3A_130 : i1 to i32
    %sign3A_132 = arith.constant 0 : i32
    %sign3A_133 = arith.cmpi slt, %jit3A_120, %sign3A_132 : i32
    %sign3A_134 = arith.extui %sign3A_133 : i1 to i32
    %sign3A_135 = arith.subi %sign3A_131, %sign3A_134 : i32
    %ne3A_136 = arith.cmpi ne, %sign3A_128, %sign3A_135 : i32
    %rem3A_137 = arith.remsi %add3A_119, %jit3A_120 : i32
    %ne3A_138 = arith.constant 0 : i32
    %ne3A_139 = arith.cmpi ne, %rem3A_137, %ne3A_138 : i32
    %and3A_140 = arith.andi %ne3A_136, %ne3A_139 : i1
    %sub3A_141 = arith.constant 1 : i32
    %sub3A_142 = arith.subi %div3A_121, %sub3A_141 : i32
    %select_n3A_143 = arith.select %and3A_140, %sub3A_142, %div3A_121 : i32
    %jit3A_144 = arith.constant 8 : i32
    %eq3A_145 = arith.constant 0 : i32
    %eq3A_146 = arith.cmpi eq, %jit3A_144, %eq3A_145 : i32
    %jit3A_147 = arith.constant 1 : i32
    %select_n3A_148 = arith.select %eq3A_146, %jit3A_147, %jit3A_144 : i32
    %rem3A_149 = arith.remsi %add3A_119, %select_n3A_148 : i32
    %ne3A_150 = arith.constant 0 : i32
    %ne3A_151 = arith.cmpi ne, %rem3A_149, %ne3A_150 : i32
    %lt3A_152 = arith.constant 0 : i32
    %lt3A_153 = arith.cmpi slt, %rem3A_149, %lt3A_152 : i32
    %lt3A_154 = arith.constant 0 : i32
    %lt3A_155 = arith.cmpi slt, %select_n3A_148, %lt3A_154 : i32
    %ne3A_156 = arith.xori %lt3A_153, %lt3A_155 : i1
    %and3A_157 = arith.andi %ne3A_156, %ne3A_151 : i1
    %add3A_158 = arith.addi %rem3A_149, %select_n3A_148 : i32
    %select_n3A_159 = arith.select %and3A_157, %add3A_158, %rem3A_149 : i32
    %mul3A_160 = arith.constant 64 : i32
    %mul3A_161 = arith.muli %select_n3A_143, %mul3A_160 : i32
    %mul3A_162 = arith.constant 8 : i32
    %mul3A_163 = arith.muli %select_n3A_159, %mul3A_162 : i32
    %add3A_164 = arith.addi %mul3A_161, %mul3A_163 : i32
    %jit3A_165 = arith.constant 16 : i32
    %div3A_166 = arith.divsi %add3A_164, %jit3A_165 : i32
    %sign3A_167 = arith.constant 0 : i32
    %sign3A_168 = arith.cmpi sgt, %add3A_164, %sign3A_167 : i32
    %sign3A_169 = arith.extui %sign3A_168 : i1 to i32
    %sign3A_170 = arith.constant 0 : i32
    %sign3A_171 = arith.cmpi slt, %add3A_164, %sign3A_170 : i32
    %sign3A_172 = arith.extui %sign3A_171 : i1 to i32
    %sign3A_173 = arith.subi %sign3A_169, %sign3A_172 : i32
    %sign3A_174 = arith.constant 0 : i32
    %sign3A_175 = arith.cmpi sgt, %jit3A_165, %sign3A_174 : i32
    %sign3A_176 = arith.extui %sign3A_175 : i1 to i32
    %sign3A_177 = arith.constant 0 : i32
    %sign3A_178 = arith.cmpi slt, %jit3A_165, %sign3A_177 : i32
    %sign3A_179 = arith.extui %sign3A_178 : i1 to i32
    %sign3A_180 = arith.subi %sign3A_176, %sign3A_179 : i32
    %ne3A_181 = arith.cmpi ne, %sign3A_173, %sign3A_180 : i32
    %rem3A_182 = arith.remsi %add3A_164, %jit3A_165 : i32
    %ne3A_183 = arith.constant 0 : i32
    %ne3A_184 = arith.cmpi ne, %rem3A_182, %ne3A_183 : i32
    %and3A_185 = arith.andi %ne3A_181, %ne3A_184 : i1
    %sub3A_186 = arith.constant 1 : i32
    %sub3A_187 = arith.subi %div3A_166, %sub3A_186 : i32
    %select_n3A_188 = arith.select %and3A_185, %sub3A_187, %div3A_166 : i32
    %mul3A_189 = arith.constant 16 : i32
    %mul3A_190 = arith.muli %select_n3A_188, %mul3A_189 : i32
    %sub3A_191 = arith.subi %add3A_164, %mul3A_190 : i32
    %get3A_192 = arith.index_cast %mul3A_190 : i32 to index
    %get3A_193 = tpu.vector_load %arg4[%get3A_192] {strides = array<i32>} : memref<12800xf32, #tpu.memory_space<vmem>>, vector<16xf32>,
    %get3A_194 = vector.shape_cast %get3A_193 : vector<16xf32> to vector<16xf32>
    %add3A_195 = arith.constant 0 : i32
    %add3A_196 = arith.addi %sub3A_191, %add3A_195 : i32
    %broadcast_in_dim3A_197 = vector.broadcast %add3A_196 : i32 to vector<16x1xi32>
    %gather3A_198 = vector.shape_cast %broadcast_in_dim3A_197 : vector<16x1xi32> to vector<16xi32>
    %gather3A_199 = tpu.dynamic_gather %get3A_194[%gather3A_198] in [0] : vector<16xf32>, vector<16xi32> -> vector<16xf32>
    %add3A_200 = arith.constant 1 : i32
    %add3A_201 = arith.addi %sub3A_191, %add3A_200 : i32
    %broadcast_in_dim3A_202 = vector.broadcast %add3A_201 : i32 to vector<16x1xi32>
    %gather3A_203 = vector.shape_cast %broadcast_in_dim3A_202 : vector<16x1xi32> to vector<16xi32>
    %gather3A_204 = tpu.dynamic_gather %get3A_194[%gather3A_203] in [0] : vector<16xf32>, vector<16xi32> -> vector<16xf32>
    %add3A_205 = arith.constant 2 : i32
    %add3A_206 = arith.addi %sub3A_191, %add3A_205 : i32
    %broadcast_in_dim3A_207 = vector.broadcast %add3A_206 : i32 to vector<16x1xi32>
    %gather3A_208 = vector.shape_cast %broadcast_in_dim3A_207 : vector<16x1xi32> to vector<16xi32>
    %gather3A_209 = tpu.dynamic_gather %get3A_194[%gather3A_208] in [0] : vector<16xf32>, vector<16xi32> -> vector<16xf32>
    %add3A_210 = arith.constant 3 : i32
    %add3A_211 = arith.addi %sub3A_191, %add3A_210 : i32
    %broadcast_in_dim3A_212 = vector.broadcast %add3A_211 : i32 to vector<16x1xi32>
    %gather3A_213 = vector.shape_cast %broadcast_in_dim3A_212 : vector<16x1xi32> to vector<16xi32>
    %gather3A_214 = tpu.dynamic_gather %get3A_194[%gather3A_213] in [0] : vector<16xf32>, vector<16xi32> -> vector<16xf32>
    %add3A_215 = arith.constant 4 : i32
    %add3A_216 = arith.addi %sub3A_191, %add3A_215 : i32
    %broadcast_in_dim3A_217 = vector.broadcast %add3A_216 : i32 to vector<16x1xi32>
    %gather3A_218 = vector.shape_cast %broadcast_in_dim3A_217 : vector<16x1xi32> to vector<16xi32>
    %gather3A_219 = tpu.dynamic_gather %get3A_194[%gather3A_218] in [0] : vector<16xf32>, vector<16xi32> -> vector<16xf32>
    %add3A_220 = arith.constant 5 : i32
    %add3A_221 = arith.addi %sub3A_191, %add3A_220 : i32
    %broadcast_in_dim3A_222 = vector.broadcast %add3A_221 : i32 to vector<16x1xi32>
    %gather3A_223 = vector.shape_cast %broadcast_in_dim3A_222 : vector<16x1xi32> to vector<16xi32>
    %gather3A_224 = tpu.dynamic_gather %get3A_194[%gather3A_223] in [0] : vector<16xf32>, vector<16xi32> -> vector<16xf32>
    %add3A_225 = arith.constant 6 : i32
    %add3A_226 = arith.addi %sub3A_191, %add3A_225 : i32
    %broadcast_in_dim3A_227 = vector.broadcast %add3A_226 : i32 to vector<16x1xi32>
    %gather3A_228 = vector.shape_cast %broadcast_in_dim3A_227 : vector<16x1xi32> to vector<16xi32>
    %gather3A_229 = tpu.dynamic_gather %get3A_194[%gather3A_228] in [0] : vector<16xf32>, vector<16xi32> -> vector<16xf32>
    %add3A_230 = arith.constant 7 : i32
    %add3A_231 = arith.addi %sub3A_191, %add3A_230 : i32
    %broadcast_in_dim3A_232 = vector.broadcast %add3A_231 : i32 to vector<16x1xi32>
    %gather3A_233 = vector.shape_cast %broadcast_in_dim3A_232 : vector<16x1xi32> to vector<16xi32>
    %gather3A_234 = tpu.dynamic_gather %get3A_194[%gather3A_233] in [0] : vector<16xf32>, vector<16xi32> -> vector<16xf32>
    %scan3A_235 = arith.constant 0 : i32
    %scan3A_236 = arith.constant 0 : i32
    %scan3A_237 = arith.constant 32 : i32
    %scan3A_238 = arith.addi %scan3A_236, %scan3A_237 : i32
    %scan3A_239 = arith.constant 1 : i32
    %scan3A_240 = scf.for %scan3A_272 = %scan3A_236 to %scan3A_238 step %scan3A_239 iter_args(%scan3A_273 = %scan3A_235) -> (i32)  : i32 {
      %mul3A_274 = arith.constant 1024 : i32
      %mul3A_275 = arith.muli %scan3A_272, %mul3A_274 : i32
      %add3A_276 = arith.constant 0 : i32
      %add3A_277 = arith.addi %mul3A_275, %add3A_276 : i32
      %add3A_278 = arith.constant 0 : i32
      %add3A_279 = arith.addi %add3A_277, %add3A_278 : i32
      %swap3A = arith.index_cast %add3A_279 : i32 to index
      %swap3A_280 = tpu.vector_load %arg6[%swap3A] {strides = array<i32>} : memref<32768xf32, #tpu.memory_space<vmem>>, vector<16xf32>,
      %swap3A_281 = vector.shape_cast %swap3A_280 : vector<16xf32> to vector<16xf32>
      %swap3A_282 = vector.shape_cast %gather3A_199 : vector<16xf32> to vector<16xf32>
      tpu.vector_store %arg6[%swap3A], %swap3A_282 {strides = array<i32>} : memref<32768xf32, #tpu.memory_space<vmem>>, vector<16xf32>,
      %add3A_283 = arith.constant 0 : i32
      %add3A_284 = arith.addi %mul3A_275, %add3A_283 : i32
      %add3A_285 = arith.constant 16 : i32
      %add3A_286 = arith.addi %add3A_284, %add3A_285 : i32
      %swap3A_287 = arith.index_cast %add3A_286 : i32 to index
      %swap3A_288 = tpu.vector_load %arg6[%swap3A_287] {strides = array<i32>} : memref<32768xf32, #tpu.memory_space<vmem>>, vector<16xf32>,
      %swap3A_289 = vector.shape_cast %swap3A_288 : vector<16xf32> to vector<16xf32>
      %swap3A_290 = vector.shape_cast %gather3A_199 : vector<16xf32> to vector<16xf32>
      tpu.vector_store %arg6[%swap3A_287], %swap3A_290 {strides = array<i32>} : memref<32768xf32, #tpu.memory_space<vmem>>, vector<16xf32>,
      %add3A_291 = arith.constant 0 : i32
      %add3A_292 = arith.addi %mul3A_275, %add3A_291 : i32
      %add3A_293 = arith.constant 32 : i32
      %add3A_294 = arith.addi %add3A_292, %add3A_293 : i32
      %swap3A_295 = arith.index_cast %add3A_294 : i32 to index
      %swap3A_296 = tpu.vector_load %arg6[%swap3A_295] {strides = array<i32>} : memref<32768xf32, #tpu.memory_space<vmem>>, vector<16xf32>,
      %swap3A_297 = vector.shape_cast %swap3A_296 : vector<16xf32> to vector<16xf32>
      %swap3A_298 = vector.shape_cast %gather3A_199 : vector<16xf32> to vector<16xf32>
      tpu.vector_store %arg6[%swap3A_295], %swap3A_298 {strides = array<i32>} : memref<32768xf32, #tpu.memory_space<vmem>>, vector<16xf32>,
      %add3A_299 = arith.constant 0 : i32
      %add3A_300 = arith.addi %mul3A_275, %add3A_299 : i32
      %add3A_301 = arith.constant 48 : i32
      %add3A_302 = arith.addi %add3A_300, %add3A_301 : i32
      %swap3A_303 = arith.index_cast %add3A_302 : i32 to index
      %swap3A_304 = tpu.vector_load %arg6[%swap3A_303] {strides = array<i32>} : memref<32768xf32, #tpu.memory_space<vmem>>, vector<16xf32>,
      %swap3A_305 = vector.shape_cast %swap3A_304 : vector<16xf32> to vector<16xf32>
      %swap3A_306 = vector.shape_cast %gather3A_199 : vector<16xf32> to vector<16xf32>
      tpu.vector_store %arg6[%swap3A_303], %swap3A_306 {strides = array<i32>} : memref<32768xf32, #tpu.memory_space<vmem>>, vector<16xf32>,
      %add3A_307 = arith.constant 0 : i32
      %add3A_308 = arith.addi %mul3A_275, %add3A_307 : i32
      %add3A_309 = arith.constant 64 : i32
      %add3A_310 = arith.addi %add3A_308, %add3A_309 : i32
      %swap3A_311 = arith.index_cast %add3A_310 : i32 to index
      %swap3A_312 = tpu.vector_load %arg6[%swap3A_311] {strides = array<i32>} : memref<32768xf32, #tpu.memory_space<vmem>>, vector<16xf32>,
      %swap3A_313 = vector.shape_cast %swap3A_312 : vector<16xf32> to vector<16xf32>
      %swap3A_314 = vector.shape_cast %gather3A_199 : vector<16xf32> to vector<16xf32>
      tpu.vector_store %arg6[%swap3A_311], %swap3A_314 {strides = array<i32>} : memref<32768xf32, #tpu.memory_space<vmem>>, vector<16xf32>,
      %add3A_315 = arith.constant 0 : i32
      %add3A_316 = arith.addi %mul3A_275, %add3A_315 : i32
      %add3A_317 = arith.constant 80 : i32
      %add3A_318 = arith.addi %add3A_316, %add3A_317 : i32
      %swap3A_319 = arith.index_cast %add3A_318 : i32 to index
      %swap3A_320 = tpu.vector_load %arg6[%swap3A_319] {strides = array<i32>} : memref<32768xf32, #tpu.memory_space<vmem>>, vector<16xf32>,
      %swap3A_321 = vector.shape_cast %swap3A_320 : vector<16xf32> to vector<16xf32>
      %swap3A_322 = vector.shape_cast %gather3A_199 : vector<16xf32> to vector<16xf32>
      tpu.vector_store %arg6[%swap3A_319], %swap3A_322 {strides = array<i32>} : memref<32768xf32, #tpu.memory_space<vmem>>, vector<16xf32>,
      %add3A_323 = arith.constant 0 : i32
      %add3A_324 = arith.addi %mul3A_275, %add3A_323 : i32
      %add3A_325 = arith.constant 96 : i32
      %add3A_326 = arith.addi %add3A_324, %add3A_325 : i32
      %swap3A_327 = arith.index_cast %add3A_326 : i32 to index
      %swap3A_328 = tpu.vector_load %arg6[%swap3A_327] {strides = array<i32>} : memref<32768xf32, #tpu.memory_space<vmem>>, vector<16xf32>,
      %swap3A_329 = vector.shape_cast %swap3A_328 : vector<16xf32> to vector<16xf32>
      %swap3A_330 = vector.shape_cast %gather3A_199 : vector<16xf32> to vector<16xf32>
      tpu.vector_store %arg6[%swap3A_327], %swap3A_330 {strides = array<i32>} : memref<32768xf32, #tpu.memory_space<vmem>>, vector<16xf32>,
      %add3A_331 = arith.constant 0 : i32
      %add3A_332 = arith.addi %mul3A_275, %add3A_331 : i32
      %add3A_333 = arith.constant 112 : i32
      %add3A_334 = arith.addi %add3A_332, %add3A_333 : i32
      %swap3A_335 = arith.index_cast %add3A_334 : i32 to index
      %swap3A_336 = tpu.vector_load %arg6[%swap3A_335] {strides = array<i32>} : memref<32768xf32, #tpu.memory_space<vmem>>, vector<16xf32>,
      %swap3A_337 = vector.shape_cast %swap3A_336 : vector<16xf32> to vector<16xf32>
      %swap3A_338 = vector.shape_cast %gather3A_199 : vector<16xf32> to vector<16xf32>
      tpu.vector_store %arg6[%swap3A_335], %swap3A_338 {strides = array<i32>} : memref<32768xf32, #tpu.memory_space<vmem>>, vector<16xf32>,
      %add3A_339 = arith.constant 128 : i32
      %add3A_340 = arith.addi %mul3A_275, %add3A_339 : i32
      %add3A_341 = arith.constant 0 : i32
      %add3A_342 = arith.addi %add3A_340, %add3A_341 : i32
      %swap3A_343 = arith.index_cast %add3A_342 : i32 to index
      %swap3A_344 = tpu.vector_load %arg6[%swap3A_343] {strides = array<i32>} : memref<32768xf32, #tpu.memory_space<vmem>>, vector<16xf32>,
      %swap3A_345 = vector.shape_cast %swap3A_344 : vector<16xf32> to vector<16xf32>
      %swap3A_346 = vector.shape_cast %gather3A_204 : vector<16xf32> to vector<16xf32>
      tpu.vector_store %arg6[%swap3A_343], %swap3A_346 {strides = array<i32>} : memref<32768xf32, #tpu.memory_space<vmem>>, vector<16xf32>,
      %add3A_347 = arith.constant 128 : i32
      %add3A_348 = arith.addi %mul3A_275, %add3A_347 : i32
      %add3A_349 = arith.constant 16 : i32
      %add3A_350 = arith.addi %add3A_348, %add3A_349 : i32
      %swap3A_351 = arith.index_cast %add3A_350 : i32 to index
      %swap3A_352 = tpu.vector_load %arg6[%swap3A_351] {strides = array<i32>} : memref<32768xf32, #tpu.memory_space<vmem>>, vector<16xf32>,
      %swap3A_353 = vector.shape_cast %swap3A_352 : vector<16xf32> to vector<16xf32>
      %swap3A_354 = vector.shape_cast %gather3A_204 : vector<16xf32> to vector<16xf32>
      tpu.vector_store %arg6[%swap3A_351], %swap3A_354 {strides = array<i32>} : memref<32768xf32, #tpu.memory_space<vmem>>, vector<16xf32>,
      %add3A_355 = arith.constant 128 : i32
      %add3A_356 = arith.addi %mul3A_275, %add3A_355 : i32
      %add3A_357 = arith.constant 32 : i32
      %add3A_358 = arith.addi %add3A_356, %add3A_357 : i32
      %swap3A_359 = arith.index_cast %add3A_358 : i32 to index
      %swap3A_360 = tpu.vector_load %arg6[%swap3A_359] {strides = array<i32>} : memref<32768xf32, #tpu.memory_space<vmem>>, vector<16xf32>,
      %swap3A_361 = vector.shape_cast %swap3A_360 : vector<16xf32> to vector<16xf32>
      %swap3A_362 = vector.shape_cast %gather3A_204 : vector<16xf32> to vector<16xf32>
      tpu.vector_store %arg6[%swap3A_359], %swap3A_362 {strides = array<i32>} : memref<32768xf32, #tpu.memory_space<vmem>>, vector<16xf32>,
      %add3A_363 = arith.constant 128 : i32
      %add3A_364 = arith.addi %mul3A_275, %add3A_363 : i32
      %add3A_365 = arith.constant 48 : i32
      %add3A_366 = arith.addi %add3A_364, %add3A_365 : i32
      %swap3A_367 = arith.index_cast %add3A_366 : i32 to index
      %swap3A_368 = tpu.vector_load %arg6[%swap3A_367] {strides = array<i32>} : memref<32768xf32, #tpu.memory_space<vmem>>, vector<16xf32>,
      %swap3A_369 = vector.shape_cast %swap3A_368 : vector<16xf32> to vector<16xf32>
      %swap3A_370 = vector.shape_cast %gather3A_204 : vector<16xf32> to vector<16xf32>
      tpu.vector_store %arg6[%swap3A_367], %swap3A_370 {strides = array<i32>} : memref<32768xf32, #tpu.memory_space<vmem>>, vector<16xf32>,
      %add3A_371 = arith.constant 128 : i32
      %add3A_372 = arith.addi %mul3A_275, %add3A_371 : i32
      %add3A_373 = arith.constant 64 : i32
      %add3A_374 = arith.addi %add3A_372, %add3A_373 : i32
      %swap3A_375 = arith.index_cast %add3A_374 : i32 to index
      %swap3A_376 = tpu.vector_load %arg6[%swap3A_375] {strides = array<i32>} : memref<32768xf32, #tpu.memory_space<vmem>>, vector<16xf32>,
      %swap3A_377 = vector.shape_cast %swap3A_376 : vector<16xf32> to vector<16xf32>
      %swap3A_378 = vector.shape_cast %gather3A_204 : vector<16xf32> to vector<16xf32>
      tpu.vector_store %arg6[%swap3A_375], %swap3A_378 {strides = array<i32>} : memref<32768xf32, #tpu.memory_space<vmem>>, vector<16xf32>,
      %add3A_379 = arith.constant 128 : i32
      %add3A_380 = arith.addi %mul3A_275, %add3A_379 : i32
      %add3A_381 = arith.constant 80 : i32
      %add3A_382 = arith.addi %add3A_380, %add3A_381 : i32
      %swap3A_383 = arith.index_cast %add3A_382 : i32 to index
      %swap3A_384 = tpu.vector_load %arg6[%swap3A_383] {strides = array<i32>} : memref<32768xf32, #tpu.memory_space<vmem>>, vector<16xf32>,
      %swap3A_385 = vector.shape_cast %swap3A_384 : vector<16xf32> to vector<16xf32>
      %swap3A_386 = vector.shape_cast %gather3A_204 : vector<16xf32> to vector<16xf32>
      tpu.vector_store %arg6[%swap3A_383], %swap3A_386 {strides = array<i32>} : memref<32768xf32, #tpu.memory_space<vmem>>, vector<16xf32>,
      %add3A_387 = arith.constant 128 : i32
      %add3A_388 = arith.addi %mul3A_275, %add3A_387 : i32
      %add3A_389 = arith.constant 96 : i32
      %add3A_390 = arith.addi %add3A_388, %add3A_389 : i32
      %swap3A_391 = arith.index_cast %add3A_390 : i32 to index
      %swap3A_392 = tpu.vector_load %arg6[%swap3A_391] {strides = array<i32>} : memref<32768xf32, #tpu.memory_space<vmem>>, vector<16xf32>,
      %swap3A_393 = vector.shape_cast %swap3A_392 : vector<16xf32> to vector<16xf32>
      %swap3A_394 = vector.shape_cast %gather3A_204 : vector<16xf32> to vector<16xf32>
      tpu.vector_store %arg6[%swap3A_391], %swap3A_394 {strides = array<i32>} : memref<32768xf32, #tpu.memory_space<vmem>>, vector<16xf32>,
      %add3A_395 = arith.constant 128 : i32
      %add3A_396 = arith.addi %mul3A_275, %add3A_395 : i32
      %add3A_397 = arith.constant 112 : i32
      %add3A_398 = arith.addi %add3A_396, %add3A_397 : i32
      %swap3A_399 = arith.index_cast %add3A_398 : i32 to index
      %swap3A_400 = tpu.vector_load %arg6[%swap3A_399] {strides = array<i32>} : memref<32768xf32, #tpu.memory_space<vmem>>, vector<16xf32>,
      %swap3A_401 = vector.shape_cast %swap3A_400 : vector<16xf32> to vector<16xf32>
      %swap3A_402 = vector.shape_cast %gather3A_204 : vector<16xf32> to vector<16xf32>
      tpu.vector_store %arg6[%swap3A_399], %swap3A_402 {strides = array<i32>} : memref<32768xf32, #tpu.memory_space<vmem>>, vector<16xf32>,
      %add3A_403 = arith.constant 256 : i32
      %add3A_404 = arith.addi %mul3A_275, %add3A_403 : i32
      %add3A_405 = arith.constant 0 : i32
      %add3A_406 = arith.addi %add3A_404, %add3A_405 : i32
      %swap3A_407 = arith.index_cast %add3A_406 : i32 to index
      %swap3A_408 = tpu.vector_load %arg6[%swap3A_407] {strides = array<i32>} : memref<32768xf32, #tpu.memory_space<vmem>>, vector<16xf32>,
      %swap3A_409 = vector.shape_cast %swap3A_408 : vector<16xf32> to vector<16xf32>
      %swap3A_410 = vector.shape_cast %gather3A_209 : vector<16xf32> to vector<16xf32>
      tpu.vector_store %arg6[%swap3A_407], %swap3A_410 {strides = array<i32>} : memref<32768xf32, #tpu.memory_space<vmem>>, vector<16xf32>,
      %add3A_411 = arith.constant 256 : i32
      %add3A_412 = arith.addi %mul3A_275, %add3A_411 : i32
      %add3A_413 = arith.constant 16 : i32
      %add3A_414 = arith.addi %add3A_412, %add3A_413 : i32
      %swap3A_415 = arith.index_cast %add3A_414 : i32 to index
      %swap3A_416 = tpu.vector_load %arg6[%swap3A_415] {strides = array<i32>} : memref<32768xf32, #tpu.memory_space<vmem>>, vector<16xf32>,
      %swap3A_417 = vector.shape_cast %swap3A_416 : vector<16xf32> to vector<16xf32>
      %swap3A_418 = vector.shape_cast %gather3A_209 : vector<16xf32> to vector<16xf32>
      tpu.vector_store %arg6[%swap3A_415], %swap3A_418 {strides = array<i32>} : memref<32768xf32, #tpu.memory_space<vmem>>, vector<16xf32>,
      %add3A_419 = arith.constant 256 : i32
      %add3A_420 = arith.addi %mul3A_275, %add3A_419 : i32
      %add3A_421 = arith.constant 32 : i32
      %add3A_422 = arith.addi %add3A_420, %add3A_421 : i32
      %swap3A_423 = arith.index_cast %add3A_422 : i32 to index
      %swap3A_424 = tpu.vector_load %arg6[%swap3A_423] {strides = array<i32>} : memref<32768xf32, #tpu.memory_space<vmem>>, vector<16xf32>,
      %swap3A_425 = vector.shape_cast %swap3A_424 : vector<16xf32> to vector<16xf32>
      %swap3A_426 = vector.shape_cast %gather3A_209 : vector<16xf32> to vector<16xf32>
      tpu.vector_store %arg6[%swap3A_423], %swap3A_426 {strides = array<i32>} : memref<32768xf32, #tpu.memory_space<vmem>>, vector<16xf32>,
      %add3A_427 = arith.constant 256 : i32
      %add3A_428 = arith.addi %mul3A_275, %add3A_427 : i32
      %add3A_429 = arith.constant 48 : i32
      %add3A_430 = arith.addi %add3A_428, %add3A_429 : i32
      %swap3A_431 = arith.index_cast %add3A_430 : i32 to index
      %swap3A_432 = tpu.vector_load %arg6[%swap3A_431] {strides = array<i32>} : memref<32768xf32, #tpu.memory_space<vmem>>, vector<16xf32>,
      %swap3A_433 = vector.shape_cast %swap3A_432 : vector<16xf32> to vector<16xf32>
      %swap3A_434 = vector.shape_cast %gather3A_209 : vector<16xf32> to vector<16xf32>
      tpu.vector_store %arg6[%swap3A_431], %swap3A_434 {strides = array<i32>} : memref<32768xf32, #tpu.memory_space<vmem>>, vector<16xf32>,
      %add3A_435 = arith.constant 256 : i32
      %add3A_436 = arith.addi %mul3A_275, %add3A_435 : i32
      %add3A_437 = arith.constant 64 : i32
      %add3A_438 = arith.addi %add3A_436, %add3A_437 : i32
      %swap3A_439 = arith.index_cast %add3A_438 : i32 to index
      %swap3A_440 = tpu.vector_load %arg6[%swap3A_439] {strides = array<i32>} : memref<32768xf32, #tpu.memory_space<vmem>>, vector<16xf32>,
      %swap3A_441 = vector.shape_cast %swap3A_440 : vector<16xf32> to vector<16xf32>
      %swap3A_442 = vector.shape_cast %gather3A_209 : vector<16xf32> to vector<16xf32>
      tpu.vector_store %arg6[%swap3A_439], %swap3A_442 {strides = array<i32>} : memref<32768xf32, #tpu.memory_space<vmem>>, vector<16xf32>,
      %add3A_443 = arith.constant 256 : i32
      %add3A_444 = arith.addi %mul3A_275, %add3A_443 : i32
      %add3A_445 = arith.constant 80 : i32
      %add3A_446 = arith.addi %add3A_444, %add3A_445 : i32
      %swap3A_447 = arith.index_cast %add3A_446 : i32 to index
      %swap3A_448 = tpu.vector_load %arg6[%swap3A_447] {strides = array<i32>} : memref<32768xf32, #tpu.memory_space<vmem>>, vector<16xf32>,
      %swap3A_449 = vector.shape_cast %swap3A_448 : vector<16xf32> to vector<16xf32>
      %swap3A_450 = vector.shape_cast %gather3A_209 : vector<16xf32> to vector<16xf32>
      tpu.vector_store %arg6[%swap3A_447], %swap3A_450 {strides = array<i32>} : memref<32768xf32, #tpu.memory_space<vmem>>, vector<16xf32>,
      %add3A_451 = arith.constant 256 : i32
      %add3A_452 = arith.addi %mul3A_275, %add3A_451 : i32
      %add3A_453 = arith.constant 96 : i32
      %add3A_454 = arith.addi %add3A_452, %add3A_453 : i32
      %swap3A_455 = arith.index_cast %add3A_454 : i32 to index
      %swap3A_456 = tpu.vector_load %arg6[%swap3A_455] {strides = array<i32>} : memref<32768xf32, #tpu.memory_space<vmem>>, vector<16xf32>,
      %swap3A_457 = vector.shape_cast %swap3A_456 : vector<16xf32> to vector<16xf32>
      %swap3A_458 = vector.shape_cast %gather3A_209 : vector<16xf32> to vector<16xf32>
      tpu.vector_store %arg6[%swap3A_455], %swap3A_458 {strides = array<i32>} : memref<32768xf32, #tpu.memory_space<vmem>>, vector<16xf32>,
      %add3A_459 = arith.constant 256 : i32
      %add3A_460 = arith.addi %mul3A_275, %add3A_459 : i32
      %add3A_461 = arith.constant 112 : i32
      %add3A_462 = arith.addi %add3A_460, %add3A_461 : i32
      %swap3A_463 = arith.index_cast %add3A_462 : i32 to index
      %swap3A_464 = tpu.vector_load %arg6[%swap3A_463] {strides = array<i32>} : memref<32768xf32, #tpu.memory_space<vmem>>, vector<16xf32>,
      %swap3A_465 = vector.shape_cast %swap3A_464 : vector<16xf32> to vector<16xf32>
      %swap3A_466 = vector.shape_cast %gather3A_209 : vector<16xf32> to vector<16xf32>
      tpu.vector_store %arg6[%swap3A_463], %swap3A_466 {strides = array<i32>} : memref<32768xf32, #tpu.memory_space<vmem>>, vector<16xf32>,
      %add3A_467 = arith.constant 384 : i32
      %add3A_468 = arith.addi %mul3A_275, %add3A_467 : i32
      %add3A_469 = arith.constant 0 : i32
      %add3A_470 = arith.addi %add3A_468, %add3A_469 : i32
      %swap3A_471 = arith.index_cast %add3A_470 : i32 to index
      %swap3A_472 = tpu.vector_load %arg6[%swap3A_471] {strides = array<i32>} : memref<32768xf32, #tpu.memory_space<vmem>>, vector<16xf32>,
      %swap3A_473 = vector.shape_cast %swap3A_472 : vector<16xf32> to vector<16xf32>
      %swap3A_474 = vector.shape_cast %gather3A_214 : vector<16xf32> to vector<16xf32>
      tpu.vector_store %arg6[%swap3A_471], %swap3A_474 {strides = array<i32>} : memref<32768xf32, #tpu.memory_space<vmem>>, vector<16xf32>,
      %add3A_475 = arith.constant 384 : i32
      %add3A_476 = arith.addi %mul3A_275, %add3A_475 : i32
      %add3A_477 = arith.constant 16 : i32
      %add3A_478 = arith.addi %add3A_476, %add3A_477 : i32
      %swap3A_479 = arith.index_cast %add3A_478 : i32 to index
      %swap3A_480 = tpu.vector_load %arg6[%swap3A_479] {strides = array<i32>} : memref<32768xf32, #tpu.memory_space<vmem>>, vector<16xf32>,
      %swap3A_481 = vector.shape_cast %swap3A_480 : vector<16xf32> to vector<16xf32>
      %swap3A_482 = vector.shape_cast %gather3A_214 : vector<16xf32> to vector<16xf32>
      tpu.vector_store %arg6[%swap3A_479], %swap3A_482 {strides = array<i32>} : memref<32768xf32, #tpu.memory_space<vmem>>, vector<16xf32>,
      %add3A_483 = arith.constant 384 : i32
      %add3A_484 = arith.addi %mul3A_275, %add3A_483 : i32
      %add3A_485 = arith.constant 32 : i32
      %add3A_486 = arith.addi %add3A_484, %add3A_485 : i32
      %swap3A_487 = arith.index_cast %add3A_486 : i32 to index
      %swap3A_488 = tpu.vector_load %arg6[%swap3A_487] {strides = array<i32>} : memref<32768xf32, #tpu.memory_space<vmem>>, vector<16xf32>,
      %swap3A_489 = vector.shape_cast %swap3A_488 : vector<16xf32> to vector<16xf32>
      %swap3A_490 = vector.shape_cast %gather3A_214 : vector<16xf32> to vector<16xf32>
      tpu.vector_store %arg6[%swap3A_487], %swap3A_490 {strides = array<i32>} : memref<32768xf32, #tpu.memory_space<vmem>>, vector<16xf32>,
      %add3A_491 = arith.constant 384 : i32
      %add3A_492 = arith.addi %mul3A_275, %add3A_491 : i32
      %add3A_493 = arith.constant 48 : i32
      %add3A_494 = arith.addi %add3A_492, %add3A_493 : i32
      %swap3A_495 = arith.index_cast %add3A_494 : i32 to index
      %swap3A_496 = tpu.vector_load %arg6[%swap3A_495] {strides = array<i32>} : memref<32768xf32, #tpu.memory_space<vmem>>, vector<16xf32>,
      %swap3A_497 = vector.shape_cast %swap3A_496 : vector<16xf32> to vector<16xf32>
      %swap3A_498 = vector.shape_cast %gather3A_214 : vector<16xf32> to vector<16xf32>
      tpu.vector_store %arg6[%swap3A_495], %swap3A_498 {strides = array<i32>} : memref<32768xf32, #tpu.memory_space<vmem>>, vector<16xf32>,
      %add3A_499 = arith.constant 384 : i32
      %add3A_500 = arith.addi %mul3A_275, %add3A_499 : i32
      %add3A_501 = arith.constant 64 : i32
      %add3A_502 = arith.addi %add3A_500, %add3A_501 : i32
      %swap3A_503 = arith.index_cast %add3A_502 : i32 to index
      %swap3A_504 = tpu.vector_load %arg6[%swap3A_503] {strides = array<i32>} : memref<32768xf32, #tpu.memory_space<vmem>>, vector<16xf32>,
      %swap3A_505 = vector.shape_cast %swap3A_504 : vector<16xf32> to vector<16xf32>
      %swap3A_506 = vector.shape_cast %gather3A_214 : vector<16xf32> to vector<16xf32>
      tpu.vector_store %arg6[%swap3A_503], %swap3A_506 {strides = array<i32>} : memref<32768xf32, #tpu.memory_space<vmem>>, vector<16xf32>,
      %add3A_507 = arith.constant 384 : i32
      %add3A_508 = arith.addi %mul3A_275, %add3A_507 : i32
      %add3A_509 = arith.constant 80 : i32
      %add3A_510 = arith.addi %add3A_508, %add3A_509 : i32
      %swap3A_511 = arith.index_cast %add3A_510 : i32 to index
      %swap3A_512 = tpu.vector_load %arg6[%swap3A_511] {strides = array<i32>} : memref<32768xf32, #tpu.memory_space<vmem>>, vector<16xf32>,
      %swap3A_513 = vector.shape_cast %swap3A_512 : vector<16xf32> to vector<16xf32>
      %swap3A_514 = vector.shape_cast %gather3A_214 : vector<16xf32> to vector<16xf32>
      tpu.vector_store %arg6[%swap3A_511], %swap3A_514 {strides = array<i32>} : memref<32768xf32, #tpu.memory_space<vmem>>, vector<16xf32>,
      %add3A_515 = arith.constant 384 : i32
      %add3A_516 = arith.addi %mul3A_275, %add3A_515 : i32
      %add3A_517 = arith.constant 96 : i32
      %add3A_518 = arith.addi %add3A_516, %add3A_517 : i32
      %swap3A_519 = arith.index_cast %add3A_518 : i32 to index
      %swap3A_520 = tpu.vector_load %arg6[%swap3A_519] {strides = array<i32>} : memref<32768xf32, #tpu.memory_space<vmem>>, vector<16xf32>,
      %swap3A_521 = vector.shape_cast %swap3A_520 : vector<16xf32> to vector<16xf32>
      %swap3A_522 = vector.shape_cast %gather3A_214 : vector<16xf32> to vector<16xf32>
      tpu.vector_store %arg6[%swap3A_519], %swap3A_522 {strides = array<i32>} : memref<32768xf32, #tpu.memory_space<vmem>>, vector<16xf32>,
      %add3A_523 = arith.constant 384 : i32
      %add3A_524 = arith.addi %mul3A_275, %add3A_523 : i32
      %add3A_525 = arith.constant 112 : i32
      %add3A_526 = arith.addi %add3A_524, %add3A_525 : i32
      %swap3A_527 = arith.index_cast %add3A_526 : i32 to index
      %swap3A_528 = tpu.vector_load %arg6[%swap3A_527] {strides = array<i32>} : memref<32768xf32, #tpu.memory_space<vmem>>, vector<16xf32>,
      %swap3A_529 = vector.shape_cast %swap3A_528 : vector<16xf32> to vector<16xf32>
      %swap3A_530 = vector.shape_cast %gather3A_214 : vector<16xf32> to vector<16xf32>
      tpu.vector_store %arg6[%swap3A_527], %swap3A_530 {strides = array<i32>} : memref<32768xf32, #tpu.memory_space<vmem>>, vector<16xf32>,
      %add3A_531 = arith.constant 512 : i32
      %add3A_532 = arith.addi %mul3A_275, %add3A_531 : i32
      %add3A_533 = arith.constant 0 : i32
      %add3A_534 = arith.addi %add3A_532, %add3A_533 : i32
      %swap3A_535 = arith.index_cast %add3A_534 : i32 to index
      %swap3A_536 = tpu.vector_load %arg6[%swap3A_535] {strides = array<i32>} : memref<32768xf32, #tpu.memory_space<vmem>>, vector<16xf32>,
      %swap3A_537 = vector.shape_cast %swap3A_536 : vector<16xf32> to vector<16xf32>
      %swap3A_538 = vector.shape_cast %gather3A_219 : vector<16xf32> to vector<16xf32>
      tpu.vector_store %arg6[%swap3A_535], %swap3A_538 {strides = array<i32>} : memref<32768xf32, #tpu.memory_space<vmem>>, vector<16xf32>,
      %add3A_539 = arith.constant 512 : i32
      %add3A_540 = arith.addi %mul3A_275, %add3A_539 : i32
      %add3A_541 = arith.constant 16 : i32
      %add3A_542 = arith.addi %add3A_540, %add3A_541 : i32
      %swap3A_543 = arith.index_cast %add3A_542 : i32 to index
      %swap3A_544 = tpu.vector_load %arg6[%swap3A_543] {strides = array<i32>} : memref<32768xf32, #tpu.memory_space<vmem>>, vector<16xf32>,
      %swap3A_545 = vector.shape_cast %swap3A_544 : vector<16xf32> to vector<16xf32>
      %swap3A_546 = vector.shape_cast %gather3A_219 : vector<16xf32> to vector<16xf32>
      tpu.vector_store %arg6[%swap3A_543], %swap3A_546 {strides = array<i32>} : memref<32768xf32, #tpu.memory_space<vmem>>, vector<16xf32>,
      %add3A_547 = arith.constant 512 : i32
      %add3A_548 = arith.addi %mul3A_275, %add3A_547 : i32
      %add3A_549 = arith.constant 32 : i32
      %add3A_550 = arith.addi %add3A_548, %add3A_549 : i32
      %swap3A_551 = arith.index_cast %add3A_550 : i32 to index
      %swap3A_552 = tpu.vector_load %arg6[%swap3A_551] {strides = array<i32>} : memref<32768xf32, #tpu.memory_space<vmem>>, vector<16xf32>,
      %swap3A_553 = vector.shape_cast %swap3A_552 : vector<16xf32> to vector<16xf32>
      %swap3A_554 = vector.shape_cast %gather3A_219 : vector<16xf32> to vector<16xf32>
      tpu.vector_store %arg6[%swap3A_551], %swap3A_554 {strides = array<i32>} : memref<32768xf32, #tpu.memory_space<vmem>>, vector<16xf32>,
      %add3A_555 = arith.constant 512 : i32
      %add3A_556 = arith.addi %mul3A_275, %add3A_555 : i32
      %add3A_557 = arith.constant 48 : i32
      %add3A_558 = arith.addi %add3A_556, %add3A_557 : i32
      %swap3A_559 = arith.index_cast %add3A_558 : i32 to index
      %swap3A_560 = tpu.vector_load %arg6[%swap3A_559] {strides = array<i32>} : memref<32768xf32, #tpu.memory_space<vmem>>, vector<16xf32>,
      %swap3A_561 = vector.shape_cast %swap3A_560 : vector<16xf32> to vector<16xf32>
      %swap3A_562 = vector.shape_cast %gather3A_219 : vector<16xf32> to vector<16xf32>
      tpu.vector_store %arg6[%swap3A_559], %swap3A_562 {strides = array<i32>} : memref<32768xf32, #tpu.memory_space<vmem>>, vector<16xf32>,
      %add3A_563 = arith.constant 512 : i32
      %add3A_564 = arith.addi %mul3A_275, %add3A_563 : i32
      %add3A_565 = arith.constant 64 : i32
      %add3A_566 = arith.addi %add3A_564, %add3A_565 : i32
      %swap3A_567 = arith.index_cast %add3A_566 : i32 to index
      %swap3A_568 = tpu.vector_load %arg6[%swap3A_567] {strides = array<i32>} : memref<32768xf32, #tpu.memory_space<vmem>>, vector<16xf32>,
      %swap3A_569 = vector.shape_cast %swap3A_568 : vector<16xf32> to vector<16xf32>
      %swap3A_570 = vector.shape_cast %gather3A_219 : vector<16xf32> to vector<16xf32>
      tpu.vector_store %arg6[%swap3A_567], %swap3A_570 {strides = array<i32>} : memref<32768xf32, #tpu.memory_space<vmem>>, vector<16xf32>,
      %add3A_571 = arith.constant 512 : i32
      %add3A_572 = arith.addi %mul3A_275, %add3A_571 : i32
      %add3A_573 = arith.constant 80 : i32
      %add3A_574 = arith.addi %add3A_572, %add3A_573 : i32
      %swap3A_575 = arith.index_cast %add3A_574 : i32 to index
      %swap3A_576 = tpu.vector_load %arg6[%swap3A_575] {strides = array<i32>} : memref<32768xf32, #tpu.memory_space<vmem>>, vector<16xf32>,
      %swap3A_577 = vector.shape_cast %swap3A_576 : vector<16xf32> to vector<16xf32>
      %swap3A_578 = vector.shape_cast %gather3A_219 : vector<16xf32> to vector<16xf32>
      tpu.vector_store %arg6[%swap3A_575], %swap3A_578 {strides = array<i32>} : memref<32768xf32, #tpu.memory_space<vmem>>, vector<16xf32>,
      %add3A_579 = arith.constant 512 : i32
      %add3A_580 = arith.addi %mul3A_275, %add3A_579 : i32
      %add3A_581 = arith.constant 96 : i32
      %add3A_582 = arith.addi %add3A_580, %add3A_581 : i32
      %swap3A_583 = arith.index_cast %add3A_582 : i32 to index
      %swap3A_584 = tpu.vector_load %arg6[%swap3A_583] {strides = array<i32>} : memref<32768xf32, #tpu.memory_space<vmem>>, vector<16xf32>,
      %swap3A_585 = vector.shape_cast %swap3A_584 : vector<16xf32> to vector<16xf32>
      %swap3A_586 = vector.shape_cast %gather3A_219 : vector<16xf32> to vector<16xf32>
      tpu.vector_store %arg6[%swap3A_583], %swap3A_586 {strides = array<i32>} : memref<32768xf32, #tpu.memory_space<vmem>>, vector<16xf32>,
      %add3A_587 = arith.constant 512 : i32
      %add3A_588 = arith.addi %mul3A_275, %add3A_587 : i32
      %add3A_589 = arith.constant 112 : i32
      %add3A_590 = arith.addi %add3A_588, %add3A_589 : i32
      %swap3A_591 = arith.index_cast %add3A_590 : i32 to index
      %swap3A_592 = tpu.vector_load %arg6[%swap3A_591] {strides = array<i32>} : memref<32768xf32, #tpu.memory_space<vmem>>, vector<16xf32>,
      %swap3A_593 = vector.shape_cast %swap3A_592 : vector<16xf32> to vector<16xf32>
      %swap3A_594 = vector.shape_cast %gather3A_219 : vector<16xf32> to vector<16xf32>
      tpu.vector_store %arg6[%swap3A_591], %swap3A_594 {strides = array<i32>} : memref<32768xf32, #tpu.memory_space<vmem>>, vector<16xf32>,
      %add3A_595 = arith.constant 640 : i32
      %add3A_596 = arith.addi %mul3A_275, %add3A_595 : i32
      %add3A_597 = arith.constant 0 : i32
      %add3A_598 = arith.addi %add3A_596, %add3A_597 : i32
      %swap3A_599 = arith.index_cast %add3A_598 : i32 to index
      %swap3A_600 = tpu.vector_load %arg6[%swap3A_599] {strides = array<i32>} : memref<32768xf32, #tpu.memory_space<vmem>>, vector<16xf32>,
      %swap3A_601 = vector.shape_cast %swap3A_600 : vector<16xf32> to vector<16xf32>
      %swap3A_602 = vector.shape_cast %gather3A_224 : vector<16xf32> to vector<16xf32>
      tpu.vector_store %arg6[%swap3A_599], %swap3A_602 {strides = array<i32>} : memref<32768xf32, #tpu.memory_space<vmem>>, vector<16xf32>,
      %add3A_603 = arith.constant 640 : i32
      %add3A_604 = arith.addi %mul3A_275, %add3A_603 : i32
      %add3A_605 = arith.constant 16 : i32
      %add3A_606 = arith.addi %add3A_604, %add3A_605 : i32
      %swap3A_607 = arith.index_cast %add3A_606 : i32 to index
      %swap3A_608 = tpu.vector_load %arg6[%swap3A_607] {strides = array<i32>} : memref<32768xf32, #tpu.memory_space<vmem>>, vector<16xf32>,
      %swap3A_609 = vector.shape_cast %swap3A_608 : vector<16xf32> to vector<16xf32>
      %swap3A_610 = vector.shape_cast %gather3A_224 : vector<16xf32> to vector<16xf32>
      tpu.vector_store %arg6[%swap3A_607], %swap3A_610 {strides = array<i32>} : memref<32768xf32, #tpu.memory_space<vmem>>, vector<16xf32>,
      %add3A_611 = arith.constant 640 : i32
      %add3A_612 = arith.addi %mul3A_275, %add3A_611 : i32
      %add3A_613 = arith.constant 32 : i32
      %add3A_614 = arith.addi %add3A_612, %add3A_613 : i32
      %swap3A_615 = arith.index_cast %add3A_614 : i32 to index
      %swap3A_616 = tpu.vector_load %arg6[%swap3A_615] {strides = array<i32>} : memref<32768xf32, #tpu.memory_space<vmem>>, vector<16xf32>,
      %swap3A_617 = vector.shape_cast %swap3A_616 : vector<16xf32> to vector<16xf32>
      %swap3A_618 = vector.shape_cast %gather3A_224 : vector<16xf32> to vector<16xf32>
      tpu.vector_store %arg6[%swap3A_615], %swap3A_618 {strides = array<i32>} : memref<32768xf32, #tpu.memory_space<vmem>>, vector<16xf32>,
      %add3A_619 = arith.constant 640 : i32
      %add3A_620 = arith.addi %mul3A_275, %add3A_619 : i32
      %add3A_621 = arith.constant 48 : i32
      %add3A_622 = arith.addi %add3A_620, %add3A_621 : i32
      %swap3A_623 = arith.index_cast %add3A_622 : i32 to index
      %swap3A_624 = tpu.vector_load %arg6[%swap3A_623] {strides = array<i32>} : memref<32768xf32, #tpu.memory_space<vmem>>, vector<16xf32>,
      %swap3A_625 = vector.shape_cast %swap3A_624 : vector<16xf32> to vector<16xf32>
      %swap3A_626 = vector.shape_cast %gather3A_224 : vector<16xf32> to vector<16xf32>
      tpu.vector_store %arg6[%swap3A_623], %swap3A_626 {strides = array<i32>} : memref<32768xf32, #tpu.memory_space<vmem>>, vector<16xf32>,
      %add3A_627 = arith.constant 640 : i32
      %add3A_628 = arith.addi %mul3A_275, %add3A_627 : i32
      %add3A_629 = arith.constant 64 : i32
      %add3A_630 = arith.addi %add3A_628, %add3A_629 : i32
      %swap3A_631 = arith.index_cast %add3A_630 : i32 to index
      %swap3A_632 = tpu.vector_load %arg6[%swap3A_631] {strides = array<i32>} : memref<32768xf32, #tpu.memory_space<vmem>>, vector<16xf32>,
      %swap3A_633 = vector.shape_cast %swap3A_632 : vector<16xf32> to vector<16xf32>
      %swap3A_634 = vector.shape_cast %gather3A_224 : vector<16xf32> to vector<16xf32>
      tpu.vector_store %arg6[%swap3A_631], %swap3A_634 {strides = array<i32>} : memref<32768xf32, #tpu.memory_space<vmem>>, vector<16xf32>,
      %add3A_635 = arith.constant 640 : i32
      %add3A_636 = arith.addi %mul3A_275, %add3A_635 : i32
      %add3A_637 = arith.constant 80 : i32
      %add3A_638 = arith.addi %add3A_636, %add3A_637 : i32
      %swap3A_639 = arith.index_cast %add3A_638 : i32 to index
      %swap3A_640 = tpu.vector_load %arg6[%swap3A_639] {strides = array<i32>} : memref<32768xf32, #tpu.memory_space<vmem>>, vector<16xf32>,
      %swap3A_641 = vector.shape_cast %swap3A_640 : vector<16xf32> to vector<16xf32>
      %swap3A_642 = vector.shape_cast %gather3A_224 : vector<16xf32> to vector<16xf32>
      tpu.vector_store %arg6[%swap3A_639], %swap3A_642 {strides = array<i32>} : memref<32768xf32, #tpu.memory_space<vmem>>, vector<16xf32>,
      %add3A_643 = arith.constant 640 : i32
      %add3A_644 = arith.addi %mul3A_275, %add3A_643 : i32
      %add3A_645 = arith.constant 96 : i32
      %add3A_646 = arith.addi %add3A_644, %add3A_645 : i32
      %swap3A_647 = arith.index_cast %add3A_646 : i32 to index
      %swap3A_648 = tpu.vector_load %arg6[%swap3A_647] {strides = array<i32>} : memref<32768xf32, #tpu.memory_space<vmem>>, vector<16xf32>,
      %swap3A_649 = vector.shape_cast %swap3A_648 : vector<16xf32> to vector<16xf32>
      %swap3A_650 = vector.shape_cast %gather3A_224 : vector<16xf32> to vector<16xf32>
      tpu.vector_store %arg6[%swap3A_647], %swap3A_650 {strides = array<i32>} : memref<32768xf32, #tpu.memory_space<vmem>>, vector<16xf32>,
      %add3A_651 = arith.constant 640 : i32
      %add3A_652 = arith.addi %mul3A_275, %add3A_651 : i32
      %add3A_653 = arith.constant 112 : i32
      %add3A_654 = arith.addi %add3A_652, %add3A_653 : i32
      %swap3A_655 = arith.index_cast %add3A_654 : i32 to index
      %swap3A_656 = tpu.vector_load %arg6[%swap3A_655] {strides = array<i32>} : memref<32768xf32, #tpu.memory_space<vmem>>, vector<16xf32>,
      %swap3A_657 = vector.shape_cast %swap3A_656 : vector<16xf32> to vector<16xf32>
      %swap3A_658 = vector.shape_cast %gather3A_224 : vector<16xf32> to vector<16xf32>
      tpu.vector_store %arg6[%swap3A_655], %swap3A_658 {strides = array<i32>} : memref<32768xf32, #tpu.memory_space<vmem>>, vector<16xf32>,
      %add3A_659 = arith.constant 768 : i32
      %add3A_660 = arith.addi %mul3A_275, %add3A_659 : i32
      %add3A_661 = arith.constant 0 : i32
      %add3A_662 = arith.addi %add3A_660, %add3A_661 : i32
      %swap3A_663 = arith.index_cast %add3A_662 : i32 to index
      %swap3A_664 = tpu.vector_load %arg6[%swap3A_663] {strides = array<i32>} : memref<32768xf32, #tpu.memory_space<vmem>>, vector<16xf32>,
      %swap3A_665 = vector.shape_cast %swap3A_664 : vector<16xf32> to vector<16xf32>
      %swap3A_666 = vector.shape_cast %gather3A_229 : vector<16xf32> to vector<16xf32>
      tpu.vector_store %arg6[%swap3A_663], %swap3A_666 {strides = array<i32>} : memref<32768xf32, #tpu.memory_space<vmem>>, vector<16xf32>,
      %add3A_667 = arith.constant 768 : i32
      %add3A_668 = arith.addi %mul3A_275, %add3A_667 : i32
      %add3A_669 = arith.constant 16 : i32
      %add3A_670 = arith.addi %add3A_668, %add3A_669 : i32
      %swap3A_671 = arith.index_cast %add3A_670 : i32 to index
      %swap3A_672 = tpu.vector_load %arg6[%swap3A_671] {strides = array<i32>} : memref<32768xf32, #tpu.memory_space<vmem>>, vector<16xf32>,
      %swap3A_673 = vector.shape_cast %swap3A_672 : vector<16xf32> to vector<16xf32>
      %swap3A_674 = vector.shape_cast %gather3A_229 : vector<16xf32> to vector<16xf32>
      tpu.vector_store %arg6[%swap3A_671], %swap3A_674 {strides = array<i32>} : memref<32768xf32, #tpu.memory_space<vmem>>, vector<16xf32>,
      %add3A_675 = arith.constant 768 : i32
      %add3A_676 = arith.addi %mul3A_275, %add3A_675 : i32
      %add3A_677 = arith.constant 32 : i32
      %add3A_678 = arith.addi %add3A_676, %add3A_677 : i32
      %swap3A_679 = arith.index_cast %add3A_678 : i32 to index
      %swap3A_680 = tpu.vector_load %arg6[%swap3A_679] {strides = array<i32>} : memref<32768xf32, #tpu.memory_space<vmem>>, vector<16xf32>,
      %swap3A_681 = vector.shape_cast %swap3A_680 : vector<16xf32> to vector<16xf32>
      %swap3A_682 = vector.shape_cast %gather3A_229 : vector<16xf32> to vector<16xf32>
      tpu.vector_store %arg6[%swap3A_679], %swap3A_682 {strides = array<i32>} : memref<32768xf32, #tpu.memory_space<vmem>>, vector<16xf32>,
      %add3A_683 = arith.constant 768 : i32
      %add3A_684 = arith.addi %mul3A_275, %add3A_683 : i32
      %add3A_685 = arith.constant 48 : i32
      %add3A_686 = arith.addi %add3A_684, %add3A_685 : i32
      %swap3A_687 = arith.index_cast %add3A_686 : i32 to index
      %swap3A_688 = tpu.vector_load %arg6[%swap3A_687] {strides = array<i32>} : memref<32768xf32, #tpu.memory_space<vmem>>, vector<16xf32>,
      %swap3A_689 = vector.shape_cast %swap3A_688 : vector<16xf32> to vector<16xf32>
      %swap3A_690 = vector.shape_cast %gather3A_229 : vector<16xf32> to vector<16xf32>
      tpu.vector_store %arg6[%swap3A_687], %swap3A_690 {strides = array<i32>} : memref<32768xf32, #tpu.memory_space<vmem>>, vector<16xf32>,
      %add3A_691 = arith.constant 768 : i32
      %add3A_692 = arith.addi %mul3A_275, %add3A_691 : i32
      %add3A_693 = arith.constant 64 : i32
      %add3A_694 = arith.addi %add3A_692, %add3A_693 : i32
      %swap3A_695 = arith.index_cast %add3A_694 : i32 to index
      %swap3A_696 = tpu.vector_load %arg6[%swap3A_695] {strides = array<i32>} : memref<32768xf32, #tpu.memory_space<vmem>>, vector<16xf32>,
      %swap3A_697 = vector.shape_cast %swap3A_696 : vector<16xf32> to vector<16xf32>
      %swap3A_698 = vector.shape_cast %gather3A_229 : vector<16xf32> to vector<16xf32>
      tpu.vector_store %arg6[%swap3A_695], %swap3A_698 {strides = array<i32>} : memref<32768xf32, #tpu.memory_space<vmem>>, vector<16xf32>,
      %add3A_699 = arith.constant 768 : i32
      %add3A_700 = arith.addi %mul3A_275, %add3A_699 : i32
      %add3A_701 = arith.constant 80 : i32
      %add3A_702 = arith.addi %add3A_700, %add3A_701 : i32
      %swap3A_703 = arith.index_cast %add3A_702 : i32 to index
      %swap3A_704 = tpu.vector_load %arg6[%swap3A_703] {strides = array<i32>} : memref<32768xf32, #tpu.memory_space<vmem>>, vector<16xf32>,
      %swap3A_705 = vector.shape_cast %swap3A_704 : vector<16xf32> to vector<16xf32>
      %swap3A_706 = vector.shape_cast %gather3A_229 : vector<16xf32> to vector<16xf32>
      tpu.vector_store %arg6[%swap3A_703], %swap3A_706 {strides = array<i32>} : memref<32768xf32, #tpu.memory_space<vmem>>, vector<16xf32>,
      %add3A_707 = arith.constant 768 : i32
      %add3A_708 = arith.addi %mul3A_275, %add3A_707 : i32
      %add3A_709 = arith.constant 96 : i32
      %add3A_710 = arith.addi %add3A_708, %add3A_709 : i32
      %swap3A_711 = arith.index_cast %add3A_710 : i32 to index
      %swap3A_712 = tpu.vector_load %arg6[%swap3A_711] {strides = array<i32>} : memref<32768xf32, #tpu.memory_space<vmem>>, vector<16xf32>,
      %swap3A_713 = vector.shape_cast %swap3A_712 : vector<16xf32> to vector<16xf32>
      %swap3A_714 = vector.shape_cast %gather3A_229 : vector<16xf32> to vector<16xf32>
      tpu.vector_store %arg6[%swap3A_711], %swap3A_714 {strides = array<i32>} : memref<32768xf32, #tpu.memory_space<vmem>>, vector<16xf32>,
      %add3A_715 = arith.constant 768 : i32
      %add3A_716 = arith.addi %mul3A_275, %add3A_715 : i32
      %add3A_717 = arith.constant 112 : i32
      %add3A_718 = arith.addi %add3A_716, %add3A_717 : i32
      %swap3A_719 = arith.index_cast %add3A_718 : i32 to index
      %swap3A_720 = tpu.vector_load %arg6[%swap3A_719] {strides = array<i32>} : memref<32768xf32, #tpu.memory_space<vmem>>, vector<16xf32>,
      %swap3A_721 = vector.shape_cast %swap3A_720 : vector<16xf32> to vector<16xf32>
      %swap3A_722 = vector.shape_cast %gather3A_229 : vector<16xf32> to vector<16xf32>
      tpu.vector_store %arg6[%swap3A_719], %swap3A_722 {strides = array<i32>} : memref<32768xf32, #tpu.memory_space<vmem>>, vector<16xf32>,
      %add3A_723 = arith.constant 896 : i32
      %add3A_724 = arith.addi %mul3A_275, %add3A_723 : i32
      %add3A_725 = arith.constant 0 : i32
      %add3A_726 = arith.addi %add3A_724, %add3A_725 : i32
      %swap3A_727 = arith.index_cast %add3A_726 : i32 to index
      %swap3A_728 = tpu.vector_load %arg6[%swap3A_727] {strides = array<i32>} : memref<32768xf32, #tpu.memory_space<vmem>>, vector<16xf32>,
      %swap3A_729 = vector.shape_cast %swap3A_728 : vector<16xf32> to vector<16xf32>
      %swap3A_730 = vector.shape_cast %gather3A_234 : vector<16xf32> to vector<16xf32>
      tpu.vector_store %arg6[%swap3A_727], %swap3A_730 {strides = array<i32>} : memref<32768xf32, #tpu.memory_space<vmem>>, vector<16xf32>,
      %add3A_731 = arith.constant 896 : i32
      %add3A_732 = arith.addi %mul3A_275, %add3A_731 : i32
      %add3A_733 = arith.constant 16 : i32
      %add3A_734 = arith.addi %add3A_732, %add3A_733 : i32
      %swap3A_735 = arith.index_cast %add3A_734 : i32 to index
      %swap3A_736 = tpu.vector_load %arg6[%swap3A_735] {strides = array<i32>} : memref<32768xf32, #tpu.memory_space<vmem>>, vector<16xf32>,
      %swap3A_737 = vector.shape_cast %swap3A_736 : vector<16xf32> to vector<16xf32>
      %swap3A_738 = vector.shape_cast %gather3A_234 : vector<16xf32> to vector<16xf32>
      tpu.vector_store %arg6[%swap3A_735], %swap3A_738 {strides = array<i32>} : memref<32768xf32, #tpu.memory_space<vmem>>, vector<16xf32>,
      %add3A_739 = arith.constant 896 : i32
      %add3A_740 = arith.addi %mul3A_275, %add3A_739 : i32
      %add3A_741 = arith.constant 32 : i32
      %add3A_742 = arith.addi %add3A_740, %add3A_741 : i32
      %swap3A_743 = arith.index_cast %add3A_742 : i32 to index
      %swap3A_744 = tpu.vector_load %arg6[%swap3A_743] {strides = array<i32>} : memref<32768xf32, #tpu.memory_space<vmem>>, vector<16xf32>,
      %swap3A_745 = vector.shape_cast %swap3A_744 : vector<16xf32> to vector<16xf32>
      %swap3A_746 = vector.shape_cast %gather3A_234 : vector<16xf32> to vector<16xf32>
      tpu.vector_store %arg6[%swap3A_743], %swap3A_746 {strides = array<i32>} : memref<32768xf32, #tpu.memory_space<vmem>>, vector<16xf32>,
      %add3A_747 = arith.constant 896 : i32
      %add3A_748 = arith.addi %mul3A_275, %add3A_747 : i32
      %add3A_749 = arith.constant 48 : i32
      %add3A_750 = arith.addi %add3A_748, %add3A_749 : i32
      %swap3A_751 = arith.index_cast %add3A_750 : i32 to index
      %swap3A_752 = tpu.vector_load %arg6[%swap3A_751] {strides = array<i32>} : memref<32768xf32, #tpu.memory_space<vmem>>, vector<16xf32>,
      %swap3A_753 = vector.shape_cast %swap3A_752 : vector<16xf32> to vector<16xf32>
      %swap3A_754 = vector.shape_cast %gather3A_234 : vector<16xf32> to vector<16xf32>
      tpu.vector_store %arg6[%swap3A_751], %swap3A_754 {strides = array<i32>} : memref<32768xf32, #tpu.memory_space<vmem>>, vector<16xf32>,
      %add3A_755 = arith.constant 896 : i32
      %add3A_756 = arith.addi %mul3A_275, %add3A_755 : i32
      %add3A_757 = arith.constant 64 : i32
      %add3A_758 = arith.addi %add3A_756, %add3A_757 : i32
      %swap3A_759 = arith.index_cast %add3A_758 : i32 to index
      %swap3A_760 = tpu.vector_load %arg6[%swap3A_759] {strides = array<i32>} : memref<32768xf32, #tpu.memory_space<vmem>>, vector<16xf32>,
      %swap3A_761 = vector.shape_cast %swap3A_760 : vector<16xf32> to vector<16xf32>
      %swap3A_762 = vector.shape_cast %gather3A_234 : vector<16xf32> to vector<16xf32>
      tpu.vector_store %arg6[%swap3A_759], %swap3A_762 {strides = array<i32>} : memref<32768xf32, #tpu.memory_space<vmem>>, vector<16xf32>,
      %add3A_763 = arith.constant 896 : i32
      %add3A_764 = arith.addi %mul3A_275, %add3A_763 : i32
      %add3A_765 = arith.constant 80 : i32
      %add3A_766 = arith.addi %add3A_764, %add3A_765 : i32
      %swap3A_767 = arith.index_cast %add3A_766 : i32 to index
      %swap3A_768 = tpu.vector_load %arg6[%swap3A_767] {strides = array<i32>} : memref<32768xf32, #tpu.memory_space<vmem>>, vector<16xf32>,
      %swap3A_769 = vector.shape_cast %swap3A_768 : vector<16xf32> to vector<16xf32>
      %swap3A_770 = vector.shape_cast %gather3A_234 : vector<16xf32> to vector<16xf32>
      tpu.vector_store %arg6[%swap3A_767], %swap3A_770 {strides = array<i32>} : memref<32768xf32, #tpu.memory_space<vmem>>, vector<16xf32>,
      %add3A_771 = arith.constant 896 : i32
      %add3A_772 = arith.addi %mul3A_275, %add3A_771 : i32
      %add3A_773 = arith.constant 96 : i32
      %add3A_774 = arith.addi %add3A_772, %add3A_773 : i32
      %swap3A_775 = arith.index_cast %add3A_774 : i32 to index
      %swap3A_776 = tpu.vector_load %arg6[%swap3A_775] {strides = array<i32>} : memref<32768xf32, #tpu.memory_space<vmem>>, vector<16xf32>,
      %swap3A_777 = vector.shape_cast %swap3A_776 : vector<16xf32> to vector<16xf32>
      %swap3A_778 = vector.shape_cast %gather3A_234 : vector<16xf32> to vector<16xf32>
      tpu.vector_store %arg6[%swap3A_775], %swap3A_778 {strides = array<i32>} : memref<32768xf32, #tpu.memory_space<vmem>>, vector<16xf32>,
      %add3A_779 = arith.constant 896 : i32
      %add3A_780 = arith.addi %mul3A_275, %add3A_779 : i32
      %add3A_781 = arith.constant 112 : i32
      %add3A_782 = arith.addi %add3A_780, %add3A_781 : i32
      %swap3A_783 = arith.index_cast %add3A_782 : i32 to index
      %swap3A_784 = tpu.vector_load %arg6[%swap3A_783] {strides = array<i32>} : memref<32768xf32, #tpu.memory_space<vmem>>, vector<16xf32>,
      %swap3A_785 = vector.shape_cast %swap3A_784 : vector<16xf32> to vector<16xf32>
      %swap3A_786 = vector.shape_cast %gather3A_234 : vector<16xf32> to vector<16xf32>
      tpu.vector_store %arg6[%swap3A_783], %swap3A_786 {strides = array<i32>} : memref<32768xf32, #tpu.memory_space<vmem>>, vector<16xf32>,
      %scan3A_787 = arith.constant 0 : i32
      scf.yield %scan3A_787 : i32
    }
    %scan3A_241 = arith.constant 32 : i32
    %mul3A_242 = arith.constant 32768 : i32
    %mul3A_243 = arith.muli %add3A_119, %mul3A_242 : i32
    %dma_start3A_244 = tpu.memref_slice %arg3[%mul3A_243] : memref<52428800xf32, #tpu.memory_space<hbm>> -> memref<32768xf32, #tpu.memory_space<hbm>>
    %dma_start3A_245 = tpu.memref_slice %arg3[%mul3A_243] : memref<52428800xf32, #tpu.memory_space<hbm>> -> memref<32768xf32, #tpu.memory_space<hbm>>
    tpu.enqueue_dma source(%arg6 : memref<32768xf32, #tpu.memory_space<vmem>>) target(%dma_start3A_245 : memref<32768xf32, #tpu.memory_space<hbm>>) target_semaphore(%arg8 : memref<!tpu.dma_semaphore, #tpu.memory_space<semaphore_mem>>)
    %scan3A_246 = arith.constant 0 : i32
    %scan3A_247 = arith.constant 2 : i32
    %scan3A_248 = arith.constant 48 : i32
    %scan3A_249 = arith.addi %scan3A_247, %scan3A_248 : i32
    %scan3A_250 = arith.constant 1 : i32
    %scan3A_251 = scf.for %scan3A_272 = %scan3A_247 to %scan3A_249 step %scan3A_250 iter_args(%scan3A_273 = %scan3A_246) -> (i32)  : i32 {
      %mul3A_274 = arith.constant 50 : i32
      %mul3A_275 = arith.muli %add3A, %mul3A_274 : i32
      %add3A_276 = arith.addi %mul3A_275, %scan3A_272 : i32
      %sub3A_277 = arith.constant 2 : i32
      %sub3A_278 = arith.subi %add3A_276, %sub3A_277 : i32
      %jit3A_279 = arith.constant 2 : i32
      %eq3A_280 = arith.constant 0 : i32
      %eq3A_281 = arith.cmpi eq, %jit3A_279, %eq3A_280 : i32
      %jit3A_282 = arith.constant 1 : i32
      %select_n3A_283 = arith.select %eq3A_281, %jit3A_282, %jit3A_279 : i32
      %rem3A_284 = arith.remsi %scan3A_272, %select_n3A_283 : i32
      %ne3A_285 = arith.constant 0 : i32
      %ne3A_286 = arith.cmpi ne, %rem3A_284, %ne3A_285 : i32
      %lt3A_287 = arith.constant 0 : i32
      %lt3A_288 = arith.cmpi slt, %rem3A_284, %lt3A_287 : i32
      %lt3A_289 = arith.constant 0 : i32
      %lt3A_290 = arith.cmpi slt, %select_n3A_283, %lt3A_289 : i32
      %ne3A_291 = arith.xori %lt3A_288, %lt3A_290 : i1
      %and3A_292 = arith.andi %ne3A_291, %ne3A_286 : i1
      %add3A_293 = arith.addi %rem3A_284, %select_n3A_283 : i32
      %select_n3A_294 = arith.select %and3A_292, %add3A_293, %rem3A_284 : i32
      %eq3A_295 = arith.constant 0 : i32
      %eq3A_296 = arith.cmpi eq, %select_n3A_294, %eq3A_295 : i32
      %convert_element_type3A = arith.extui %eq3A_296 : i1 to i32
      %cond3A = arith.constant 0 : i32
      %cond3A_297 = arith.cmpi ne, %convert_element_type3A, %cond3A : i32
      %cond3A_298 = scf.if %cond3A_297 -> (i32) {
        %mul3A_300 = arith.constant 32768 : i32
        %mul3A_301 = arith.muli %sub3A_278, %mul3A_300 : i32
        %dma_wait3A_302 = tpu.memref_slice %arg3[%mul3A_301] : memref<52428800xf32, #tpu.memory_space<hbm>> -> memref<32768xf32, #tpu.memory_space<hbm>>
        %dma_wait3A_303 = tpu.memref_slice %arg3[%mul3A_301] : memref<52428800xf32, #tpu.memory_space<hbm>> -> memref<32768xf32, #tpu.memory_space<hbm>>
        tpu.wait_dma2 semaphore(%arg7 : memref<!tpu.dma_semaphore, #tpu.memory_space<semaphore_mem>>) src(%arg5 : memref<32768xf32, #tpu.memory_space<vmem>>) dst(%dma_wait3A_303 : memref<32768xf32, #tpu.memory_space<hbm>>)
        %jit3A_304 = arith.constant 8 : i32
        %div3A_305 = arith.divsi %add3A_276, %jit3A_304 : i32
        %sign3A_306 = arith.constant 0 : i32
        %sign3A_307 = arith.cmpi sgt, %add3A_276, %sign3A_306 : i32
        %sign3A_308 = arith.extui %sign3A_307 : i1 to i32
        %sign3A_309 = arith.constant 0 : i32
        %sign3A_310 = arith.cmpi slt, %add3A_276, %sign3A_309 : i32
        %sign3A_311 = arith.extui %sign3A_310 : i1 to i32
        %sign3A_312 = arith.subi %sign3A_308, %sign3A_311 : i32
        %sign3A_313 = arith.constant 0 : i32
        %sign3A_314 = arith.cmpi sgt, %jit3A_304, %sign3A_313 : i32
        %sign3A_315 = arith.extui %sign3A_314 : i1 to i32
        %sign3A_316 = arith.constant 0 : i32
        %sign3A_317 = arith.cmpi slt, %jit3A_304, %sign3A_316 : i32
        %sign3A_318 = arith.extui %sign3A_317 : i1 to i32
        %sign3A_319 = arith.subi %sign3A_315, %sign3A_318 : i32
        %ne3A_320 = arith.cmpi ne, %sign3A_312, %sign3A_319 : i32
        %rem3A_321 = arith.remsi %add3A_276, %jit3A_304 : i32
        %ne3A_322 = arith.constant 0 : i32
        %ne3A_323 = arith.cmpi ne, %rem3A_321, %ne3A_322 : i32
        %and3A_324 = arith.andi %ne3A_320, %ne3A_323 : i1
        %sub3A_325 = arith.constant 1 : i32
        %sub3A_326 = arith.subi %div3A_305, %sub3A_325 : i32
        %select_n3A_327 = arith.select %and3A_324, %sub3A_326, %div3A_305 : i32
        %jit3A_328 = arith.constant 8 : i32
        %eq3A_329 = arith.constant 0 : i32
        %eq3A_330 = arith.cmpi eq, %jit3A_328, %eq3A_329 : i32
        %jit3A_331 = arith.constant 1 : i32
        %select_n3A_332 = arith.select %eq3A_330, %jit3A_331, %jit3A_328 : i32
        %rem3A_333 = arith.remsi %add3A_276, %select_n3A_332 : i32
        %ne3A_334 = arith.constant 0 : i32
        %ne3A_335 = arith.cmpi ne, %rem3A_333, %ne3A_334 : i32
        %lt3A_336 = arith.constant 0 : i32
        %lt3A_337 = arith.cmpi slt, %rem3A_333, %lt3A_336 : i32
        %lt3A_338 = arith.constant 0 : i32
        %lt3A_339 = arith.cmpi slt, %select_n3A_332, %lt3A_338 : i32
        %ne3A_340 = arith.xori %lt3A_337, %lt3A_339 : i1
        %and3A_341 = arith.andi %ne3A_340, %ne3A_335 : i1
        %add3A_342 = arith.addi %rem3A_333, %select_n3A_332 : i32
        %select_n3A_343 = arith.select %and3A_341, %add3A_342, %rem3A_333 : i32
        %mul3A_344 = arith.constant 64 : i32
        %mul3A_345 = arith.muli %select_n3A_327, %mul3A_344 : i32
        %mul3A_346 = arith.constant 8 : i32
        %mul3A_347 = arith.muli %select_n3A_343, %mul3A_346 : i32
        %add3A_348 = arith.addi %mul3A_345, %mul3A_347 : i32
        %jit3A_349 = arith.constant 16 : i32
        %div3A_350 = arith.divsi %add3A_348, %jit3A_349 : i32
        %sign3A_351 = arith.constant 0 : i32
        %sign3A_352 = arith.cmpi sgt, %add3A_348, %sign3A_351 : i32
        %sign3A_353 = arith.extui %sign3A_352 : i1 to i32
        %sign3A_354 = arith.constant 0 : i32
        %sign3A_355 = arith.cmpi slt, %add3A_348, %sign3A_354 : i32
        %sign3A_356 = arith.extui %sign3A_355 : i1 to i32
        %sign3A_357 = arith.subi %sign3A_353, %sign3A_356 : i32
        %sign3A_358 = arith.constant 0 : i32
        %sign3A_359 = arith.cmpi sgt, %jit3A_349, %sign3A_358 : i32
        %sign3A_360 = arith.extui %sign3A_359 : i1 to i32
        %sign3A_361 = arith.constant 0 : i32
        %sign3A_362 = arith.cmpi slt, %jit3A_349, %sign3A_361 : i32
        %sign3A_363 = arith.extui %sign3A_362 : i1 to i32
        %sign3A_364 = arith.subi %sign3A_360, %sign3A_363 : i32
        %ne3A_365 = arith.cmpi ne, %sign3A_357, %sign3A_364 : i32
        %rem3A_366 = arith.remsi %add3A_348, %jit3A_349 : i32
        %ne3A_367 = arith.constant 0 : i32
        %ne3A_368 = arith.cmpi ne, %rem3A_366, %ne3A_367 : i32
        %and3A_369 = arith.andi %ne3A_365, %ne3A_368 : i1
        %sub3A_370 = arith.constant 1 : i32
        %sub3A_371 = arith.subi %div3A_350, %sub3A_370 : i32
        %select_n3A_372 = arith.select %and3A_369, %sub3A_371, %div3A_350 : i32
        %mul3A_373 = arith.constant 16 : i32
        %mul3A_374 = arith.muli %select_n3A_372, %mul3A_373 : i32
        %sub3A_375 = arith.subi %add3A_348, %mul3A_374 : i32
        %get3A_376 = arith.index_cast %mul3A_374 : i32 to index
        %get3A_377 = tpu.vector_load %arg4[%get3A_376] {strides = array<i32>} : memref<12800xf32, #tpu.memory_space<vmem>>, vector<16xf32>,
        %get3A_378 = vector.shape_cast %get3A_377 : vector<16xf32> to vector<16xf32>
        %add3A_379 = arith.constant 0 : i32
        %add3A_380 = arith.addi %sub3A_375, %add3A_379 : i32
        %broadcast_in_dim3A_381 = vector.broadcast %add3A_380 : i32 to vector<16x1xi32>
        %gather3A_382 = vector.shape_cast %broadcast_in_dim3A_381 : vector<16x1xi32> to vector<16xi32>
        %gather3A_383 = tpu.dynamic_gather %get3A_378[%gather3A_382] in [0] : vector<16xf32>, vector<16xi32> -> vector<16xf32>
        %add3A_384 = arith.constant 1 : i32
        %add3A_385 = arith.addi %sub3A_375, %add3A_384 : i32
        %broadcast_in_dim3A_386 = vector.broadcast %add3A_385 : i32 to vector<16x1xi32>
        %gather3A_387 = vector.shape_cast %broadcast_in_dim3A_386 : vector<16x1xi32> to vector<16xi32>
        %gather3A_388 = tpu.dynamic_gather %get3A_378[%gather3A_387] in [0] : vector<16xf32>, vector<16xi32> -> vector<16xf32>
        %add3A_389 = arith.constant 2 : i32
        %add3A_390 = arith.addi %sub3A_375, %add3A_389 : i32
        %broadcast_in_dim3A_391 = vector.broadcast %add3A_390 : i32 to vector<16x1xi32>
        %gather3A_392 = vector.shape_cast %broadcast_in_dim3A_391 : vector<16x1xi32> to vector<16xi32>
        %gather3A_393 = tpu.dynamic_gather %get3A_378[%gather3A_392] in [0] : vector<16xf32>, vector<16xi32> -> vector<16xf32>
        %add3A_394 = arith.constant 3 : i32
        %add3A_395 = arith.addi %sub3A_375, %add3A_394 : i32
        %broadcast_in_dim3A_396 = vector.broadcast %add3A_395 : i32 to vector<16x1xi32>
        %gather3A_397 = vector.shape_cast %broadcast_in_dim3A_396 : vector<16x1xi32> to vector<16xi32>
        %gather3A_398 = tpu.dynamic_gather %get3A_378[%gather3A_397] in [0] : vector<16xf32>, vector<16xi32> -> vector<16xf32>
        %add3A_399 = arith.constant 4 : i32
        %add3A_400 = arith.addi %sub3A_375, %add3A_399 : i32
        %broadcast_in_dim3A_401 = vector.broadcast %add3A_400 : i32 to vector<16x1xi32>
        %gather3A_402 = vector.shape_cast %broadcast_in_dim3A_401 : vector<16x1xi32> to vector<16xi32>
        %gather3A_403 = tpu.dynamic_gather %get3A_378[%gather3A_402] in [0] : vector<16xf32>, vector<16xi32> -> vector<16xf32>
        %add3A_404 = arith.constant 5 : i32
        %add3A_405 = arith.addi %sub3A_375, %add3A_404 : i32
        %broadcast_in_dim3A_406 = vector.broadcast %add3A_405 : i32 to vector<16x1xi32>
        %gather3A_407 = vector.shape_cast %broadcast_in_dim3A_406 : vector<16x1xi32> to vector<16xi32>
        %gather3A_408 = tpu.dynamic_gather %get3A_378[%gather3A_407] in [0] : vector<16xf32>, vector<16xi32> -> vector<16xf32>
        %add3A_409 = arith.constant 6 : i32
        %add3A_410 = arith.addi %sub3A_375, %add3A_409 : i32
        %broadcast_in_dim3A_411 = vector.broadcast %add3A_410 : i32 to vector<16x1xi32>
        %gather3A_412 = vector.shape_cast %broadcast_in_dim3A_411 : vector<16x1xi32> to vector<16xi32>
        %gather3A_413 = tpu.dynamic_gather %get3A_378[%gather3A_412] in [0] : vector<16xf32>, vector<16xi32> -> vector<16xf32>
        %add3A_414 = arith.constant 7 : i32
        %add3A_415 = arith.addi %sub3A_375, %add3A_414 : i32
        %broadcast_in_dim3A_416 = vector.broadcast %add3A_415 : i32 to vector<16x1xi32>
        %gather3A_417 = vector.shape_cast %broadcast_in_dim3A_416 : vector<16x1xi32> to vector<16xi32>
        %gather3A_418 = tpu.dynamic_gather %get3A_378[%gather3A_417] in [0] : vector<16xf32>, vector<16xi32> -> vector<16xf32>
        %scan3A_419 = arith.constant 0 : i32
        %scan3A_420 = arith.constant 0 : i32
        %scan3A_421 = arith.constant 32 : i32
        %scan3A_422 = arith.addi %scan3A_420, %scan3A_421 : i32
        %scan3A_423 = arith.constant 1 : i32
        %scan3A_424 = scf.for %scan3A_431 = %scan3A_420 to %scan3A_422 step %scan3A_423 iter_args(%scan3A_432 = %scan3A_419) -> (i32)  : i32 {
          %mul3A_433 = arith.constant 1024 : i32
          %mul3A_434 = arith.muli %scan3A_431, %mul3A_433 : i32
          %add3A_435 = arith.constant 0 : i32
          %add3A_436 = arith.addi %mul3A_434, %add3A_435 : i32
          %add3A_437 = arith.constant 0 : i32
          %add3A_438 = arith.addi %add3A_436, %add3A_437 : i32
          %swap3A = arith.index_cast %add3A_438 : i32 to index
          %swap3A_439 = tpu.vector_load %arg5[%swap3A] {strides = array<i32>} : memref<32768xf32, #tpu.memory_space<vmem>>, vector<16xf32>,
          %swap3A_440 = vector.shape_cast %swap3A_439 : vector<16xf32> to vector<16xf32>
          %swap3A_441 = vector.shape_cast %gather3A_383 : vector<16xf32> to vector<16xf32>
          tpu.vector_store %arg5[%swap3A], %swap3A_441 {strides = array<i32>} : memref<32768xf32, #tpu.memory_space<vmem>>, vector<16xf32>,
          %add3A_442 = arith.constant 0 : i32
          %add3A_443 = arith.addi %mul3A_434, %add3A_442 : i32
          %add3A_444 = arith.constant 16 : i32
          %add3A_445 = arith.addi %add3A_443, %add3A_444 : i32
          %swap3A_446 = arith.index_cast %add3A_445 : i32 to index
          %swap3A_447 = tpu.vector_load %arg5[%swap3A_446] {strides = array<i32>} : memref<32768xf32, #tpu.memory_space<vmem>>, vector<16xf32>,
          %swap3A_448 = vector.shape_cast %swap3A_447 : vector<16xf32> to vector<16xf32>
          %swap3A_449 = vector.shape_cast %gather3A_383 : vector<16xf32> to vector<16xf32>
          tpu.vector_store %arg5[%swap3A_446], %swap3A_449 {strides = array<i32>} : memref<32768xf32, #tpu.memory_space<vmem>>, vector<16xf32>,
          %add3A_450 = arith.constant 0 : i32
          %add3A_451 = arith.addi %mul3A_434, %add3A_450 : i32
          %add3A_452 = arith.constant 32 : i32
          %add3A_453 = arith.addi %add3A_451, %add3A_452 : i32
          %swap3A_454 = arith.index_cast %add3A_453 : i32 to index
          %swap3A_455 = tpu.vector_load %arg5[%swap3A_454] {strides = array<i32>} : memref<32768xf32, #tpu.memory_space<vmem>>, vector<16xf32>,
          %swap3A_456 = vector.shape_cast %swap3A_455 : vector<16xf32> to vector<16xf32>
          %swap3A_457 = vector.shape_cast %gather3A_383 : vector<16xf32> to vector<16xf32>
          tpu.vector_store %arg5[%swap3A_454], %swap3A_457 {strides = array<i32>} : memref<32768xf32, #tpu.memory_space<vmem>>, vector<16xf32>,
          %add3A_458 = arith.constant 0 : i32
          %add3A_459 = arith.addi %mul3A_434, %add3A_458 : i32
          %add3A_460 = arith.constant 48 : i32
          %add3A_461 = arith.addi %add3A_459, %add3A_460 : i32
          %swap3A_462 = arith.index_cast %add3A_461 : i32 to index
          %swap3A_463 = tpu.vector_load %arg5[%swap3A_462] {strides = array<i32>} : memref<32768xf32, #tpu.memory_space<vmem>>, vector<16xf32>,
          %swap3A_464 = vector.shape_cast %swap3A_463 : vector<16xf32> to vector<16xf32>
          %swap3A_465 = vector.shape_cast %gather3A_383 : vector<16xf32> to vector<16xf32>
          tpu.vector_store %arg5[%swap3A_462], %swap3A_465 {strides = array<i32>} : memref<32768xf32, #tpu.memory_space<vmem>>, vector<16xf32>,
          %add3A_466 = arith.constant 0 : i32
          %add3A_467 = arith.addi %mul3A_434, %add3A_466 : i32
          %add3A_468 = arith.constant 64 : i32
          %add3A_469 = arith.addi %add3A_467, %add3A_468 : i32
          %swap3A_470 = arith.index_cast %add3A_469 : i32 to index
          %swap3A_471 = tpu.vector_load %arg5[%swap3A_470] {strides = array<i32>} : memref<32768xf32, #tpu.memory_space<vmem>>, vector<16xf32>,
          %swap3A_472 = vector.shape_cast %swap3A_471 : vector<16xf32> to vector<16xf32>
          %swap3A_473 = vector.shape_cast %gather3A_383 : vector<16xf32> to vector<16xf32>
          tpu.vector_store %arg5[%swap3A_470], %swap3A_473 {strides = array<i32>} : memref<32768xf32, #tpu.memory_space<vmem>>, vector<16xf32>,
          %add3A_474 = arith.constant 0 : i32
          %add3A_475 = arith.addi %mul3A_434, %add3A_474 : i32
          %add3A_476 = arith.constant 80 : i32
          %add3A_477 = arith.addi %add3A_475, %add3A_476 : i32
          %swap3A_478 = arith.index_cast %add3A_477 : i32 to index
          %swap3A_479 = tpu.vector_load %arg5[%swap3A_478] {strides = array<i32>} : memref<32768xf32, #tpu.memory_space<vmem>>, vector<16xf32>,
          %swap3A_480 = vector.shape_cast %swap3A_479 : vector<16xf32> to vector<16xf32>
          %swap3A_481 = vector.shape_cast %gather3A_383 : vector<16xf32> to vector<16xf32>
          tpu.vector_store %arg5[%swap3A_478], %swap3A_481 {strides = array<i32>} : memref<32768xf32, #tpu.memory_space<vmem>>, vector<16xf32>,
          %add3A_482 = arith.constant 0 : i32
          %add3A_483 = arith.addi %mul3A_434, %add3A_482 : i32
          %add3A_484 = arith.constant 96 : i32
          %add3A_485 = arith.addi %add3A_483, %add3A_484 : i32
          %swap3A_486 = arith.index_cast %add3A_485 : i32 to index
          %swap3A_487 = tpu.vector_load %arg5[%swap3A_486] {strides = array<i32>} : memref<32768xf32, #tpu.memory_space<vmem>>, vector<16xf32>,
          %swap3A_488 = vector.shape_cast %swap3A_487 : vector<16xf32> to vector<16xf32>
          %swap3A_489 = vector.shape_cast %gather3A_383 : vector<16xf32> to vector<16xf32>
          tpu.vector_store %arg5[%swap3A_486], %swap3A_489 {strides = array<i32>} : memref<32768xf32, #tpu.memory_space<vmem>>, vector<16xf32>,
          %add3A_490 = arith.constant 0 : i32
          %add3A_491 = arith.addi %mul3A_434, %add3A_490 : i32
          %add3A_492 = arith.constant 112 : i32
          %add3A_493 = arith.addi %add3A_491, %add3A_492 : i32
          %swap3A_494 = arith.index_cast %add3A_493 : i32 to index
          %swap3A_495 = tpu.vector_load %arg5[%swap3A_494] {strides = array<i32>} : memref<32768xf32, #tpu.memory_space<vmem>>, vector<16xf32>,
          %swap3A_496 = vector.shape_cast %swap3A_495 : vector<16xf32> to vector<16xf32>
          %swap3A_497 = vector.shape_cast %gather3A_383 : vector<16xf32> to vector<16xf32>
          tpu.vector_store %arg5[%swap3A_494], %swap3A_497 {strides = array<i32>} : memref<32768xf32, #tpu.memory_space<vmem>>, vector<16xf32>,
          %add3A_498 = arith.constant 128 : i32
          %add3A_499 = arith.addi %mul3A_434, %add3A_498 : i32
          %add3A_500 = arith.constant 0 : i32
          %add3A_501 = arith.addi %add3A_499, %add3A_500 : i32
          %swap3A_502 = arith.index_cast %add3A_501 : i32 to index
          %swap3A_503 = tpu.vector_load %arg5[%swap3A_502] {strides = array<i32>} : memref<32768xf32, #tpu.memory_space<vmem>>, vector<16xf32>,
          %swap3A_504 = vector.shape_cast %swap3A_503 : vector<16xf32> to vector<16xf32>
          %swap3A_505 = vector.shape_cast %gather3A_388 : vector<16xf32> to vector<16xf32>
          tpu.vector_store %arg5[%swap3A_502], %swap3A_505 {strides = array<i32>} : memref<32768xf32, #tpu.memory_space<vmem>>, vector<16xf32>,
          %add3A_506 = arith.constant 128 : i32
          %add3A_507 = arith.addi %mul3A_434, %add3A_506 : i32
          %add3A_508 = arith.constant 16 : i32
          %add3A_509 = arith.addi %add3A_507, %add3A_508 : i32
          %swap3A_510 = arith.index_cast %add3A_509 : i32 to index
          %swap3A_511 = tpu.vector_load %arg5[%swap3A_510] {strides = array<i32>} : memref<32768xf32, #tpu.memory_space<vmem>>, vector<16xf32>,
          %swap3A_512 = vector.shape_cast %swap3A_511 : vector<16xf32> to vector<16xf32>
          %swap3A_513 = vector.shape_cast %gather3A_388 : vector<16xf32> to vector<16xf32>
          tpu.vector_store %arg5[%swap3A_510], %swap3A_513 {strides = array<i32>} : memref<32768xf32, #tpu.memory_space<vmem>>, vector<16xf32>,
          %add3A_514 = arith.constant 128 : i32
          %add3A_515 = arith.addi %mul3A_434, %add3A_514 : i32
          %add3A_516 = arith.constant 32 : i32
          %add3A_517 = arith.addi %add3A_515, %add3A_516 : i32
          %swap3A_518 = arith.index_cast %add3A_517 : i32 to index
          %swap3A_519 = tpu.vector_load %arg5[%swap3A_518] {strides = array<i32>} : memref<32768xf32, #tpu.memory_space<vmem>>, vector<16xf32>,
          %swap3A_520 = vector.shape_cast %swap3A_519 : vector<16xf32> to vector<16xf32>
          %swap3A_521 = vector.shape_cast %gather3A_388 : vector<16xf32> to vector<16xf32>
          tpu.vector_store %arg5[%swap3A_518], %swap3A_521 {strides = array<i32>} : memref<32768xf32, #tpu.memory_space<vmem>>, vector<16xf32>,
          %add3A_522 = arith.constant 128 : i32
          %add3A_523 = arith.addi %mul3A_434, %add3A_522 : i32
          %add3A_524 = arith.constant 48 : i32
          %add3A_525 = arith.addi %add3A_523, %add3A_524 : i32
          %swap3A_526 = arith.index_cast %add3A_525 : i32 to index
          %swap3A_527 = tpu.vector_load %arg5[%swap3A_526] {strides = array<i32>} : memref<32768xf32, #tpu.memory_space<vmem>>, vector<16xf32>,
          %swap3A_528 = vector.shape_cast %swap3A_527 : vector<16xf32> to vector<16xf32>
          %swap3A_529 = vector.shape_cast %gather3A_388 : vector<16xf32> to vector<16xf32>
          tpu.vector_store %arg5[%swap3A_526], %swap3A_529 {strides = array<i32>} : memref<32768xf32, #tpu.memory_space<vmem>>, vector<16xf32>,
          %add3A_530 = arith.constant 128 : i32
          %add3A_531 = arith.addi %mul3A_434, %add3A_530 : i32
          %add3A_532 = arith.constant 64 : i32
          %add3A_533 = arith.addi %add3A_531, %add3A_532 : i32
          %swap3A_534 = arith.index_cast %add3A_533 : i32 to index
          %swap3A_535 = tpu.vector_load %arg5[%swap3A_534] {strides = array<i32>} : memref<32768xf32, #tpu.memory_space<vmem>>, vector<16xf32>,
          %swap3A_536 = vector.shape_cast %swap3A_535 : vector<16xf32> to vector<16xf32>
          %swap3A_537 = vector.shape_cast %gather3A_388 : vector<16xf32> to vector<16xf32>
          tpu.vector_store %arg5[%swap3A_534], %swap3A_537 {strides = array<i32>} : memref<32768xf32, #tpu.memory_space<vmem>>, vector<16xf32>,
          %add3A_538 = arith.constant 128 : i32
          %add3A_539 = arith.addi %mul3A_434, %add3A_538 : i32
          %add3A_540 = arith.constant 80 : i32
          %add3A_541 = arith.addi %add3A_539, %add3A_540 : i32
          %swap3A_542 = arith.index_cast %add3A_541 : i32 to index
          %swap3A_543 = tpu.vector_load %arg5[%swap3A_542] {strides = array<i32>} : memref<32768xf32, #tpu.memory_space<vmem>>, vector<16xf32>,
          %swap3A_544 = vector.shape_cast %swap3A_543 : vector<16xf32> to vector<16xf32>
          %swap3A_545 = vector.shape_cast %gather3A_388 : vector<16xf32> to vector<16xf32>
          tpu.vector_store %arg5[%swap3A_542], %swap3A_545 {strides = array<i32>} : memref<32768xf32, #tpu.memory_space<vmem>>, vector<16xf32>,
          %add3A_546 = arith.constant 128 : i32
          %add3A_547 = arith.addi %mul3A_434, %add3A_546 : i32
          %add3A_548 = arith.constant 96 : i32
          %add3A_549 = arith.addi %add3A_547, %add3A_548 : i32
          %swap3A_550 = arith.index_cast %add3A_549 : i32 to index
          %swap3A_551 = tpu.vector_load %arg5[%swap3A_550] {strides = array<i32>} : memref<32768xf32, #tpu.memory_space<vmem>>, vector<16xf32>,
          %swap3A_552 = vector.shape_cast %swap3A_551 : vector<16xf32> to vector<16xf32>
          %swap3A_553 = vector.shape_cast %gather3A_388 : vector<16xf32> to vector<16xf32>
          tpu.vector_store %arg5[%swap3A_550], %swap3A_553 {strides = array<i32>} : memref<32768xf32, #tpu.memory_space<vmem>>, vector<16xf32>,
          %add3A_554 = arith.constant 128 : i32
          %add3A_555 = arith.addi %mul3A_434, %add3A_554 : i32
          %add3A_556 = arith.constant 112 : i32
          %add3A_557 = arith.addi %add3A_555, %add3A_556 : i32
          %swap3A_558 = arith.index_cast %add3A_557 : i32 to index
          %swap3A_559 = tpu.vector_load %arg5[%swap3A_558] {strides = array<i32>} : memref<32768xf32, #tpu.memory_space<vmem>>, vector<16xf32>,
          %swap3A_560 = vector.shape_cast %swap3A_559 : vector<16xf32> to vector<16xf32>
          %swap3A_561 = vector.shape_cast %gather3A_388 : vector<16xf32> to vector<16xf32>
          tpu.vector_store %arg5[%swap3A_558], %swap3A_561 {strides = array<i32>} : memref<32768xf32, #tpu.memory_space<vmem>>, vector<16xf32>,
          %add3A_562 = arith.constant 256 : i32
          %add3A_563 = arith.addi %mul3A_434, %add3A_562 : i32
          %add3A_564 = arith.constant 0 : i32
          %add3A_565 = arith.addi %add3A_563, %add3A_564 : i32
          %swap3A_566 = arith.index_cast %add3A_565 : i32 to index
          %swap3A_567 = tpu.vector_load %arg5[%swap3A_566] {strides = array<i32>} : memref<32768xf32, #tpu.memory_space<vmem>>, vector<16xf32>,
          %swap3A_568 = vector.shape_cast %swap3A_567 : vector<16xf32> to vector<16xf32>
          %swap3A_569 = vector.shape_cast %gather3A_393 : vector<16xf32> to vector<16xf32>
          tpu.vector_store %arg5[%swap3A_566], %swap3A_569 {strides = array<i32>} : memref<32768xf32, #tpu.memory_space<vmem>>, vector<16xf32>,
          %add3A_570 = arith.constant 256 : i32
          %add3A_571 = arith.addi %mul3A_434, %add3A_570 : i32
          %add3A_572 = arith.constant 16 : i32
          %add3A_573 = arith.addi %add3A_571, %add3A_572 : i32
          %swap3A_574 = arith.index_cast %add3A_573 : i32 to index
          %swap3A_575 = tpu.vector_load %arg5[%swap3A_574] {strides = array<i32>} : memref<32768xf32, #tpu.memory_space<vmem>>, vector<16xf32>,
          %swap3A_576 = vector.shape_cast %swap3A_575 : vector<16xf32> to vector<16xf32>
          %swap3A_577 = vector.shape_cast %gather3A_393 : vector<16xf32> to vector<16xf32>
          tpu.vector_store %arg5[%swap3A_574], %swap3A_577 {strides = array<i32>} : memref<32768xf32, #tpu.memory_space<vmem>>, vector<16xf32>,
          %add3A_578 = arith.constant 256 : i32
          %add3A_579 = arith.addi %mul3A_434, %add3A_578 : i32
          %add3A_580 = arith.constant 32 : i32
          %add3A_581 = arith.addi %add3A_579, %add3A_580 : i32
          %swap3A_582 = arith.index_cast %add3A_581 : i32 to index
          %swap3A_583 = tpu.vector_load %arg5[%swap3A_582] {strides = array<i32>} : memref<32768xf32, #tpu.memory_space<vmem>>, vector<16xf32>,
          %swap3A_584 = vector.shape_cast %swap3A_583 : vector<16xf32> to vector<16xf32>
          %swap3A_585 = vector.shape_cast %gather3A_393 : vector<16xf32> to vector<16xf32>
          tpu.vector_store %arg5[%swap3A_582], %swap3A_585 {strides = array<i32>} : memref<32768xf32, #tpu.memory_space<vmem>>, vector<16xf32>,
          %add3A_586 = arith.constant 256 : i32
          %add3A_587 = arith.addi %mul3A_434, %add3A_586 : i32
          %add3A_588 = arith.constant 48 : i32
          %add3A_589 = arith.addi %add3A_587, %add3A_588 : i32
          %swap3A_590 = arith.index_cast %add3A_589 : i32 to index
          %swap3A_591 = tpu.vector_load %arg5[%swap3A_590] {strides = array<i32>} : memref<32768xf32, #tpu.memory_space<vmem>>, vector<16xf32>,
          %swap3A_592 = vector.shape_cast %swap3A_591 : vector<16xf32> to vector<16xf32>
          %swap3A_593 = vector.shape_cast %gather3A_393 : vector<16xf32> to vector<16xf32>
          tpu.vector_store %arg5[%swap3A_590], %swap3A_593 {strides = array<i32>} : memref<32768xf32, #tpu.memory_space<vmem>>, vector<16xf32>,
          %add3A_594 = arith.constant 256 : i32
          %add3A_595 = arith.addi %mul3A_434, %add3A_594 : i32
          %add3A_596 = arith.constant 64 : i32
          %add3A_597 = arith.addi %add3A_595, %add3A_596 : i32
          %swap3A_598 = arith.index_cast %add3A_597 : i32 to index
          %swap3A_599 = tpu.vector_load %arg5[%swap3A_598] {strides = array<i32>} : memref<32768xf32, #tpu.memory_space<vmem>>, vector<16xf32>,
          %swap3A_600 = vector.shape_cast %swap3A_599 : vector<16xf32> to vector<16xf32>
          %swap3A_601 = vector.shape_cast %gather3A_393 : vector<16xf32> to vector<16xf32>
          tpu.vector_store %arg5[%swap3A_598], %swap3A_601 {strides = array<i32>} : memref<32768xf32, #tpu.memory_space<vmem>>, vector<16xf32>,
          %add3A_602 = arith.constant 256 : i32
          %add3A_603 = arith.addi %mul3A_434, %add3A_602 : i32
          %add3A_604 = arith.constant 80 : i32
          %add3A_605 = arith.addi %add3A_603, %add3A_604 : i32
          %swap3A_606 = arith.index_cast %add3A_605 : i32 to index
          %swap3A_607 = tpu.vector_load %arg5[%swap3A_606] {strides = array<i32>} : memref<32768xf32, #tpu.memory_space<vmem>>, vector<16xf32>,
          %swap3A_608 = vector.shape_cast %swap3A_607 : vector<16xf32> to vector<16xf32>
          %swap3A_609 = vector.shape_cast %gather3A_393 : vector<16xf32> to vector<16xf32>
          tpu.vector_store %arg5[%swap3A_606], %swap3A_609 {strides = array<i32>} : memref<32768xf32, #tpu.memory_space<vmem>>, vector<16xf32>,
          %add3A_610 = arith.constant 256 : i32
          %add3A_611 = arith.addi %mul3A_434, %add3A_610 : i32
          %add3A_612 = arith.constant 96 : i32
          %add3A_613 = arith.addi %add3A_611, %add3A_612 : i32
          %swap3A_614 = arith.index_cast %add3A_613 : i32 to index
          %swap3A_615 = tpu.vector_load %arg5[%swap3A_614] {strides = array<i32>} : memref<32768xf32, #tpu.memory_space<vmem>>, vector<16xf32>,
          %swap3A_616 = vector.shape_cast %swap3A_615 : vector<16xf32> to vector<16xf32>
          %swap3A_617 = vector.shape_cast %gather3A_393 : vector<16xf32> to vector<16xf32>
          tpu.vector_store %arg5[%swap3A_614], %swap3A_617 {strides = array<i32>} : memref<32768xf32, #tpu.memory_space<vmem>>, vector<16xf32>,
          %add3A_618 = arith.constant 256 : i32
          %add3A_619 = arith.addi %mul3A_434, %add3A_618 : i32
          %add3A_620 = arith.constant 112 : i32
          %add3A_621 = arith.addi %add3A_619, %add3A_620 : i32
          %swap3A_622 = arith.index_cast %add3A_621 : i32 to index
          %swap3A_623 = tpu.vector_load %arg5[%swap3A_622] {strides = array<i32>} : memref<32768xf32, #tpu.memory_space<vmem>>, vector<16xf32>,
          %swap3A_624 = vector.shape_cast %swap3A_623 : vector<16xf32> to vector<16xf32>
          %swap3A_625 = vector.shape_cast %gather3A_393 : vector<16xf32> to vector<16xf32>
          tpu.vector_store %arg5[%swap3A_622], %swap3A_625 {strides = array<i32>} : memref<32768xf32, #tpu.memory_space<vmem>>, vector<16xf32>,
          %add3A_626 = arith.constant 384 : i32
          %add3A_627 = arith.addi %mul3A_434, %add3A_626 : i32
          %add3A_628 = arith.constant 0 : i32
          %add3A_629 = arith.addi %add3A_627, %add3A_628 : i32
          %swap3A_630 = arith.index_cast %add3A_629 : i32 to index
          %swap3A_631 = tpu.vector_load %arg5[%swap3A_630] {strides = array<i32>} : memref<32768xf32, #tpu.memory_space<vmem>>, vector<16xf32>,
          %swap3A_632 = vector.shape_cast %swap3A_631 : vector<16xf32> to vector<16xf32>
          %swap3A_633 = vector.shape_cast %gather3A_398 : vector<16xf32> to vector<16xf32>
          tpu.vector_store %arg5[%swap3A_630], %swap3A_633 {strides = array<i32>} : memref<32768xf32, #tpu.memory_space<vmem>>, vector<16xf32>,
          %add3A_634 = arith.constant 384 : i32
          %add3A_635 = arith.addi %mul3A_434, %add3A_634 : i32
          %add3A_636 = arith.constant 16 : i32
          %add3A_637 = arith.addi %add3A_635, %add3A_636 : i32
          %swap3A_638 = arith.index_cast %add3A_637 : i32 to index
          %swap3A_639 = tpu.vector_load %arg5[%swap3A_638] {strides = array<i32>} : memref<32768xf32, #tpu.memory_space<vmem>>, vector<16xf32>,
          %swap3A_640 = vector.shape_cast %swap3A_639 : vector<16xf32> to vector<16xf32>
          %swap3A_641 = vector.shape_cast %gather3A_398 : vector<16xf32> to vector<16xf32>
          tpu.vector_store %arg5[%swap3A_638], %swap3A_641 {strides = array<i32>} : memref<32768xf32, #tpu.memory_space<vmem>>, vector<16xf32>,
          %add3A_642 = arith.constant 384 : i32
          %add3A_643 = arith.addi %mul3A_434, %add3A_642 : i32
          %add3A_644 = arith.constant 32 : i32
          %add3A_645 = arith.addi %add3A_643, %add3A_644 : i32
          %swap3A_646 = arith.index_cast %add3A_645 : i32 to index
          %swap3A_647 = tpu.vector_load %arg5[%swap3A_646] {strides = array<i32>} : memref<32768xf32, #tpu.memory_space<vmem>>, vector<16xf32>,
          %swap3A_648 = vector.shape_cast %swap3A_647 : vector<16xf32> to vector<16xf32>
          %swap3A_649 = vector.shape_cast %gather3A_398 : vector<16xf32> to vector<16xf32>
          tpu.vector_store %arg5[%swap3A_646], %swap3A_649 {strides = array<i32>} : memref<32768xf32, #tpu.memory_space<vmem>>, vector<16xf32>,
          %add3A_650 = arith.constant 384 : i32
          %add3A_651 = arith.addi %mul3A_434, %add3A_650 : i32
          %add3A_652 = arith.constant 48 : i32
          %add3A_653 = arith.addi %add3A_651, %add3A_652 : i32
          %swap3A_654 = arith.index_cast %add3A_653 : i32 to index
          %swap3A_655 = tpu.vector_load %arg5[%swap3A_654] {strides = array<i32>} : memref<32768xf32, #tpu.memory_space<vmem>>, vector<16xf32>,
          %swap3A_656 = vector.shape_cast %swap3A_655 : vector<16xf32> to vector<16xf32>
          %swap3A_657 = vector.shape_cast %gather3A_398 : vector<16xf32> to vector<16xf32>
          tpu.vector_store %arg5[%swap3A_654], %swap3A_657 {strides = array<i32>} : memref<32768xf32, #tpu.memory_space<vmem>>, vector<16xf32>,
          %add3A_658 = arith.constant 384 : i32
          %add3A_659 = arith.addi %mul3A_434, %add3A_658 : i32
          %add3A_660 = arith.constant 64 : i32
          %add3A_661 = arith.addi %add3A_659, %add3A_660 : i32
          %swap3A_662 = arith.index_cast %add3A_661 : i32 to index
          %swap3A_663 = tpu.vector_load %arg5[%swap3A_662] {strides = array<i32>} : memref<32768xf32, #tpu.memory_space<vmem>>, vector<16xf32>,
          %swap3A_664 = vector.shape_cast %swap3A_663 : vector<16xf32> to vector<16xf32>
          %swap3A_665 = vector.shape_cast %gather3A_398 : vector<16xf32> to vector<16xf32>
          tpu.vector_store %arg5[%swap3A_662], %swap3A_665 {strides = array<i32>} : memref<32768xf32, #tpu.memory_space<vmem>>, vector<16xf32>,
          %add3A_666 = arith.constant 384 : i32
          %add3A_667 = arith.addi %mul3A_434, %add3A_666 : i32
          %add3A_668 = arith.constant 80 : i32
          %add3A_669 = arith.addi %add3A_667, %add3A_668 : i32
          %swap3A_670 = arith.index_cast %add3A_669 : i32 to index
          %swap3A_671 = tpu.vector_load %arg5[%swap3A_670] {strides = array<i32>} : memref<32768xf32, #tpu.memory_space<vmem>>, vector<16xf32>,
          %swap3A_672 = vector.shape_cast %swap3A_671 : vector<16xf32> to vector<16xf32>
          %swap3A_673 = vector.shape_cast %gather3A_398 : vector<16xf32> to vector<16xf32>
          tpu.vector_store %arg5[%swap3A_670], %swap3A_673 {strides = array<i32>} : memref<32768xf32, #tpu.memory_space<vmem>>, vector<16xf32>,
          %add3A_674 = arith.constant 384 : i32
          %add3A_675 = arith.addi %mul3A_434, %add3A_674 : i32
          %add3A_676 = arith.constant 96 : i32
          %add3A_677 = arith.addi %add3A_675, %add3A_676 : i32
          %swap3A_678 = arith.index_cast %add3A_677 : i32 to index
          %swap3A_679 = tpu.vector_load %arg5[%swap3A_678] {strides = array<i32>} : memref<32768xf32, #tpu.memory_space<vmem>>, vector<16xf32>,
          %swap3A_680 = vector.shape_cast %swap3A_679 : vector<16xf32> to vector<16xf32>
          %swap3A_681 = vector.shape_cast %gather3A_398 : vector<16xf32> to vector<16xf32>
          tpu.vector_store %arg5[%swap3A_678], %swap3A_681 {strides = array<i32>} : memref<32768xf32, #tpu.memory_space<vmem>>, vector<16xf32>,
          %add3A_682 = arith.constant 384 : i32
          %add3A_683 = arith.addi %mul3A_434, %add3A_682 : i32
          %add3A_684 = arith.constant 112 : i32
          %add3A_685 = arith.addi %add3A_683, %add3A_684 : i32
          %swap3A_686 = arith.index_cast %add3A_685 : i32 to index
          %swap3A_687 = tpu.vector_load %arg5[%swap3A_686] {strides = array<i32>} : memref<32768xf32, #tpu.memory_space<vmem>>, vector<16xf32>,
          %swap3A_688 = vector.shape_cast %swap3A_687 : vector<16xf32> to vector<16xf32>
          %swap3A_689 = vector.shape_cast %gather3A_398 : vector<16xf32> to vector<16xf32>
          tpu.vector_store %arg5[%swap3A_686], %swap3A_689 {strides = array<i32>} : memref<32768xf32, #tpu.memory_space<vmem>>, vector<16xf32>,
          %add3A_690 = arith.constant 512 : i32
          %add3A_691 = arith.addi %mul3A_434, %add3A_690 : i32
          %add3A_692 = arith.constant 0 : i32
          %add3A_693 = arith.addi %add3A_691, %add3A_692 : i32
          %swap3A_694 = arith.index_cast %add3A_693 : i32 to index
          %swap3A_695 = tpu.vector_load %arg5[%swap3A_694] {strides = array<i32>} : memref<32768xf32, #tpu.memory_space<vmem>>, vector<16xf32>,
          %swap3A_696 = vector.shape_cast %swap3A_695 : vector<16xf32> to vector<16xf32>
          %swap3A_697 = vector.shape_cast %gather3A_403 : vector<16xf32> to vector<16xf32>
          tpu.vector_store %arg5[%swap3A_694], %swap3A_697 {strides = array<i32>} : memref<32768xf32, #tpu.memory_space<vmem>>, vector<16xf32>,
          %add3A_698 = arith.constant 512 : i32
          %add3A_699 = arith.addi %mul3A_434, %add3A_698 : i32
          %add3A_700 = arith.constant 16 : i32
          %add3A_701 = arith.addi %add3A_699, %add3A_700 : i32
          %swap3A_702 = arith.index_cast %add3A_701 : i32 to index
          %swap3A_703 = tpu.vector_load %arg5[%swap3A_702] {strides = array<i32>} : memref<32768xf32, #tpu.memory_space<vmem>>, vector<16xf32>,
          %swap3A_704 = vector.shape_cast %swap3A_703 : vector<16xf32> to vector<16xf32>
          %swap3A_705 = vector.shape_cast %gather3A_403 : vector<16xf32> to vector<16xf32>
          tpu.vector_store %arg5[%swap3A_702], %swap3A_705 {strides = array<i32>} : memref<32768xf32, #tpu.memory_space<vmem>>, vector<16xf32>,
          %add3A_706 = arith.constant 512 : i32
          %add3A_707 = arith.addi %mul3A_434, %add3A_706 : i32
          %add3A_708 = arith.constant 32 : i32
          %add3A_709 = arith.addi %add3A_707, %add3A_708 : i32
          %swap3A_710 = arith.index_cast %add3A_709 : i32 to index
          %swap3A_711 = tpu.vector_load %arg5[%swap3A_710] {strides = array<i32>} : memref<32768xf32, #tpu.memory_space<vmem>>, vector<16xf32>,
          %swap3A_712 = vector.shape_cast %swap3A_711 : vector<16xf32> to vector<16xf32>
          %swap3A_713 = vector.shape_cast %gather3A_403 : vector<16xf32> to vector<16xf32>
          tpu.vector_store %arg5[%swap3A_710], %swap3A_713 {strides = array<i32>} : memref<32768xf32, #tpu.memory_space<vmem>>, vector<16xf32>,
          %add3A_714 = arith.constant 512 : i32
          %add3A_715 = arith.addi %mul3A_434, %add3A_714 : i32
          %add3A_716 = arith.constant 48 : i32
          %add3A_717 = arith.addi %add3A_715, %add3A_716 : i32
          %swap3A_718 = arith.index_cast %add3A_717 : i32 to index
          %swap3A_719 = tpu.vector_load %arg5[%swap3A_718] {strides = array<i32>} : memref<32768xf32, #tpu.memory_space<vmem>>, vector<16xf32>,
          %swap3A_720 = vector.shape_cast %swap3A_719 : vector<16xf32> to vector<16xf32>
          %swap3A_721 = vector.shape_cast %gather3A_403 : vector<16xf32> to vector<16xf32>
          tpu.vector_store %arg5[%swap3A_718], %swap3A_721 {strides = array<i32>} : memref<32768xf32, #tpu.memory_space<vmem>>, vector<16xf32>,
          %add3A_722 = arith.constant 512 : i32
          %add3A_723 = arith.addi %mul3A_434, %add3A_722 : i32
          %add3A_724 = arith.constant 64 : i32
          %add3A_725 = arith.addi %add3A_723, %add3A_724 : i32
          %swap3A_726 = arith.index_cast %add3A_725 : i32 to index
          %swap3A_727 = tpu.vector_load %arg5[%swap3A_726] {strides = array<i32>} : memref<32768xf32, #tpu.memory_space<vmem>>, vector<16xf32>,
          %swap3A_728 = vector.shape_cast %swap3A_727 : vector<16xf32> to vector<16xf32>
          %swap3A_729 = vector.shape_cast %gather3A_403 : vector<16xf32> to vector<16xf32>
          tpu.vector_store %arg5[%swap3A_726], %swap3A_729 {strides = array<i32>} : memref<32768xf32, #tpu.memory_space<vmem>>, vector<16xf32>,
          %add3A_730 = arith.constant 512 : i32
          %add3A_731 = arith.addi %mul3A_434, %add3A_730 : i32
          %add3A_732 = arith.constant 80 : i32
          %add3A_733 = arith.addi %add3A_731, %add3A_732 : i32
          %swap3A_734 = arith.index_cast %add3A_733 : i32 to index
          %swap3A_735 = tpu.vector_load %arg5[%swap3A_734] {strides = array<i32>} : memref<32768xf32, #tpu.memory_space<vmem>>, vector<16xf32>,
          %swap3A_736 = vector.shape_cast %swap3A_735 : vector<16xf32> to vector<16xf32>
          %swap3A_737 = vector.shape_cast %gather3A_403 : vector<16xf32> to vector<16xf32>
          tpu.vector_store %arg5[%swap3A_734], %swap3A_737 {strides = array<i32>} : memref<32768xf32, #tpu.memory_space<vmem>>, vector<16xf32>,
          %add3A_738 = arith.constant 512 : i32
          %add3A_739 = arith.addi %mul3A_434, %add3A_738 : i32
          %add3A_740 = arith.constant 96 : i32
          %add3A_741 = arith.addi %add3A_739, %add3A_740 : i32
          %swap3A_742 = arith.index_cast %add3A_741 : i32 to index
          %swap3A_743 = tpu.vector_load %arg5[%swap3A_742] {strides = array<i32>} : memref<32768xf32, #tpu.memory_space<vmem>>, vector<16xf32>,
          %swap3A_744 = vector.shape_cast %swap3A_743 : vector<16xf32> to vector<16xf32>
          %swap3A_745 = vector.shape_cast %gather3A_403 : vector<16xf32> to vector<16xf32>
          tpu.vector_store %arg5[%swap3A_742], %swap3A_745 {strides = array<i32>} : memref<32768xf32, #tpu.memory_space<vmem>>, vector<16xf32>,
          %add3A_746 = arith.constant 512 : i32
          %add3A_747 = arith.addi %mul3A_434, %add3A_746 : i32
          %add3A_748 = arith.constant 112 : i32
          %add3A_749 = arith.addi %add3A_747, %add3A_748 : i32
          %swap3A_750 = arith.index_cast %add3A_749 : i32 to index
          %swap3A_751 = tpu.vector_load %arg5[%swap3A_750] {strides = array<i32>} : memref<32768xf32, #tpu.memory_space<vmem>>, vector<16xf32>,
          %swap3A_752 = vector.shape_cast %swap3A_751 : vector<16xf32> to vector<16xf32>
          %swap3A_753 = vector.shape_cast %gather3A_403 : vector<16xf32> to vector<16xf32>
          tpu.vector_store %arg5[%swap3A_750], %swap3A_753 {strides = array<i32>} : memref<32768xf32, #tpu.memory_space<vmem>>, vector<16xf32>,
          %add3A_754 = arith.constant 640 : i32
          %add3A_755 = arith.addi %mul3A_434, %add3A_754 : i32
          %add3A_756 = arith.constant 0 : i32
          %add3A_757 = arith.addi %add3A_755, %add3A_756 : i32
          %swap3A_758 = arith.index_cast %add3A_757 : i32 to index
          %swap3A_759 = tpu.vector_load %arg5[%swap3A_758] {strides = array<i32>} : memref<32768xf32, #tpu.memory_space<vmem>>, vector<16xf32>,
          %swap3A_760 = vector.shape_cast %swap3A_759 : vector<16xf32> to vector<16xf32>
          %swap3A_761 = vector.shape_cast %gather3A_408 : vector<16xf32> to vector<16xf32>
          tpu.vector_store %arg5[%swap3A_758], %swap3A_761 {strides = array<i32>} : memref<32768xf32, #tpu.memory_space<vmem>>, vector<16xf32>,
          %add3A_762 = arith.constant 640 : i32
          %add3A_763 = arith.addi %mul3A_434, %add3A_762 : i32
          %add3A_764 = arith.constant 16 : i32
          %add3A_765 = arith.addi %add3A_763, %add3A_764 : i32
          %swap3A_766 = arith.index_cast %add3A_765 : i32 to index
          %swap3A_767 = tpu.vector_load %arg5[%swap3A_766] {strides = array<i32>} : memref<32768xf32, #tpu.memory_space<vmem>>, vector<16xf32>,
          %swap3A_768 = vector.shape_cast %swap3A_767 : vector<16xf32> to vector<16xf32>
          %swap3A_769 = vector.shape_cast %gather3A_408 : vector<16xf32> to vector<16xf32>
          tpu.vector_store %arg5[%swap3A_766], %swap3A_769 {strides = array<i32>} : memref<32768xf32, #tpu.memory_space<vmem>>, vector<16xf32>,
          %add3A_770 = arith.constant 640 : i32
          %add3A_771 = arith.addi %mul3A_434, %add3A_770 : i32
          %add3A_772 = arith.constant 32 : i32
          %add3A_773 = arith.addi %add3A_771, %add3A_772 : i32
          %swap3A_774 = arith.index_cast %add3A_773 : i32 to index
          %swap3A_775 = tpu.vector_load %arg5[%swap3A_774] {strides = array<i32>} : memref<32768xf32, #tpu.memory_space<vmem>>, vector<16xf32>,
          %swap3A_776 = vector.shape_cast %swap3A_775 : vector<16xf32> to vector<16xf32>
          %swap3A_777 = vector.shape_cast %gather3A_408 : vector<16xf32> to vector<16xf32>
          tpu.vector_store %arg5[%swap3A_774], %swap3A_777 {strides = array<i32>} : memref<32768xf32, #tpu.memory_space<vmem>>, vector<16xf32>,
          %add3A_778 = arith.constant 640 : i32
          %add3A_779 = arith.addi %mul3A_434, %add3A_778 : i32
          %add3A_780 = arith.constant 48 : i32
          %add3A_781 = arith.addi %add3A_779, %add3A_780 : i32
          %swap3A_782 = arith.index_cast %add3A_781 : i32 to index
          %swap3A_783 = tpu.vector_load %arg5[%swap3A_782] {strides = array<i32>} : memref<32768xf32, #tpu.memory_space<vmem>>, vector<16xf32>,
          %swap3A_784 = vector.shape_cast %swap3A_783 : vector<16xf32> to vector<16xf32>
          %swap3A_785 = vector.shape_cast %gather3A_408 : vector<16xf32> to vector<16xf32>
          tpu.vector_store %arg5[%swap3A_782], %swap3A_785 {strides = array<i32>} : memref<32768xf32, #tpu.memory_space<vmem>>, vector<16xf32>,
          %add3A_786 = arith.constant 640 : i32
          %add3A_787 = arith.addi %mul3A_434, %add3A_786 : i32
          %add3A_788 = arith.constant 64 : i32
          %add3A_789 = arith.addi %add3A_787, %add3A_788 : i32
          %swap3A_790 = arith.index_cast %add3A_789 : i32 to index
          %swap3A_791 = tpu.vector_load %arg5[%swap3A_790] {strides = array<i32>} : memref<32768xf32, #tpu.memory_space<vmem>>, vector<16xf32>,
          %swap3A_792 = vector.shape_cast %swap3A_791 : vector<16xf32> to vector<16xf32>
          %swap3A_793 = vector.shape_cast %gather3A_408 : vector<16xf32> to vector<16xf32>
          tpu.vector_store %arg5[%swap3A_790], %swap3A_793 {strides = array<i32>} : memref<32768xf32, #tpu.memory_space<vmem>>, vector<16xf32>,
          %add3A_794 = arith.constant 640 : i32
          %add3A_795 = arith.addi %mul3A_434, %add3A_794 : i32
          %add3A_796 = arith.constant 80 : i32
          %add3A_797 = arith.addi %add3A_795, %add3A_796 : i32
          %swap3A_798 = arith.index_cast %add3A_797 : i32 to index
          %swap3A_799 = tpu.vector_load %arg5[%swap3A_798] {strides = array<i32>} : memref<32768xf32, #tpu.memory_space<vmem>>, vector<16xf32>,
          %swap3A_800 = vector.shape_cast %swap3A_799 : vector<16xf32> to vector<16xf32>
          %swap3A_801 = vector.shape_cast %gather3A_408 : vector<16xf32> to vector<16xf32>
          tpu.vector_store %arg5[%swap3A_798], %swap3A_801 {strides = array<i32>} : memref<32768xf32, #tpu.memory_space<vmem>>, vector<16xf32>,
          %add3A_802 = arith.constant 640 : i32
          %add3A_803 = arith.addi %mul3A_434, %add3A_802 : i32
          %add3A_804 = arith.constant 96 : i32
          %add3A_805 = arith.addi %add3A_803, %add3A_804 : i32
          %swap3A_806 = arith.index_cast %add3A_805 : i32 to index
          %swap3A_807 = tpu.vector_load %arg5[%swap3A_806] {strides = array<i32>} : memref<32768xf32, #tpu.memory_space<vmem>>, vector<16xf32>,
          %swap3A_808 = vector.shape_cast %swap3A_807 : vector<16xf32> to vector<16xf32>
          %swap3A_809 = vector.shape_cast %gather3A_408 : vector<16xf32> to vector<16xf32>
          tpu.vector_store %arg5[%swap3A_806], %swap3A_809 {strides = array<i32>} : memref<32768xf32, #tpu.memory_space<vmem>>, vector<16xf32>,
          %add3A_810 = arith.constant 640 : i32
          %add3A_811 = arith.addi %mul3A_434, %add3A_810 : i32
          %add3A_812 = arith.constant 112 : i32
          %add3A_813 = arith.addi %add3A_811, %add3A_812 : i32
          %swap3A_814 = arith.index_cast %add3A_813 : i32 to index
          %swap3A_815 = tpu.vector_load %arg5[%swap3A_814] {strides = array<i32>} : memref<32768xf32, #tpu.memory_space<vmem>>, vector<16xf32>,
          %swap3A_816 = vector.shape_cast %swap3A_815 : vector<16xf32> to vector<16xf32>
          %swap3A_817 = vector.shape_cast %gather3A_408 : vector<16xf32> to vector<16xf32>
          tpu.vector_store %arg5[%swap3A_814], %swap3A_817 {strides = array<i32>} : memref<32768xf32, #tpu.memory_space<vmem>>, vector<16xf32>,
          %add3A_818 = arith.constant 768 : i32
          %add3A_819 = arith.addi %mul3A_434, %add3A_818 : i32
          %add3A_820 = arith.constant 0 : i32
          %add3A_821 = arith.addi %add3A_819, %add3A_820 : i32
          %swap3A_822 = arith.index_cast %add3A_821 : i32 to index
          %swap3A_823 = tpu.vector_load %arg5[%swap3A_822] {strides = array<i32>} : memref<32768xf32, #tpu.memory_space<vmem>>, vector<16xf32>,
          %swap3A_824 = vector.shape_cast %swap3A_823 : vector<16xf32> to vector<16xf32>
          %swap3A_825 = vector.shape_cast %gather3A_413 : vector<16xf32> to vector<16xf32>
          tpu.vector_store %arg5[%swap3A_822], %swap3A_825 {strides = array<i32>} : memref<32768xf32, #tpu.memory_space<vmem>>, vector<16xf32>,
          %add3A_826 = arith.constant 768 : i32
          %add3A_827 = arith.addi %mul3A_434, %add3A_826 : i32
          %add3A_828 = arith.constant 16 : i32
          %add3A_829 = arith.addi %add3A_827, %add3A_828 : i32
          %swap3A_830 = arith.index_cast %add3A_829 : i32 to index
          %swap3A_831 = tpu.vector_load %arg5[%swap3A_830] {strides = array<i32>} : memref<32768xf32, #tpu.memory_space<vmem>>, vector<16xf32>,
          %swap3A_832 = vector.shape_cast %swap3A_831 : vector<16xf32> to vector<16xf32>
          %swap3A_833 = vector.shape_cast %gather3A_413 : vector<16xf32> to vector<16xf32>
          tpu.vector_store %arg5[%swap3A_830], %swap3A_833 {strides = array<i32>} : memref<32768xf32, #tpu.memory_space<vmem>>, vector<16xf32>,
          %add3A_834 = arith.constant 768 : i32
          %add3A_835 = arith.addi %mul3A_434, %add3A_834 : i32
          %add3A_836 = arith.constant 32 : i32
          %add3A_837 = arith.addi %add3A_835, %add3A_836 : i32
          %swap3A_838 = arith.index_cast %add3A_837 : i32 to index
          %swap3A_839 = tpu.vector_load %arg5[%swap3A_838] {strides = array<i32>} : memref<32768xf32, #tpu.memory_space<vmem>>, vector<16xf32>,
          %swap3A_840 = vector.shape_cast %swap3A_839 : vector<16xf32> to vector<16xf32>
          %swap3A_841 = vector.shape_cast %gather3A_413 : vector<16xf32> to vector<16xf32>
          tpu.vector_store %arg5[%swap3A_838], %swap3A_841 {strides = array<i32>} : memref<32768xf32, #tpu.memory_space<vmem>>, vector<16xf32>,
          %add3A_842 = arith.constant 768 : i32
          %add3A_843 = arith.addi %mul3A_434, %add3A_842 : i32
          %add3A_844 = arith.constant 48 : i32
          %add3A_845 = arith.addi %add3A_843, %add3A_844 : i32
          %swap3A_846 = arith.index_cast %add3A_845 : i32 to index
          %swap3A_847 = tpu.vector_load %arg5[%swap3A_846] {strides = array<i32>} : memref<32768xf32, #tpu.memory_space<vmem>>, vector<16xf32>,
          %swap3A_848 = vector.shape_cast %swap3A_847 : vector<16xf32> to vector<16xf32>
          %swap3A_849 = vector.shape_cast %gather3A_413 : vector<16xf32> to vector<16xf32>
          tpu.vector_store %arg5[%swap3A_846], %swap3A_849 {strides = array<i32>} : memref<32768xf32, #tpu.memory_space<vmem>>, vector<16xf32>,
          %add3A_850 = arith.constant 768 : i32
          %add3A_851 = arith.addi %mul3A_434, %add3A_850 : i32
          %add3A_852 = arith.constant 64 : i32
          %add3A_853 = arith.addi %add3A_851, %add3A_852 : i32
          %swap3A_854 = arith.index_cast %add3A_853 : i32 to index
          %swap3A_855 = tpu.vector_load %arg5[%swap3A_854] {strides = array<i32>} : memref<32768xf32, #tpu.memory_space<vmem>>, vector<16xf32>,
          %swap3A_856 = vector.shape_cast %swap3A_855 : vector<16xf32> to vector<16xf32>
          %swap3A_857 = vector.shape_cast %gather3A_413 : vector<16xf32> to vector<16xf32>
          tpu.vector_store %arg5[%swap3A_854], %swap3A_857 {strides = array<i32>} : memref<32768xf32, #tpu.memory_space<vmem>>, vector<16xf32>,
          %add3A_858 = arith.constant 768 : i32
          %add3A_859 = arith.addi %mul3A_434, %add3A_858 : i32
          %add3A_860 = arith.constant 80 : i32
          %add3A_861 = arith.addi %add3A_859, %add3A_860 : i32
          %swap3A_862 = arith.index_cast %add3A_861 : i32 to index
          %swap3A_863 = tpu.vector_load %arg5[%swap3A_862] {strides = array<i32>} : memref<32768xf32, #tpu.memory_space<vmem>>, vector<16xf32>,
          %swap3A_864 = vector.shape_cast %swap3A_863 : vector<16xf32> to vector<16xf32>
          %swap3A_865 = vector.shape_cast %gather3A_413 : vector<16xf32> to vector<16xf32>
          tpu.vector_store %arg5[%swap3A_862], %swap3A_865 {strides = array<i32>} : memref<32768xf32, #tpu.memory_space<vmem>>, vector<16xf32>,
          %add3A_866 = arith.constant 768 : i32
          %add3A_867 = arith.addi %mul3A_434, %add3A_866 : i32
          %add3A_868 = arith.constant 96 : i32
          %add3A_869 = arith.addi %add3A_867, %add3A_868 : i32
          %swap3A_870 = arith.index_cast %add3A_869 : i32 to index
          %swap3A_871 = tpu.vector_load %arg5[%swap3A_870] {strides = array<i32>} : memref<32768xf32, #tpu.memory_space<vmem>>, vector<16xf32>,
          %swap3A_872 = vector.shape_cast %swap3A_871 : vector<16xf32> to vector<16xf32>
          %swap3A_873 = vector.shape_cast %gather3A_413 : vector<16xf32> to vector<16xf32>
          tpu.vector_store %arg5[%swap3A_870], %swap3A_873 {strides = array<i32>} : memref<32768xf32, #tpu.memory_space<vmem>>, vector<16xf32>,
          %add3A_874 = arith.constant 768 : i32
          %add3A_875 = arith.addi %mul3A_434, %add3A_874 : i32
          %add3A_876 = arith.constant 112 : i32
          %add3A_877 = arith.addi %add3A_875, %add3A_876 : i32
          %swap3A_878 = arith.index_cast %add3A_877 : i32 to index
          %swap3A_879 = tpu.vector_load %arg5[%swap3A_878] {strides = array<i32>} : memref<32768xf32, #tpu.memory_space<vmem>>, vector<16xf32>,
          %swap3A_880 = vector.shape_cast %swap3A_879 : vector<16xf32> to vector<16xf32>
          %swap3A_881 = vector.shape_cast %gather3A_413 : vector<16xf32> to vector<16xf32>
          tpu.vector_store %arg5[%swap3A_878], %swap3A_881 {strides = array<i32>} : memref<32768xf32, #tpu.memory_space<vmem>>, vector<16xf32>,
          %add3A_882 = arith.constant 896 : i32
          %add3A_883 = arith.addi %mul3A_434, %add3A_882 : i32
          %add3A_884 = arith.constant 0 : i32
          %add3A_885 = arith.addi %add3A_883, %add3A_884 : i32
          %swap3A_886 = arith.index_cast %add3A_885 : i32 to index
          %swap3A_887 = tpu.vector_load %arg5[%swap3A_886] {strides = array<i32>} : memref<32768xf32, #tpu.memory_space<vmem>>, vector<16xf32>,
          %swap3A_888 = vector.shape_cast %swap3A_887 : vector<16xf32> to vector<16xf32>
          %swap3A_889 = vector.shape_cast %gather3A_418 : vector<16xf32> to vector<16xf32>
          tpu.vector_store %arg5[%swap3A_886], %swap3A_889 {strides = array<i32>} : memref<32768xf32, #tpu.memory_space<vmem>>, vector<16xf32>,
          %add3A_890 = arith.constant 896 : i32
          %add3A_891 = arith.addi %mul3A_434, %add3A_890 : i32
          %add3A_892 = arith.constant 16 : i32
          %add3A_893 = arith.addi %add3A_891, %add3A_892 : i32
          %swap3A_894 = arith.index_cast %add3A_893 : i32 to index
          %swap3A_895 = tpu.vector_load %arg5[%swap3A_894] {strides = array<i32>} : memref<32768xf32, #tpu.memory_space<vmem>>, vector<16xf32>,
          %swap3A_896 = vector.shape_cast %swap3A_895 : vector<16xf32> to vector<16xf32>
          %swap3A_897 = vector.shape_cast %gather3A_418 : vector<16xf32> to vector<16xf32>
          tpu.vector_store %arg5[%swap3A_894], %swap3A_897 {strides = array<i32>} : memref<32768xf32, #tpu.memory_space<vmem>>, vector<16xf32>,
          %add3A_898 = arith.constant 896 : i32
          %add3A_899 = arith.addi %mul3A_434, %add3A_898 : i32
          %add3A_900 = arith.constant 32 : i32
          %add3A_901 = arith.addi %add3A_899, %add3A_900 : i32
          %swap3A_902 = arith.index_cast %add3A_901 : i32 to index
          %swap3A_903 = tpu.vector_load %arg5[%swap3A_902] {strides = array<i32>} : memref<32768xf32, #tpu.memory_space<vmem>>, vector<16xf32>,
          %swap3A_904 = vector.shape_cast %swap3A_903 : vector<16xf32> to vector<16xf32>
          %swap3A_905 = vector.shape_cast %gather3A_418 : vector<16xf32> to vector<16xf32>
          tpu.vector_store %arg5[%swap3A_902], %swap3A_905 {strides = array<i32>} : memref<32768xf32, #tpu.memory_space<vmem>>, vector<16xf32>,
          %add3A_906 = arith.constant 896 : i32
          %add3A_907 = arith.addi %mul3A_434, %add3A_906 : i32
          %add3A_908 = arith.constant 48 : i32
          %add3A_909 = arith.addi %add3A_907, %add3A_908 : i32
          %swap3A_910 = arith.index_cast %add3A_909 : i32 to index
          %swap3A_911 = tpu.vector_load %arg5[%swap3A_910] {strides = array<i32>} : memref<32768xf32, #tpu.memory_space<vmem>>, vector<16xf32>,
          %swap3A_912 = vector.shape_cast %swap3A_911 : vector<16xf32> to vector<16xf32>
          %swap3A_913 = vector.shape_cast %gather3A_418 : vector<16xf32> to vector<16xf32>
          tpu.vector_store %arg5[%swap3A_910], %swap3A_913 {strides = array<i32>} : memref<32768xf32, #tpu.memory_space<vmem>>, vector<16xf32>,
          %add3A_914 = arith.constant 896 : i32
          %add3A_915 = arith.addi %mul3A_434, %add3A_914 : i32
          %add3A_916 = arith.constant 64 : i32
          %add3A_917 = arith.addi %add3A_915, %add3A_916 : i32
          %swap3A_918 = arith.index_cast %add3A_917 : i32 to index
          %swap3A_919 = tpu.vector_load %arg5[%swap3A_918] {strides = array<i32>} : memref<32768xf32, #tpu.memory_space<vmem>>, vector<16xf32>,
          %swap3A_920 = vector.shape_cast %swap3A_919 : vector<16xf32> to vector<16xf32>
          %swap3A_921 = vector.shape_cast %gather3A_418 : vector<16xf32> to vector<16xf32>
          tpu.vector_store %arg5[%swap3A_918], %swap3A_921 {strides = array<i32>} : memref<32768xf32, #tpu.memory_space<vmem>>, vector<16xf32>,
          %add3A_922 = arith.constant 896 : i32
          %add3A_923 = arith.addi %mul3A_434, %add3A_922 : i32
          %add3A_924 = arith.constant 80 : i32
          %add3A_925 = arith.addi %add3A_923, %add3A_924 : i32
          %swap3A_926 = arith.index_cast %add3A_925 : i32 to index
          %swap3A_927 = tpu.vector_load %arg5[%swap3A_926] {strides = array<i32>} : memref<32768xf32, #tpu.memory_space<vmem>>, vector<16xf32>,
          %swap3A_928 = vector.shape_cast %swap3A_927 : vector<16xf32> to vector<16xf32>
          %swap3A_929 = vector.shape_cast %gather3A_418 : vector<16xf32> to vector<16xf32>
          tpu.vector_store %arg5[%swap3A_926], %swap3A_929 {strides = array<i32>} : memref<32768xf32, #tpu.memory_space<vmem>>, vector<16xf32>,
          %add3A_930 = arith.constant 896 : i32
          %add3A_931 = arith.addi %mul3A_434, %add3A_930 : i32
          %add3A_932 = arith.constant 96 : i32
          %add3A_933 = arith.addi %add3A_931, %add3A_932 : i32
          %swap3A_934 = arith.index_cast %add3A_933 : i32 to index
          %swap3A_935 = tpu.vector_load %arg5[%swap3A_934] {strides = array<i32>} : memref<32768xf32, #tpu.memory_space<vmem>>, vector<16xf32>,
          %swap3A_936 = vector.shape_cast %swap3A_935 : vector<16xf32> to vector<16xf32>
          %swap3A_937 = vector.shape_cast %gather3A_418 : vector<16xf32> to vector<16xf32>
          tpu.vector_store %arg5[%swap3A_934], %swap3A_937 {strides = array<i32>} : memref<32768xf32, #tpu.memory_space<vmem>>, vector<16xf32>,
          %add3A_938 = arith.constant 896 : i32
          %add3A_939 = arith.addi %mul3A_434, %add3A_938 : i32
          %add3A_940 = arith.constant 112 : i32
          %add3A_941 = arith.addi %add3A_939, %add3A_940 : i32
          %swap3A_942 = arith.index_cast %add3A_941 : i32 to index
          %swap3A_943 = tpu.vector_load %arg5[%swap3A_942] {strides = array<i32>} : memref<32768xf32, #tpu.memory_space<vmem>>, vector<16xf32>,
          %swap3A_944 = vector.shape_cast %swap3A_943 : vector<16xf32> to vector<16xf32>
          %swap3A_945 = vector.shape_cast %gather3A_418 : vector<16xf32> to vector<16xf32>
          tpu.vector_store %arg5[%swap3A_942], %swap3A_945 {strides = array<i32>} : memref<32768xf32, #tpu.memory_space<vmem>>, vector<16xf32>,
          %scan3A_946 = arith.constant 0 : i32
          scf.yield %scan3A_946 : i32
        }
        %scan3A_425 = arith.constant 32 : i32
        %mul3A_426 = arith.constant 32768 : i32
        %mul3A_427 = arith.muli %add3A_276, %mul3A_426 : i32
        %dma_start3A_428 = tpu.memref_slice %arg3[%mul3A_427] : memref<52428800xf32, #tpu.memory_space<hbm>> -> memref<32768xf32, #tpu.memory_space<hbm>>
        %dma_start3A_429 = tpu.memref_slice %arg3[%mul3A_427] : memref<52428800xf32, #tpu.memory_space<hbm>> -> memref<32768xf32, #tpu.memory_space<hbm>>
        tpu.enqueue_dma source(%arg5 : memref<32768xf32, #tpu.memory_space<vmem>>) target(%dma_start3A_429 : memref<32768xf32, #tpu.memory_space<hbm>>) target_semaphore(%arg7 : memref<!tpu.dma_semaphore, #tpu.memory_space<semaphore_mem>>)
        %cond3A_430 = arith.constant 0 : i32
        scf.yield %cond3A_430 : i32
      } else {
        %mul3A_300 = arith.constant 32768 : i32
        %mul3A_301 = arith.muli %sub3A_278, %mul3A_300 : i32
        %dma_wait3A_302 = tpu.memref_slice %arg3[%mul3A_301] : memref<52428800xf32, #tpu.memory_space<hbm>> -> memref<32768xf32, #tpu.memory_space<hbm>>
        %dma_wait3A_303 = tpu.memref_slice %arg3[%mul3A_301] : memref<52428800xf32, #tpu.memory_space<hbm>> -> memref<32768xf32, #tpu.memory_space<hbm>>
        tpu.wait_dma2 semaphore(%arg8 : memref<!tpu.dma_semaphore, #tpu.memory_space<semaphore_mem>>) src(%arg6 : memref<32768xf32, #tpu.memory_space<vmem>>) dst(%dma_wait3A_303 : memref<32768xf32, #tpu.memory_space<hbm>>)
        %jit3A_304 = arith.constant 8 : i32
        %div3A_305 = arith.divsi %add3A_276, %jit3A_304 : i32
        %sign3A_306 = arith.constant 0 : i32
        %sign3A_307 = arith.cmpi sgt, %add3A_276, %sign3A_306 : i32
        %sign3A_308 = arith.extui %sign3A_307 : i1 to i32
        %sign3A_309 = arith.constant 0 : i32
        %sign3A_310 = arith.cmpi slt, %add3A_276, %sign3A_309 : i32
        %sign3A_311 = arith.extui %sign3A_310 : i1 to i32
        %sign3A_312 = arith.subi %sign3A_308, %sign3A_311 : i32
        %sign3A_313 = arith.constant 0 : i32
        %sign3A_314 = arith.cmpi sgt, %jit3A_304, %sign3A_313 : i32
        %sign3A_315 = arith.extui %sign3A_314 : i1 to i32
        %sign3A_316 = arith.constant 0 : i32
        %sign3A_317 = arith.cmpi slt, %jit3A_304, %sign3A_316 : i32
        %sign3A_318 = arith.extui %sign3A_317 : i1 to i32
        %sign3A_319 = arith.subi %sign3A_315, %sign3A_318 : i32
        %ne3A_320 = arith.cmpi ne, %sign3A_312, %sign3A_319 : i32
        %rem3A_321 = arith.remsi %add3A_276, %jit3A_304 : i32
        %ne3A_322 = arith.constant 0 : i32
        %ne3A_323 = arith.cmpi ne, %rem3A_321, %ne3A_322 : i32
        %and3A_324 = arith.andi %ne3A_320, %ne3A_323 : i1
        %sub3A_325 = arith.constant 1 : i32
        %sub3A_326 = arith.subi %div3A_305, %sub3A_325 : i32
        %select_n3A_327 = arith.select %and3A_324, %sub3A_326, %div3A_305 : i32
        %jit3A_328 = arith.constant 8 : i32
        %eq3A_329 = arith.constant 0 : i32
        %eq3A_330 = arith.cmpi eq, %jit3A_328, %eq3A_329 : i32
        %jit3A_331 = arith.constant 1 : i32
        %select_n3A_332 = arith.select %eq3A_330, %jit3A_331, %jit3A_328 : i32
        %rem3A_333 = arith.remsi %add3A_276, %select_n3A_332 : i32
        %ne3A_334 = arith.constant 0 : i32
        %ne3A_335 = arith.cmpi ne, %rem3A_333, %ne3A_334 : i32
        %lt3A_336 = arith.constant 0 : i32
        %lt3A_337 = arith.cmpi slt, %rem3A_333, %lt3A_336 : i32
        %lt3A_338 = arith.constant 0 : i32
        %lt3A_339 = arith.cmpi slt, %select_n3A_332, %lt3A_338 : i32
        %ne3A_340 = arith.xori %lt3A_337, %lt3A_339 : i1
        %and3A_341 = arith.andi %ne3A_340, %ne3A_335 : i1
        %add3A_342 = arith.addi %rem3A_333, %select_n3A_332 : i32
        %select_n3A_343 = arith.select %and3A_341, %add3A_342, %rem3A_333 : i32
        %mul3A_344 = arith.constant 64 : i32
        %mul3A_345 = arith.muli %select_n3A_327, %mul3A_344 : i32
        %mul3A_346 = arith.constant 8 : i32
        %mul3A_347 = arith.muli %select_n3A_343, %mul3A_346 : i32
        %add3A_348 = arith.addi %mul3A_345, %mul3A_347 : i32
        %jit3A_349 = arith.constant 16 : i32
        %div3A_350 = arith.divsi %add3A_348, %jit3A_349 : i32
        %sign3A_351 = arith.constant 0 : i32
        %sign3A_352 = arith.cmpi sgt, %add3A_348, %sign3A_351 : i32
        %sign3A_353 = arith.extui %sign3A_352 : i1 to i32
        %sign3A_354 = arith.constant 0 : i32
        %sign3A_355 = arith.cmpi slt, %add3A_348, %sign3A_354 : i32
        %sign3A_356 = arith.extui %sign3A_355 : i1 to i32
        %sign3A_357 = arith.subi %sign3A_353, %sign3A_356 : i32
        %sign3A_358 = arith.constant 0 : i32
        %sign3A_359 = arith.cmpi sgt, %jit3A_349, %sign3A_358 : i32
        %sign3A_360 = arith.extui %sign3A_359 : i1 to i32
        %sign3A_361 = arith.constant 0 : i32
        %sign3A_362 = arith.cmpi slt, %jit3A_349, %sign3A_361 : i32
        %sign3A_363 = arith.extui %sign3A_362 : i1 to i32
        %sign3A_364 = arith.subi %sign3A_360, %sign3A_363 : i32
        %ne3A_365 = arith.cmpi ne, %sign3A_357, %sign3A_364 : i32
        %rem3A_366 = arith.remsi %add3A_348, %jit3A_349 : i32
        %ne3A_367 = arith.constant 0 : i32
        %ne3A_368 = arith.cmpi ne, %rem3A_366, %ne3A_367 : i32
        %and3A_369 = arith.andi %ne3A_365, %ne3A_368 : i1
        %sub3A_370 = arith.constant 1 : i32
        %sub3A_371 = arith.subi %div3A_350, %sub3A_370 : i32
        %select_n3A_372 = arith.select %and3A_369, %sub3A_371, %div3A_350 : i32
        %mul3A_373 = arith.constant 16 : i32
        %mul3A_374 = arith.muli %select_n3A_372, %mul3A_373 : i32
        %sub3A_375 = arith.subi %add3A_348, %mul3A_374 : i32
        %get3A_376 = arith.index_cast %mul3A_374 : i32 to index
        %get3A_377 = tpu.vector_load %arg4[%get3A_376] {strides = array<i32>} : memref<12800xf32, #tpu.memory_space<vmem>>, vector<16xf32>,
        %get3A_378 = vector.shape_cast %get3A_377 : vector<16xf32> to vector<16xf32>
        %add3A_379 = arith.constant 0 : i32
        %add3A_380 = arith.addi %sub3A_375, %add3A_379 : i32
        %broadcast_in_dim3A_381 = vector.broadcast %add3A_380 : i32 to vector<16x1xi32>
        %gather3A_382 = vector.shape_cast %broadcast_in_dim3A_381 : vector<16x1xi32> to vector<16xi32>
        %gather3A_383 = tpu.dynamic_gather %get3A_378[%gather3A_382] in [0] : vector<16xf32>, vector<16xi32> -> vector<16xf32>
        %add3A_384 = arith.constant 1 : i32
        %add3A_385 = arith.addi %sub3A_375, %add3A_384 : i32
        %broadcast_in_dim3A_386 = vector.broadcast %add3A_385 : i32 to vector<16x1xi32>
        %gather3A_387 = vector.shape_cast %broadcast_in_dim3A_386 : vector<16x1xi32> to vector<16xi32>
        %gather3A_388 = tpu.dynamic_gather %get3A_378[%gather3A_387] in [0] : vector<16xf32>, vector<16xi32> -> vector<16xf32>
        %add3A_389 = arith.constant 2 : i32
        %add3A_390 = arith.addi %sub3A_375, %add3A_389 : i32
        %broadcast_in_dim3A_391 = vector.broadcast %add3A_390 : i32 to vector<16x1xi32>
        %gather3A_392 = vector.shape_cast %broadcast_in_dim3A_391 : vector<16x1xi32> to vector<16xi32>
        %gather3A_393 = tpu.dynamic_gather %get3A_378[%gather3A_392] in [0] : vector<16xf32>, vector<16xi32> -> vector<16xf32>
        %add3A_394 = arith.constant 3 : i32
        %add3A_395 = arith.addi %sub3A_375, %add3A_394 : i32
        %broadcast_in_dim3A_396 = vector.broadcast %add3A_395 : i32 to vector<16x1xi32>
        %gather3A_397 = vector.shape_cast %broadcast_in_dim3A_396 : vector<16x1xi32> to vector<16xi32>
        %gather3A_398 = tpu.dynamic_gather %get3A_378[%gather3A_397] in [0] : vector<16xf32>, vector<16xi32> -> vector<16xf32>
        %add3A_399 = arith.constant 4 : i32
        %add3A_400 = arith.addi %sub3A_375, %add3A_399 : i32
        %broadcast_in_dim3A_401 = vector.broadcast %add3A_400 : i32 to vector<16x1xi32>
        %gather3A_402 = vector.shape_cast %broadcast_in_dim3A_401 : vector<16x1xi32> to vector<16xi32>
        %gather3A_403 = tpu.dynamic_gather %get3A_378[%gather3A_402] in [0] : vector<16xf32>, vector<16xi32> -> vector<16xf32>
        %add3A_404 = arith.constant 5 : i32
        %add3A_405 = arith.addi %sub3A_375, %add3A_404 : i32
        %broadcast_in_dim3A_406 = vector.broadcast %add3A_405 : i32 to vector<16x1xi32>
        %gather3A_407 = vector.shape_cast %broadcast_in_dim3A_406 : vector<16x1xi32> to vector<16xi32>
        %gather3A_408 = tpu.dynamic_gather %get3A_378[%gather3A_407] in [0] : vector<16xf32>, vector<16xi32> -> vector<16xf32>
        %add3A_409 = arith.constant 6 : i32
        %add3A_410 = arith.addi %sub3A_375, %add3A_409 : i32
        %broadcast_in_dim3A_411 = vector.broadcast %add3A_410 : i32 to vector<16x1xi32>
        %gather3A_412 = vector.shape_cast %broadcast_in_dim3A_411 : vector<16x1xi32> to vector<16xi32>
        %gather3A_413 = tpu.dynamic_gather %get3A_378[%gather3A_412] in [0] : vector<16xf32>, vector<16xi32> -> vector<16xf32>
        %add3A_414 = arith.constant 7 : i32
        %add3A_415 = arith.addi %sub3A_375, %add3A_414 : i32
        %broadcast_in_dim3A_416 = vector.broadcast %add3A_415 : i32 to vector<16x1xi32>
        %gather3A_417 = vector.shape_cast %broadcast_in_dim3A_416 : vector<16x1xi32> to vector<16xi32>
        %gather3A_418 = tpu.dynamic_gather %get3A_378[%gather3A_417] in [0] : vector<16xf32>, vector<16xi32> -> vector<16xf32>
        %scan3A_419 = arith.constant 0 : i32
        %scan3A_420 = arith.constant 0 : i32
        %scan3A_421 = arith.constant 32 : i32
        %scan3A_422 = arith.addi %scan3A_420, %scan3A_421 : i32
        %scan3A_423 = arith.constant 1 : i32
        %scan3A_424 = scf.for %scan3A_431 = %scan3A_420 to %scan3A_422 step %scan3A_423 iter_args(%scan3A_432 = %scan3A_419) -> (i32)  : i32 {
          %mul3A_433 = arith.constant 1024 : i32
          %mul3A_434 = arith.muli %scan3A_431, %mul3A_433 : i32
          %add3A_435 = arith.constant 0 : i32
          %add3A_436 = arith.addi %mul3A_434, %add3A_435 : i32
          %add3A_437 = arith.constant 0 : i32
          %add3A_438 = arith.addi %add3A_436, %add3A_437 : i32
          %swap3A = arith.index_cast %add3A_438 : i32 to index
          %swap3A_439 = tpu.vector_load %arg6[%swap3A] {strides = array<i32>} : memref<32768xf32, #tpu.memory_space<vmem>>, vector<16xf32>,
          %swap3A_440 = vector.shape_cast %swap3A_439 : vector<16xf32> to vector<16xf32>
          %swap3A_441 = vector.shape_cast %gather3A_383 : vector<16xf32> to vector<16xf32>
          tpu.vector_store %arg6[%swap3A], %swap3A_441 {strides = array<i32>} : memref<32768xf32, #tpu.memory_space<vmem>>, vector<16xf32>,
          %add3A_442 = arith.constant 0 : i32
          %add3A_443 = arith.addi %mul3A_434, %add3A_442 : i32
          %add3A_444 = arith.constant 16 : i32
          %add3A_445 = arith.addi %add3A_443, %add3A_444 : i32
          %swap3A_446 = arith.index_cast %add3A_445 : i32 to index
          %swap3A_447 = tpu.vector_load %arg6[%swap3A_446] {strides = array<i32>} : memref<32768xf32, #tpu.memory_space<vmem>>, vector<16xf32>,
          %swap3A_448 = vector.shape_cast %swap3A_447 : vector<16xf32> to vector<16xf32>
          %swap3A_449 = vector.shape_cast %gather3A_383 : vector<16xf32> to vector<16xf32>
          tpu.vector_store %arg6[%swap3A_446], %swap3A_449 {strides = array<i32>} : memref<32768xf32, #tpu.memory_space<vmem>>, vector<16xf32>,
          %add3A_450 = arith.constant 0 : i32
          %add3A_451 = arith.addi %mul3A_434, %add3A_450 : i32
          %add3A_452 = arith.constant 32 : i32
          %add3A_453 = arith.addi %add3A_451, %add3A_452 : i32
          %swap3A_454 = arith.index_cast %add3A_453 : i32 to index
          %swap3A_455 = tpu.vector_load %arg6[%swap3A_454] {strides = array<i32>} : memref<32768xf32, #tpu.memory_space<vmem>>, vector<16xf32>,
          %swap3A_456 = vector.shape_cast %swap3A_455 : vector<16xf32> to vector<16xf32>
          %swap3A_457 = vector.shape_cast %gather3A_383 : vector<16xf32> to vector<16xf32>
          tpu.vector_store %arg6[%swap3A_454], %swap3A_457 {strides = array<i32>} : memref<32768xf32, #tpu.memory_space<vmem>>, vector<16xf32>,
          %add3A_458 = arith.constant 0 : i32
          %add3A_459 = arith.addi %mul3A_434, %add3A_458 : i32
          %add3A_460 = arith.constant 48 : i32
          %add3A_461 = arith.addi %add3A_459, %add3A_460 : i32
          %swap3A_462 = arith.index_cast %add3A_461 : i32 to index
          %swap3A_463 = tpu.vector_load %arg6[%swap3A_462] {strides = array<i32>} : memref<32768xf32, #tpu.memory_space<vmem>>, vector<16xf32>,
          %swap3A_464 = vector.shape_cast %swap3A_463 : vector<16xf32> to vector<16xf32>
          %swap3A_465 = vector.shape_cast %gather3A_383 : vector<16xf32> to vector<16xf32>
          tpu.vector_store %arg6[%swap3A_462], %swap3A_465 {strides = array<i32>} : memref<32768xf32, #tpu.memory_space<vmem>>, vector<16xf32>,
          %add3A_466 = arith.constant 0 : i32
          %add3A_467 = arith.addi %mul3A_434, %add3A_466 : i32
          %add3A_468 = arith.constant 64 : i32
          %add3A_469 = arith.addi %add3A_467, %add3A_468 : i32
          %swap3A_470 = arith.index_cast %add3A_469 : i32 to index
          %swap3A_471 = tpu.vector_load %arg6[%swap3A_470] {strides = array<i32>} : memref<32768xf32, #tpu.memory_space<vmem>>, vector<16xf32>,
          %swap3A_472 = vector.shape_cast %swap3A_471 : vector<16xf32> to vector<16xf32>
          %swap3A_473 = vector.shape_cast %gather3A_383 : vector<16xf32> to vector<16xf32>
          tpu.vector_store %arg6[%swap3A_470], %swap3A_473 {strides = array<i32>} : memref<32768xf32, #tpu.memory_space<vmem>>, vector<16xf32>,
          %add3A_474 = arith.constant 0 : i32
          %add3A_475 = arith.addi %mul3A_434, %add3A_474 : i32
          %add3A_476 = arith.constant 80 : i32
          %add3A_477 = arith.addi %add3A_475, %add3A_476 : i32
          %swap3A_478 = arith.index_cast %add3A_477 : i32 to index
          %swap3A_479 = tpu.vector_load %arg6[%swap3A_478] {strides = array<i32>} : memref<32768xf32, #tpu.memory_space<vmem>>, vector<16xf32>,
          %swap3A_480 = vector.shape_cast %swap3A_479 : vector<16xf32> to vector<16xf32>
          %swap3A_481 = vector.shape_cast %gather3A_383 : vector<16xf32> to vector<16xf32>
          tpu.vector_store %arg6[%swap3A_478], %swap3A_481 {strides = array<i32>} : memref<32768xf32, #tpu.memory_space<vmem>>, vector<16xf32>,
          %add3A_482 = arith.constant 0 : i32
          %add3A_483 = arith.addi %mul3A_434, %add3A_482 : i32
          %add3A_484 = arith.constant 96 : i32
          %add3A_485 = arith.addi %add3A_483, %add3A_484 : i32
          %swap3A_486 = arith.index_cast %add3A_485 : i32 to index
          %swap3A_487 = tpu.vector_load %arg6[%swap3A_486] {strides = array<i32>} : memref<32768xf32, #tpu.memory_space<vmem>>, vector<16xf32>,
          %swap3A_488 = vector.shape_cast %swap3A_487 : vector<16xf32> to vector<16xf32>
          %swap3A_489 = vector.shape_cast %gather3A_383 : vector<16xf32> to vector<16xf32>
          tpu.vector_store %arg6[%swap3A_486], %swap3A_489 {strides = array<i32>} : memref<32768xf32, #tpu.memory_space<vmem>>, vector<16xf32>,
          %add3A_490 = arith.constant 0 : i32
          %add3A_491 = arith.addi %mul3A_434, %add3A_490 : i32
          %add3A_492 = arith.constant 112 : i32
          %add3A_493 = arith.addi %add3A_491, %add3A_492 : i32
          %swap3A_494 = arith.index_cast %add3A_493 : i32 to index
          %swap3A_495 = tpu.vector_load %arg6[%swap3A_494] {strides = array<i32>} : memref<32768xf32, #tpu.memory_space<vmem>>, vector<16xf32>,
          %swap3A_496 = vector.shape_cast %swap3A_495 : vector<16xf32> to vector<16xf32>
          %swap3A_497 = vector.shape_cast %gather3A_383 : vector<16xf32> to vector<16xf32>
          tpu.vector_store %arg6[%swap3A_494], %swap3A_497 {strides = array<i32>} : memref<32768xf32, #tpu.memory_space<vmem>>, vector<16xf32>,
          %add3A_498 = arith.constant 128 : i32
          %add3A_499 = arith.addi %mul3A_434, %add3A_498 : i32
          %add3A_500 = arith.constant 0 : i32
          %add3A_501 = arith.addi %add3A_499, %add3A_500 : i32
          %swap3A_502 = arith.index_cast %add3A_501 : i32 to index
          %swap3A_503 = tpu.vector_load %arg6[%swap3A_502] {strides = array<i32>} : memref<32768xf32, #tpu.memory_space<vmem>>, vector<16xf32>,
          %swap3A_504 = vector.shape_cast %swap3A_503 : vector<16xf32> to vector<16xf32>
          %swap3A_505 = vector.shape_cast %gather3A_388 : vector<16xf32> to vector<16xf32>
          tpu.vector_store %arg6[%swap3A_502], %swap3A_505 {strides = array<i32>} : memref<32768xf32, #tpu.memory_space<vmem>>, vector<16xf32>,
          %add3A_506 = arith.constant 128 : i32
          %add3A_507 = arith.addi %mul3A_434, %add3A_506 : i32
          %add3A_508 = arith.constant 16 : i32
          %add3A_509 = arith.addi %add3A_507, %add3A_508 : i32
          %swap3A_510 = arith.index_cast %add3A_509 : i32 to index
          %swap3A_511 = tpu.vector_load %arg6[%swap3A_510] {strides = array<i32>} : memref<32768xf32, #tpu.memory_space<vmem>>, vector<16xf32>,
          %swap3A_512 = vector.shape_cast %swap3A_511 : vector<16xf32> to vector<16xf32>
          %swap3A_513 = vector.shape_cast %gather3A_388 : vector<16xf32> to vector<16xf32>
          tpu.vector_store %arg6[%swap3A_510], %swap3A_513 {strides = array<i32>} : memref<32768xf32, #tpu.memory_space<vmem>>, vector<16xf32>,
          %add3A_514 = arith.constant 128 : i32
          %add3A_515 = arith.addi %mul3A_434, %add3A_514 : i32
          %add3A_516 = arith.constant 32 : i32
          %add3A_517 = arith.addi %add3A_515, %add3A_516 : i32
          %swap3A_518 = arith.index_cast %add3A_517 : i32 to index
          %swap3A_519 = tpu.vector_load %arg6[%swap3A_518] {strides = array<i32>} : memref<32768xf32, #tpu.memory_space<vmem>>, vector<16xf32>,
          %swap3A_520 = vector.shape_cast %swap3A_519 : vector<16xf32> to vector<16xf32>
          %swap3A_521 = vector.shape_cast %gather3A_388 : vector<16xf32> to vector<16xf32>
          tpu.vector_store %arg6[%swap3A_518], %swap3A_521 {strides = array<i32>} : memref<32768xf32, #tpu.memory_space<vmem>>, vector<16xf32>,
          %add3A_522 = arith.constant 128 : i32
          %add3A_523 = arith.addi %mul3A_434, %add3A_522 : i32
          %add3A_524 = arith.constant 48 : i32
          %add3A_525 = arith.addi %add3A_523, %add3A_524 : i32
          %swap3A_526 = arith.index_cast %add3A_525 : i32 to index
          %swap3A_527 = tpu.vector_load %arg6[%swap3A_526] {strides = array<i32>} : memref<32768xf32, #tpu.memory_space<vmem>>, vector<16xf32>,
          %swap3A_528 = vector.shape_cast %swap3A_527 : vector<16xf32> to vector<16xf32>
          %swap3A_529 = vector.shape_cast %gather3A_388 : vector<16xf32> to vector<16xf32>
          tpu.vector_store %arg6[%swap3A_526], %swap3A_529 {strides = array<i32>} : memref<32768xf32, #tpu.memory_space<vmem>>, vector<16xf32>,
          %add3A_530 = arith.constant 128 : i32
          %add3A_531 = arith.addi %mul3A_434, %add3A_530 : i32
          %add3A_532 = arith.constant 64 : i32
          %add3A_533 = arith.addi %add3A_531, %add3A_532 : i32
          %swap3A_534 = arith.index_cast %add3A_533 : i32 to index
          %swap3A_535 = tpu.vector_load %arg6[%swap3A_534] {strides = array<i32>} : memref<32768xf32, #tpu.memory_space<vmem>>, vector<16xf32>,
          %swap3A_536 = vector.shape_cast %swap3A_535 : vector<16xf32> to vector<16xf32>
          %swap3A_537 = vector.shape_cast %gather3A_388 : vector<16xf32> to vector<16xf32>
          tpu.vector_store %arg6[%swap3A_534], %swap3A_537 {strides = array<i32>} : memref<32768xf32, #tpu.memory_space<vmem>>, vector<16xf32>,
          %add3A_538 = arith.constant 128 : i32
          %add3A_539 = arith.addi %mul3A_434, %add3A_538 : i32
          %add3A_540 = arith.constant 80 : i32
          %add3A_541 = arith.addi %add3A_539, %add3A_540 : i32
          %swap3A_542 = arith.index_cast %add3A_541 : i32 to index
          %swap3A_543 = tpu.vector_load %arg6[%swap3A_542] {strides = array<i32>} : memref<32768xf32, #tpu.memory_space<vmem>>, vector<16xf32>,
          %swap3A_544 = vector.shape_cast %swap3A_543 : vector<16xf32> to vector<16xf32>
          %swap3A_545 = vector.shape_cast %gather3A_388 : vector<16xf32> to vector<16xf32>
          tpu.vector_store %arg6[%swap3A_542], %swap3A_545 {strides = array<i32>} : memref<32768xf32, #tpu.memory_space<vmem>>, vector<16xf32>,
          %add3A_546 = arith.constant 128 : i32
          %add3A_547 = arith.addi %mul3A_434, %add3A_546 : i32
          %add3A_548 = arith.constant 96 : i32
          %add3A_549 = arith.addi %add3A_547, %add3A_548 : i32
          %swap3A_550 = arith.index_cast %add3A_549 : i32 to index
          %swap3A_551 = tpu.vector_load %arg6[%swap3A_550] {strides = array<i32>} : memref<32768xf32, #tpu.memory_space<vmem>>, vector<16xf32>,
          %swap3A_552 = vector.shape_cast %swap3A_551 : vector<16xf32> to vector<16xf32>
          %swap3A_553 = vector.shape_cast %gather3A_388 : vector<16xf32> to vector<16xf32>
          tpu.vector_store %arg6[%swap3A_550], %swap3A_553 {strides = array<i32>} : memref<32768xf32, #tpu.memory_space<vmem>>, vector<16xf32>,
          %add3A_554 = arith.constant 128 : i32
          %add3A_555 = arith.addi %mul3A_434, %add3A_554 : i32
          %add3A_556 = arith.constant 112 : i32
          %add3A_557 = arith.addi %add3A_555, %add3A_556 : i32
          %swap3A_558 = arith.index_cast %add3A_557 : i32 to index
          %swap3A_559 = tpu.vector_load %arg6[%swap3A_558] {strides = array<i32>} : memref<32768xf32, #tpu.memory_space<vmem>>, vector<16xf32>,
          %swap3A_560 = vector.shape_cast %swap3A_559 : vector<16xf32> to vector<16xf32>
          %swap3A_561 = vector.shape_cast %gather3A_388 : vector<16xf32> to vector<16xf32>
          tpu.vector_store %arg6[%swap3A_558], %swap3A_561 {strides = array<i32>} : memref<32768xf32, #tpu.memory_space<vmem>>, vector<16xf32>,
          %add3A_562 = arith.constant 256 : i32
          %add3A_563 = arith.addi %mul3A_434, %add3A_562 : i32
          %add3A_564 = arith.constant 0 : i32
          %add3A_565 = arith.addi %add3A_563, %add3A_564 : i32
          %swap3A_566 = arith.index_cast %add3A_565 : i32 to index
          %swap3A_567 = tpu.vector_load %arg6[%swap3A_566] {strides = array<i32>} : memref<32768xf32, #tpu.memory_space<vmem>>, vector<16xf32>,
          %swap3A_568 = vector.shape_cast %swap3A_567 : vector<16xf32> to vector<16xf32>
          %swap3A_569 = vector.shape_cast %gather3A_393 : vector<16xf32> to vector<16xf32>
          tpu.vector_store %arg6[%swap3A_566], %swap3A_569 {strides = array<i32>} : memref<32768xf32, #tpu.memory_space<vmem>>, vector<16xf32>,
          %add3A_570 = arith.constant 256 : i32
          %add3A_571 = arith.addi %mul3A_434, %add3A_570 : i32
          %add3A_572 = arith.constant 16 : i32
          %add3A_573 = arith.addi %add3A_571, %add3A_572 : i32
          %swap3A_574 = arith.index_cast %add3A_573 : i32 to index
          %swap3A_575 = tpu.vector_load %arg6[%swap3A_574] {strides = array<i32>} : memref<32768xf32, #tpu.memory_space<vmem>>, vector<16xf32>,
          %swap3A_576 = vector.shape_cast %swap3A_575 : vector<16xf32> to vector<16xf32>
          %swap3A_577 = vector.shape_cast %gather3A_393 : vector<16xf32> to vector<16xf32>
          tpu.vector_store %arg6[%swap3A_574], %swap3A_577 {strides = array<i32>} : memref<32768xf32, #tpu.memory_space<vmem>>, vector<16xf32>,
          %add3A_578 = arith.constant 256 : i32
          %add3A_579 = arith.addi %mul3A_434, %add3A_578 : i32
          %add3A_580 = arith.constant 32 : i32
          %add3A_581 = arith.addi %add3A_579, %add3A_580 : i32
          %swap3A_582 = arith.index_cast %add3A_581 : i32 to index
          %swap3A_583 = tpu.vector_load %arg6[%swap3A_582] {strides = array<i32>} : memref<32768xf32, #tpu.memory_space<vmem>>, vector<16xf32>,
          %swap3A_584 = vector.shape_cast %swap3A_583 : vector<16xf32> to vector<16xf32>
          %swap3A_585 = vector.shape_cast %gather3A_393 : vector<16xf32> to vector<16xf32>
          tpu.vector_store %arg6[%swap3A_582], %swap3A_585 {strides = array<i32>} : memref<32768xf32, #tpu.memory_space<vmem>>, vector<16xf32>,
          %add3A_586 = arith.constant 256 : i32
          %add3A_587 = arith.addi %mul3A_434, %add3A_586 : i32
          %add3A_588 = arith.constant 48 : i32
          %add3A_589 = arith.addi %add3A_587, %add3A_588 : i32
          %swap3A_590 = arith.index_cast %add3A_589 : i32 to index
          %swap3A_591 = tpu.vector_load %arg6[%swap3A_590] {strides = array<i32>} : memref<32768xf32, #tpu.memory_space<vmem>>, vector<16xf32>,
          %swap3A_592 = vector.shape_cast %swap3A_591 : vector<16xf32> to vector<16xf32>
          %swap3A_593 = vector.shape_cast %gather3A_393 : vector<16xf32> to vector<16xf32>
          tpu.vector_store %arg6[%swap3A_590], %swap3A_593 {strides = array<i32>} : memref<32768xf32, #tpu.memory_space<vmem>>, vector<16xf32>,
          %add3A_594 = arith.constant 256 : i32
          %add3A_595 = arith.addi %mul3A_434, %add3A_594 : i32
          %add3A_596 = arith.constant 64 : i32
          %add3A_597 = arith.addi %add3A_595, %add3A_596 : i32
          %swap3A_598 = arith.index_cast %add3A_597 : i32 to index
          %swap3A_599 = tpu.vector_load %arg6[%swap3A_598] {strides = array<i32>} : memref<32768xf32, #tpu.memory_space<vmem>>, vector<16xf32>,
          %swap3A_600 = vector.shape_cast %swap3A_599 : vector<16xf32> to vector<16xf32>
          %swap3A_601 = vector.shape_cast %gather3A_393 : vector<16xf32> to vector<16xf32>
          tpu.vector_store %arg6[%swap3A_598], %swap3A_601 {strides = array<i32>} : memref<32768xf32, #tpu.memory_space<vmem>>, vector<16xf32>,
          %add3A_602 = arith.constant 256 : i32
          %add3A_603 = arith.addi %mul3A_434, %add3A_602 : i32
          %add3A_604 = arith.constant 80 : i32
          %add3A_605 = arith.addi %add3A_603, %add3A_604 : i32
          %swap3A_606 = arith.index_cast %add3A_605 : i32 to index
          %swap3A_607 = tpu.vector_load %arg6[%swap3A_606] {strides = array<i32>} : memref<32768xf32, #tpu.memory_space<vmem>>, vector<16xf32>,
          %swap3A_608 = vector.shape_cast %swap3A_607 : vector<16xf32> to vector<16xf32>
          %swap3A_609 = vector.shape_cast %gather3A_393 : vector<16xf32> to vector<16xf32>
          tpu.vector_store %arg6[%swap3A_606], %swap3A_609 {strides = array<i32>} : memref<32768xf32, #tpu.memory_space<vmem>>, vector<16xf32>,
          %add3A_610 = arith.constant 256 : i32
          %add3A_611 = arith.addi %mul3A_434, %add3A_610 : i32
          %add3A_612 = arith.constant 96 : i32
          %add3A_613 = arith.addi %add3A_611, %add3A_612 : i32
          %swap3A_614 = arith.index_cast %add3A_613 : i32 to index
          %swap3A_615 = tpu.vector_load %arg6[%swap3A_614] {strides = array<i32>} : memref<32768xf32, #tpu.memory_space<vmem>>, vector<16xf32>,
          %swap3A_616 = vector.shape_cast %swap3A_615 : vector<16xf32> to vector<16xf32>
          %swap3A_617 = vector.shape_cast %gather3A_393 : vector<16xf32> to vector<16xf32>
          tpu.vector_store %arg6[%swap3A_614], %swap3A_617 {strides = array<i32>} : memref<32768xf32, #tpu.memory_space<vmem>>, vector<16xf32>,
          %add3A_618 = arith.constant 256 : i32
          %add3A_619 = arith.addi %mul3A_434, %add3A_618 : i32
          %add3A_620 = arith.constant 112 : i32
          %add3A_621 = arith.addi %add3A_619, %add3A_620 : i32
          %swap3A_622 = arith.index_cast %add3A_621 : i32 to index
          %swap3A_623 = tpu.vector_load %arg6[%swap3A_622] {strides = array<i32>} : memref<32768xf32, #tpu.memory_space<vmem>>, vector<16xf32>,
          %swap3A_624 = vector.shape_cast %swap3A_623 : vector<16xf32> to vector<16xf32>
          %swap3A_625 = vector.shape_cast %gather3A_393 : vector<16xf32> to vector<16xf32>
          tpu.vector_store %arg6[%swap3A_622], %swap3A_625 {strides = array<i32>} : memref<32768xf32, #tpu.memory_space<vmem>>, vector<16xf32>,
          %add3A_626 = arith.constant 384 : i32
          %add3A_627 = arith.addi %mul3A_434, %add3A_626 : i32
          %add3A_628 = arith.constant 0 : i32
          %add3A_629 = arith.addi %add3A_627, %add3A_628 : i32
          %swap3A_630 = arith.index_cast %add3A_629 : i32 to index
          %swap3A_631 = tpu.vector_load %arg6[%swap3A_630] {strides = array<i32>} : memref<32768xf32, #tpu.memory_space<vmem>>, vector<16xf32>,
          %swap3A_632 = vector.shape_cast %swap3A_631 : vector<16xf32> to vector<16xf32>
          %swap3A_633 = vector.shape_cast %gather3A_398 : vector<16xf32> to vector<16xf32>
          tpu.vector_store %arg6[%swap3A_630], %swap3A_633 {strides = array<i32>} : memref<32768xf32, #tpu.memory_space<vmem>>, vector<16xf32>,
          %add3A_634 = arith.constant 384 : i32
          %add3A_635 = arith.addi %mul3A_434, %add3A_634 : i32
          %add3A_636 = arith.constant 16 : i32
          %add3A_637 = arith.addi %add3A_635, %add3A_636 : i32
          %swap3A_638 = arith.index_cast %add3A_637 : i32 to index
          %swap3A_639 = tpu.vector_load %arg6[%swap3A_638] {strides = array<i32>} : memref<32768xf32, #tpu.memory_space<vmem>>, vector<16xf32>,
          %swap3A_640 = vector.shape_cast %swap3A_639 : vector<16xf32> to vector<16xf32>
          %swap3A_641 = vector.shape_cast %gather3A_398 : vector<16xf32> to vector<16xf32>
          tpu.vector_store %arg6[%swap3A_638], %swap3A_641 {strides = array<i32>} : memref<32768xf32, #tpu.memory_space<vmem>>, vector<16xf32>,
          %add3A_642 = arith.constant 384 : i32
          %add3A_643 = arith.addi %mul3A_434, %add3A_642 : i32
          %add3A_644 = arith.constant 32 : i32
          %add3A_645 = arith.addi %add3A_643, %add3A_644 : i32
          %swap3A_646 = arith.index_cast %add3A_645 : i32 to index
          %swap3A_647 = tpu.vector_load %arg6[%swap3A_646] {strides = array<i32>} : memref<32768xf32, #tpu.memory_space<vmem>>, vector<16xf32>,
          %swap3A_648 = vector.shape_cast %swap3A_647 : vector<16xf32> to vector<16xf32>
          %swap3A_649 = vector.shape_cast %gather3A_398 : vector<16xf32> to vector<16xf32>
          tpu.vector_store %arg6[%swap3A_646], %swap3A_649 {strides = array<i32>} : memref<32768xf32, #tpu.memory_space<vmem>>, vector<16xf32>,
          %add3A_650 = arith.constant 384 : i32
          %add3A_651 = arith.addi %mul3A_434, %add3A_650 : i32
          %add3A_652 = arith.constant 48 : i32
          %add3A_653 = arith.addi %add3A_651, %add3A_652 : i32
          %swap3A_654 = arith.index_cast %add3A_653 : i32 to index
          %swap3A_655 = tpu.vector_load %arg6[%swap3A_654] {strides = array<i32>} : memref<32768xf32, #tpu.memory_space<vmem>>, vector<16xf32>,
          %swap3A_656 = vector.shape_cast %swap3A_655 : vector<16xf32> to vector<16xf32>
          %swap3A_657 = vector.shape_cast %gather3A_398 : vector<16xf32> to vector<16xf32>
          tpu.vector_store %arg6[%swap3A_654], %swap3A_657 {strides = array<i32>} : memref<32768xf32, #tpu.memory_space<vmem>>, vector<16xf32>,
          %add3A_658 = arith.constant 384 : i32
          %add3A_659 = arith.addi %mul3A_434, %add3A_658 : i32
          %add3A_660 = arith.constant 64 : i32
          %add3A_661 = arith.addi %add3A_659, %add3A_660 : i32
          %swap3A_662 = arith.index_cast %add3A_661 : i32 to index
          %swap3A_663 = tpu.vector_load %arg6[%swap3A_662] {strides = array<i32>} : memref<32768xf32, #tpu.memory_space<vmem>>, vector<16xf32>,
          %swap3A_664 = vector.shape_cast %swap3A_663 : vector<16xf32> to vector<16xf32>
          %swap3A_665 = vector.shape_cast %gather3A_398 : vector<16xf32> to vector<16xf32>
          tpu.vector_store %arg6[%swap3A_662], %swap3A_665 {strides = array<i32>} : memref<32768xf32, #tpu.memory_space<vmem>>, vector<16xf32>,
          %add3A_666 = arith.constant 384 : i32
          %add3A_667 = arith.addi %mul3A_434, %add3A_666 : i32
          %add3A_668 = arith.constant 80 : i32
          %add3A_669 = arith.addi %add3A_667, %add3A_668 : i32
          %swap3A_670 = arith.index_cast %add3A_669 : i32 to index
          %swap3A_671 = tpu.vector_load %arg6[%swap3A_670] {strides = array<i32>} : memref<32768xf32, #tpu.memory_space<vmem>>, vector<16xf32>,
          %swap3A_672 = vector.shape_cast %swap3A_671 : vector<16xf32> to vector<16xf32>
          %swap3A_673 = vector.shape_cast %gather3A_398 : vector<16xf32> to vector<16xf32>
          tpu.vector_store %arg6[%swap3A_670], %swap3A_673 {strides = array<i32>} : memref<32768xf32, #tpu.memory_space<vmem>>, vector<16xf32>,
          %add3A_674 = arith.constant 384 : i32
          %add3A_675 = arith.addi %mul3A_434, %add3A_674 : i32
          %add3A_676 = arith.constant 96 : i32
          %add3A_677 = arith.addi %add3A_675, %add3A_676 : i32
          %swap3A_678 = arith.index_cast %add3A_677 : i32 to index
          %swap3A_679 = tpu.vector_load %arg6[%swap3A_678] {strides = array<i32>} : memref<32768xf32, #tpu.memory_space<vmem>>, vector<16xf32>,
          %swap3A_680 = vector.shape_cast %swap3A_679 : vector<16xf32> to vector<16xf32>
          %swap3A_681 = vector.shape_cast %gather3A_398 : vector<16xf32> to vector<16xf32>
          tpu.vector_store %arg6[%swap3A_678], %swap3A_681 {strides = array<i32>} : memref<32768xf32, #tpu.memory_space<vmem>>, vector<16xf32>,
          %add3A_682 = arith.constant 384 : i32
          %add3A_683 = arith.addi %mul3A_434, %add3A_682 : i32
          %add3A_684 = arith.constant 112 : i32
          %add3A_685 = arith.addi %add3A_683, %add3A_684 : i32
          %swap3A_686 = arith.index_cast %add3A_685 : i32 to index
          %swap3A_687 = tpu.vector_load %arg6[%swap3A_686] {strides = array<i32>} : memref<32768xf32, #tpu.memory_space<vmem>>, vector<16xf32>,
          %swap3A_688 = vector.shape_cast %swap3A_687 : vector<16xf32> to vector<16xf32>
          %swap3A_689 = vector.shape_cast %gather3A_398 : vector<16xf32> to vector<16xf32>
          tpu.vector_store %arg6[%swap3A_686], %swap3A_689 {strides = array<i32>} : memref<32768xf32, #tpu.memory_space<vmem>>, vector<16xf32>,
          %add3A_690 = arith.constant 512 : i32
          %add3A_691 = arith.addi %mul3A_434, %add3A_690 : i32
          %add3A_692 = arith.constant 0 : i32
          %add3A_693 = arith.addi %add3A_691, %add3A_692 : i32
          %swap3A_694 = arith.index_cast %add3A_693 : i32 to index
          %swap3A_695 = tpu.vector_load %arg6[%swap3A_694] {strides = array<i32>} : memref<32768xf32, #tpu.memory_space<vmem>>, vector<16xf32>,
          %swap3A_696 = vector.shape_cast %swap3A_695 : vector<16xf32> to vector<16xf32>
          %swap3A_697 = vector.shape_cast %gather3A_403 : vector<16xf32> to vector<16xf32>
          tpu.vector_store %arg6[%swap3A_694], %swap3A_697 {strides = array<i32>} : memref<32768xf32, #tpu.memory_space<vmem>>, vector<16xf32>,
          %add3A_698 = arith.constant 512 : i32
          %add3A_699 = arith.addi %mul3A_434, %add3A_698 : i32
          %add3A_700 = arith.constant 16 : i32
          %add3A_701 = arith.addi %add3A_699, %add3A_700 : i32
          %swap3A_702 = arith.index_cast %add3A_701 : i32 to index
          %swap3A_703 = tpu.vector_load %arg6[%swap3A_702] {strides = array<i32>} : memref<32768xf32, #tpu.memory_space<vmem>>, vector<16xf32>,
          %swap3A_704 = vector.shape_cast %swap3A_703 : vector<16xf32> to vector<16xf32>
          %swap3A_705 = vector.shape_cast %gather3A_403 : vector<16xf32> to vector<16xf32>
          tpu.vector_store %arg6[%swap3A_702], %swap3A_705 {strides = array<i32>} : memref<32768xf32, #tpu.memory_space<vmem>>, vector<16xf32>,
          %add3A_706 = arith.constant 512 : i32
          %add3A_707 = arith.addi %mul3A_434, %add3A_706 : i32
          %add3A_708 = arith.constant 32 : i32
          %add3A_709 = arith.addi %add3A_707, %add3A_708 : i32
          %swap3A_710 = arith.index_cast %add3A_709 : i32 to index
          %swap3A_711 = tpu.vector_load %arg6[%swap3A_710] {strides = array<i32>} : memref<32768xf32, #tpu.memory_space<vmem>>, vector<16xf32>,
          %swap3A_712 = vector.shape_cast %swap3A_711 : vector<16xf32> to vector<16xf32>
          %swap3A_713 = vector.shape_cast %gather3A_403 : vector<16xf32> to vector<16xf32>
          tpu.vector_store %arg6[%swap3A_710], %swap3A_713 {strides = array<i32>} : memref<32768xf32, #tpu.memory_space<vmem>>, vector<16xf32>,
          %add3A_714 = arith.constant 512 : i32
          %add3A_715 = arith.addi %mul3A_434, %add3A_714 : i32
          %add3A_716 = arith.constant 48 : i32
          %add3A_717 = arith.addi %add3A_715, %add3A_716 : i32
          %swap3A_718 = arith.index_cast %add3A_717 : i32 to index
          %swap3A_719 = tpu.vector_load %arg6[%swap3A_718] {strides = array<i32>} : memref<32768xf32, #tpu.memory_space<vmem>>, vector<16xf32>,
          %swap3A_720 = vector.shape_cast %swap3A_719 : vector<16xf32> to vector<16xf32>
          %swap3A_721 = vector.shape_cast %gather3A_403 : vector<16xf32> to vector<16xf32>
          tpu.vector_store %arg6[%swap3A_718], %swap3A_721 {strides = array<i32>} : memref<32768xf32, #tpu.memory_space<vmem>>, vector<16xf32>,
          %add3A_722 = arith.constant 512 : i32
          %add3A_723 = arith.addi %mul3A_434, %add3A_722 : i32
          %add3A_724 = arith.constant 64 : i32
          %add3A_725 = arith.addi %add3A_723, %add3A_724 : i32
          %swap3A_726 = arith.index_cast %add3A_725 : i32 to index
          %swap3A_727 = tpu.vector_load %arg6[%swap3A_726] {strides = array<i32>} : memref<32768xf32, #tpu.memory_space<vmem>>, vector<16xf32>,
          %swap3A_728 = vector.shape_cast %swap3A_727 : vector<16xf32> to vector<16xf32>
          %swap3A_729 = vector.shape_cast %gather3A_403 : vector<16xf32> to vector<16xf32>
          tpu.vector_store %arg6[%swap3A_726], %swap3A_729 {strides = array<i32>} : memref<32768xf32, #tpu.memory_space<vmem>>, vector<16xf32>,
          %add3A_730 = arith.constant 512 : i32
          %add3A_731 = arith.addi %mul3A_434, %add3A_730 : i32
          %add3A_732 = arith.constant 80 : i32
          %add3A_733 = arith.addi %add3A_731, %add3A_732 : i32
          %swap3A_734 = arith.index_cast %add3A_733 : i32 to index
          %swap3A_735 = tpu.vector_load %arg6[%swap3A_734] {strides = array<i32>} : memref<32768xf32, #tpu.memory_space<vmem>>, vector<16xf32>,
          %swap3A_736 = vector.shape_cast %swap3A_735 : vector<16xf32> to vector<16xf32>
          %swap3A_737 = vector.shape_cast %gather3A_403 : vector<16xf32> to vector<16xf32>
          tpu.vector_store %arg6[%swap3A_734], %swap3A_737 {strides = array<i32>} : memref<32768xf32, #tpu.memory_space<vmem>>, vector<16xf32>,
          %add3A_738 = arith.constant 512 : i32
          %add3A_739 = arith.addi %mul3A_434, %add3A_738 : i32
          %add3A_740 = arith.constant 96 : i32
          %add3A_741 = arith.addi %add3A_739, %add3A_740 : i32
          %swap3A_742 = arith.index_cast %add3A_741 : i32 to index
          %swap3A_743 = tpu.vector_load %arg6[%swap3A_742] {strides = array<i32>} : memref<32768xf32, #tpu.memory_space<vmem>>, vector<16xf32>,
          %swap3A_744 = vector.shape_cast %swap3A_743 : vector<16xf32> to vector<16xf32>
          %swap3A_745 = vector.shape_cast %gather3A_403 : vector<16xf32> to vector<16xf32>
          tpu.vector_store %arg6[%swap3A_742], %swap3A_745 {strides = array<i32>} : memref<32768xf32, #tpu.memory_space<vmem>>, vector<16xf32>,
          %add3A_746 = arith.constant 512 : i32
          %add3A_747 = arith.addi %mul3A_434, %add3A_746 : i32
          %add3A_748 = arith.constant 112 : i32
          %add3A_749 = arith.addi %add3A_747, %add3A_748 : i32
          %swap3A_750 = arith.index_cast %add3A_749 : i32 to index
          %swap3A_751 = tpu.vector_load %arg6[%swap3A_750] {strides = array<i32>} : memref<32768xf32, #tpu.memory_space<vmem>>, vector<16xf32>,
          %swap3A_752 = vector.shape_cast %swap3A_751 : vector<16xf32> to vector<16xf32>
          %swap3A_753 = vector.shape_cast %gather3A_403 : vector<16xf32> to vector<16xf32>
          tpu.vector_store %arg6[%swap3A_750], %swap3A_753 {strides = array<i32>} : memref<32768xf32, #tpu.memory_space<vmem>>, vector<16xf32>,
          %add3A_754 = arith.constant 640 : i32
          %add3A_755 = arith.addi %mul3A_434, %add3A_754 : i32
          %add3A_756 = arith.constant 0 : i32
          %add3A_757 = arith.addi %add3A_755, %add3A_756 : i32
          %swap3A_758 = arith.index_cast %add3A_757 : i32 to index
          %swap3A_759 = tpu.vector_load %arg6[%swap3A_758] {strides = array<i32>} : memref<32768xf32, #tpu.memory_space<vmem>>, vector<16xf32>,
          %swap3A_760 = vector.shape_cast %swap3A_759 : vector<16xf32> to vector<16xf32>
          %swap3A_761 = vector.shape_cast %gather3A_408 : vector<16xf32> to vector<16xf32>
          tpu.vector_store %arg6[%swap3A_758], %swap3A_761 {strides = array<i32>} : memref<32768xf32, #tpu.memory_space<vmem>>, vector<16xf32>,
          %add3A_762 = arith.constant 640 : i32
          %add3A_763 = arith.addi %mul3A_434, %add3A_762 : i32
          %add3A_764 = arith.constant 16 : i32
          %add3A_765 = arith.addi %add3A_763, %add3A_764 : i32
          %swap3A_766 = arith.index_cast %add3A_765 : i32 to index
          %swap3A_767 = tpu.vector_load %arg6[%swap3A_766] {strides = array<i32>} : memref<32768xf32, #tpu.memory_space<vmem>>, vector<16xf32>,
          %swap3A_768 = vector.shape_cast %swap3A_767 : vector<16xf32> to vector<16xf32>
          %swap3A_769 = vector.shape_cast %gather3A_408 : vector<16xf32> to vector<16xf32>
          tpu.vector_store %arg6[%swap3A_766], %swap3A_769 {strides = array<i32>} : memref<32768xf32, #tpu.memory_space<vmem>>, vector<16xf32>,
          %add3A_770 = arith.constant 640 : i32
          %add3A_771 = arith.addi %mul3A_434, %add3A_770 : i32
          %add3A_772 = arith.constant 32 : i32
          %add3A_773 = arith.addi %add3A_771, %add3A_772 : i32
          %swap3A_774 = arith.index_cast %add3A_773 : i32 to index
          %swap3A_775 = tpu.vector_load %arg6[%swap3A_774] {strides = array<i32>} : memref<32768xf32, #tpu.memory_space<vmem>>, vector<16xf32>,
          %swap3A_776 = vector.shape_cast %swap3A_775 : vector<16xf32> to vector<16xf32>
          %swap3A_777 = vector.shape_cast %gather3A_408 : vector<16xf32> to vector<16xf32>
          tpu.vector_store %arg6[%swap3A_774], %swap3A_777 {strides = array<i32>} : memref<32768xf32, #tpu.memory_space<vmem>>, vector<16xf32>,
          %add3A_778 = arith.constant 640 : i32
          %add3A_779 = arith.addi %mul3A_434, %add3A_778 : i32
          %add3A_780 = arith.constant 48 : i32
          %add3A_781 = arith.addi %add3A_779, %add3A_780 : i32
          %swap3A_782 = arith.index_cast %add3A_781 : i32 to index
          %swap3A_783 = tpu.vector_load %arg6[%swap3A_782] {strides = array<i32>} : memref<32768xf32, #tpu.memory_space<vmem>>, vector<16xf32>,
          %swap3A_784 = vector.shape_cast %swap3A_783 : vector<16xf32> to vector<16xf32>
          %swap3A_785 = vector.shape_cast %gather3A_408 : vector<16xf32> to vector<16xf32>
          tpu.vector_store %arg6[%swap3A_782], %swap3A_785 {strides = array<i32>} : memref<32768xf32, #tpu.memory_space<vmem>>, vector<16xf32>,
          %add3A_786 = arith.constant 640 : i32
          %add3A_787 = arith.addi %mul3A_434, %add3A_786 : i32
          %add3A_788 = arith.constant 64 : i32
          %add3A_789 = arith.addi %add3A_787, %add3A_788 : i32
          %swap3A_790 = arith.index_cast %add3A_789 : i32 to index
          %swap3A_791 = tpu.vector_load %arg6[%swap3A_790] {strides = array<i32>} : memref<32768xf32, #tpu.memory_space<vmem>>, vector<16xf32>,
          %swap3A_792 = vector.shape_cast %swap3A_791 : vector<16xf32> to vector<16xf32>
          %swap3A_793 = vector.shape_cast %gather3A_408 : vector<16xf32> to vector<16xf32>
          tpu.vector_store %arg6[%swap3A_790], %swap3A_793 {strides = array<i32>} : memref<32768xf32, #tpu.memory_space<vmem>>, vector<16xf32>,
          %add3A_794 = arith.constant 640 : i32
          %add3A_795 = arith.addi %mul3A_434, %add3A_794 : i32
          %add3A_796 = arith.constant 80 : i32
          %add3A_797 = arith.addi %add3A_795, %add3A_796 : i32
          %swap3A_798 = arith.index_cast %add3A_797 : i32 to index
          %swap3A_799 = tpu.vector_load %arg6[%swap3A_798] {strides = array<i32>} : memref<32768xf32, #tpu.memory_space<vmem>>, vector<16xf32>,
          %swap3A_800 = vector.shape_cast %swap3A_799 : vector<16xf32> to vector<16xf32>
          %swap3A_801 = vector.shape_cast %gather3A_408 : vector<16xf32> to vector<16xf32>
          tpu.vector_store %arg6[%swap3A_798], %swap3A_801 {strides = array<i32>} : memref<32768xf32, #tpu.memory_space<vmem>>, vector<16xf32>,
          %add3A_802 = arith.constant 640 : i32
          %add3A_803 = arith.addi %mul3A_434, %add3A_802 : i32
          %add3A_804 = arith.constant 96 : i32
          %add3A_805 = arith.addi %add3A_803, %add3A_804 : i32
          %swap3A_806 = arith.index_cast %add3A_805 : i32 to index
          %swap3A_807 = tpu.vector_load %arg6[%swap3A_806] {strides = array<i32>} : memref<32768xf32, #tpu.memory_space<vmem>>, vector<16xf32>,
          %swap3A_808 = vector.shape_cast %swap3A_807 : vector<16xf32> to vector<16xf32>
          %swap3A_809 = vector.shape_cast %gather3A_408 : vector<16xf32> to vector<16xf32>
          tpu.vector_store %arg6[%swap3A_806], %swap3A_809 {strides = array<i32>} : memref<32768xf32, #tpu.memory_space<vmem>>, vector<16xf32>,
          %add3A_810 = arith.constant 640 : i32
          %add3A_811 = arith.addi %mul3A_434, %add3A_810 : i32
          %add3A_812 = arith.constant 112 : i32
          %add3A_813 = arith.addi %add3A_811, %add3A_812 : i32
          %swap3A_814 = arith.index_cast %add3A_813 : i32 to index
          %swap3A_815 = tpu.vector_load %arg6[%swap3A_814] {strides = array<i32>} : memref<32768xf32, #tpu.memory_space<vmem>>, vector<16xf32>,
          %swap3A_816 = vector.shape_cast %swap3A_815 : vector<16xf32> to vector<16xf32>
          %swap3A_817 = vector.shape_cast %gather3A_408 : vector<16xf32> to vector<16xf32>
          tpu.vector_store %arg6[%swap3A_814], %swap3A_817 {strides = array<i32>} : memref<32768xf32, #tpu.memory_space<vmem>>, vector<16xf32>,
          %add3A_818 = arith.constant 768 : i32
          %add3A_819 = arith.addi %mul3A_434, %add3A_818 : i32
          %add3A_820 = arith.constant 0 : i32
          %add3A_821 = arith.addi %add3A_819, %add3A_820 : i32
          %swap3A_822 = arith.index_cast %add3A_821 : i32 to index
          %swap3A_823 = tpu.vector_load %arg6[%swap3A_822] {strides = array<i32>} : memref<32768xf32, #tpu.memory_space<vmem>>, vector<16xf32>,
          %swap3A_824 = vector.shape_cast %swap3A_823 : vector<16xf32> to vector<16xf32>
          %swap3A_825 = vector.shape_cast %gather3A_413 : vector<16xf32> to vector<16xf32>
          tpu.vector_store %arg6[%swap3A_822], %swap3A_825 {strides = array<i32>} : memref<32768xf32, #tpu.memory_space<vmem>>, vector<16xf32>,
          %add3A_826 = arith.constant 768 : i32
          %add3A_827 = arith.addi %mul3A_434, %add3A_826 : i32
          %add3A_828 = arith.constant 16 : i32
          %add3A_829 = arith.addi %add3A_827, %add3A_828 : i32
          %swap3A_830 = arith.index_cast %add3A_829 : i32 to index
          %swap3A_831 = tpu.vector_load %arg6[%swap3A_830] {strides = array<i32>} : memref<32768xf32, #tpu.memory_space<vmem>>, vector<16xf32>,
          %swap3A_832 = vector.shape_cast %swap3A_831 : vector<16xf32> to vector<16xf32>
          %swap3A_833 = vector.shape_cast %gather3A_413 : vector<16xf32> to vector<16xf32>
          tpu.vector_store %arg6[%swap3A_830], %swap3A_833 {strides = array<i32>} : memref<32768xf32, #tpu.memory_space<vmem>>, vector<16xf32>,
          %add3A_834 = arith.constant 768 : i32
          %add3A_835 = arith.addi %mul3A_434, %add3A_834 : i32
          %add3A_836 = arith.constant 32 : i32
          %add3A_837 = arith.addi %add3A_835, %add3A_836 : i32
          %swap3A_838 = arith.index_cast %add3A_837 : i32 to index
          %swap3A_839 = tpu.vector_load %arg6[%swap3A_838] {strides = array<i32>} : memref<32768xf32, #tpu.memory_space<vmem>>, vector<16xf32>,
          %swap3A_840 = vector.shape_cast %swap3A_839 : vector<16xf32> to vector<16xf32>
          %swap3A_841 = vector.shape_cast %gather3A_413 : vector<16xf32> to vector<16xf32>
          tpu.vector_store %arg6[%swap3A_838], %swap3A_841 {strides = array<i32>} : memref<32768xf32, #tpu.memory_space<vmem>>, vector<16xf32>,
          %add3A_842 = arith.constant 768 : i32
          %add3A_843 = arith.addi %mul3A_434, %add3A_842 : i32
          %add3A_844 = arith.constant 48 : i32
          %add3A_845 = arith.addi %add3A_843, %add3A_844 : i32
          %swap3A_846 = arith.index_cast %add3A_845 : i32 to index
          %swap3A_847 = tpu.vector_load %arg6[%swap3A_846] {strides = array<i32>} : memref<32768xf32, #tpu.memory_space<vmem>>, vector<16xf32>,
          %swap3A_848 = vector.shape_cast %swap3A_847 : vector<16xf32> to vector<16xf32>
          %swap3A_849 = vector.shape_cast %gather3A_413 : vector<16xf32> to vector<16xf32>
          tpu.vector_store %arg6[%swap3A_846], %swap3A_849 {strides = array<i32>} : memref<32768xf32, #tpu.memory_space<vmem>>, vector<16xf32>,
          %add3A_850 = arith.constant 768 : i32
          %add3A_851 = arith.addi %mul3A_434, %add3A_850 : i32
          %add3A_852 = arith.constant 64 : i32
          %add3A_853 = arith.addi %add3A_851, %add3A_852 : i32
          %swap3A_854 = arith.index_cast %add3A_853 : i32 to index
          %swap3A_855 = tpu.vector_load %arg6[%swap3A_854] {strides = array<i32>} : memref<32768xf32, #tpu.memory_space<vmem>>, vector<16xf32>,
          %swap3A_856 = vector.shape_cast %swap3A_855 : vector<16xf32> to vector<16xf32>
          %swap3A_857 = vector.shape_cast %gather3A_413 : vector<16xf32> to vector<16xf32>
          tpu.vector_store %arg6[%swap3A_854], %swap3A_857 {strides = array<i32>} : memref<32768xf32, #tpu.memory_space<vmem>>, vector<16xf32>,
          %add3A_858 = arith.constant 768 : i32
          %add3A_859 = arith.addi %mul3A_434, %add3A_858 : i32
          %add3A_860 = arith.constant 80 : i32
          %add3A_861 = arith.addi %add3A_859, %add3A_860 : i32
          %swap3A_862 = arith.index_cast %add3A_861 : i32 to index
          %swap3A_863 = tpu.vector_load %arg6[%swap3A_862] {strides = array<i32>} : memref<32768xf32, #tpu.memory_space<vmem>>, vector<16xf32>,
          %swap3A_864 = vector.shape_cast %swap3A_863 : vector<16xf32> to vector<16xf32>
          %swap3A_865 = vector.shape_cast %gather3A_413 : vector<16xf32> to vector<16xf32>
          tpu.vector_store %arg6[%swap3A_862], %swap3A_865 {strides = array<i32>} : memref<32768xf32, #tpu.memory_space<vmem>>, vector<16xf32>,
          %add3A_866 = arith.constant 768 : i32
          %add3A_867 = arith.addi %mul3A_434, %add3A_866 : i32
          %add3A_868 = arith.constant 96 : i32
          %add3A_869 = arith.addi %add3A_867, %add3A_868 : i32
          %swap3A_870 = arith.index_cast %add3A_869 : i32 to index
          %swap3A_871 = tpu.vector_load %arg6[%swap3A_870] {strides = array<i32>} : memref<32768xf32, #tpu.memory_space<vmem>>, vector<16xf32>,
          %swap3A_872 = vector.shape_cast %swap3A_871 : vector<16xf32> to vector<16xf32>
          %swap3A_873 = vector.shape_cast %gather3A_413 : vector<16xf32> to vector<16xf32>
          tpu.vector_store %arg6[%swap3A_870], %swap3A_873 {strides = array<i32>} : memref<32768xf32, #tpu.memory_space<vmem>>, vector<16xf32>,
          %add3A_874 = arith.constant 768 : i32
          %add3A_875 = arith.addi %mul3A_434, %add3A_874 : i32
          %add3A_876 = arith.constant 112 : i32
          %add3A_877 = arith.addi %add3A_875, %add3A_876 : i32
          %swap3A_878 = arith.index_cast %add3A_877 : i32 to index
          %swap3A_879 = tpu.vector_load %arg6[%swap3A_878] {strides = array<i32>} : memref<32768xf32, #tpu.memory_space<vmem>>, vector<16xf32>,
          %swap3A_880 = vector.shape_cast %swap3A_879 : vector<16xf32> to vector<16xf32>
          %swap3A_881 = vector.shape_cast %gather3A_413 : vector<16xf32> to vector<16xf32>
          tpu.vector_store %arg6[%swap3A_878], %swap3A_881 {strides = array<i32>} : memref<32768xf32, #tpu.memory_space<vmem>>, vector<16xf32>,
          %add3A_882 = arith.constant 896 : i32
          %add3A_883 = arith.addi %mul3A_434, %add3A_882 : i32
          %add3A_884 = arith.constant 0 : i32
          %add3A_885 = arith.addi %add3A_883, %add3A_884 : i32
          %swap3A_886 = arith.index_cast %add3A_885 : i32 to index
          %swap3A_887 = tpu.vector_load %arg6[%swap3A_886] {strides = array<i32>} : memref<32768xf32, #tpu.memory_space<vmem>>, vector<16xf32>,
          %swap3A_888 = vector.shape_cast %swap3A_887 : vector<16xf32> to vector<16xf32>
          %swap3A_889 = vector.shape_cast %gather3A_418 : vector<16xf32> to vector<16xf32>
          tpu.vector_store %arg6[%swap3A_886], %swap3A_889 {strides = array<i32>} : memref<32768xf32, #tpu.memory_space<vmem>>, vector<16xf32>,
          %add3A_890 = arith.constant 896 : i32
          %add3A_891 = arith.addi %mul3A_434, %add3A_890 : i32
          %add3A_892 = arith.constant 16 : i32
          %add3A_893 = arith.addi %add3A_891, %add3A_892 : i32
          %swap3A_894 = arith.index_cast %add3A_893 : i32 to index
          %swap3A_895 = tpu.vector_load %arg6[%swap3A_894] {strides = array<i32>} : memref<32768xf32, #tpu.memory_space<vmem>>, vector<16xf32>,
          %swap3A_896 = vector.shape_cast %swap3A_895 : vector<16xf32> to vector<16xf32>
          %swap3A_897 = vector.shape_cast %gather3A_418 : vector<16xf32> to vector<16xf32>
          tpu.vector_store %arg6[%swap3A_894], %swap3A_897 {strides = array<i32>} : memref<32768xf32, #tpu.memory_space<vmem>>, vector<16xf32>,
          %add3A_898 = arith.constant 896 : i32
          %add3A_899 = arith.addi %mul3A_434, %add3A_898 : i32
          %add3A_900 = arith.constant 32 : i32
          %add3A_901 = arith.addi %add3A_899, %add3A_900 : i32
          %swap3A_902 = arith.index_cast %add3A_901 : i32 to index
          %swap3A_903 = tpu.vector_load %arg6[%swap3A_902] {strides = array<i32>} : memref<32768xf32, #tpu.memory_space<vmem>>, vector<16xf32>,
          %swap3A_904 = vector.shape_cast %swap3A_903 : vector<16xf32> to vector<16xf32>
          %swap3A_905 = vector.shape_cast %gather3A_418 : vector<16xf32> to vector<16xf32>
          tpu.vector_store %arg6[%swap3A_902], %swap3A_905 {strides = array<i32>} : memref<32768xf32, #tpu.memory_space<vmem>>, vector<16xf32>,
          %add3A_906 = arith.constant 896 : i32
          %add3A_907 = arith.addi %mul3A_434, %add3A_906 : i32
          %add3A_908 = arith.constant 48 : i32
          %add3A_909 = arith.addi %add3A_907, %add3A_908 : i32
          %swap3A_910 = arith.index_cast %add3A_909 : i32 to index
          %swap3A_911 = tpu.vector_load %arg6[%swap3A_910] {strides = array<i32>} : memref<32768xf32, #tpu.memory_space<vmem>>, vector<16xf32>,
          %swap3A_912 = vector.shape_cast %swap3A_911 : vector<16xf32> to vector<16xf32>
          %swap3A_913 = vector.shape_cast %gather3A_418 : vector<16xf32> to vector<16xf32>
          tpu.vector_store %arg6[%swap3A_910], %swap3A_913 {strides = array<i32>} : memref<32768xf32, #tpu.memory_space<vmem>>, vector<16xf32>,
          %add3A_914 = arith.constant 896 : i32
          %add3A_915 = arith.addi %mul3A_434, %add3A_914 : i32
          %add3A_916 = arith.constant 64 : i32
          %add3A_917 = arith.addi %add3A_915, %add3A_916 : i32
          %swap3A_918 = arith.index_cast %add3A_917 : i32 to index
          %swap3A_919 = tpu.vector_load %arg6[%swap3A_918] {strides = array<i32>} : memref<32768xf32, #tpu.memory_space<vmem>>, vector<16xf32>,
          %swap3A_920 = vector.shape_cast %swap3A_919 : vector<16xf32> to vector<16xf32>
          %swap3A_921 = vector.shape_cast %gather3A_418 : vector<16xf32> to vector<16xf32>
          tpu.vector_store %arg6[%swap3A_918], %swap3A_921 {strides = array<i32>} : memref<32768xf32, #tpu.memory_space<vmem>>, vector<16xf32>,
          %add3A_922 = arith.constant 896 : i32
          %add3A_923 = arith.addi %mul3A_434, %add3A_922 : i32
          %add3A_924 = arith.constant 80 : i32
          %add3A_925 = arith.addi %add3A_923, %add3A_924 : i32
          %swap3A_926 = arith.index_cast %add3A_925 : i32 to index
          %swap3A_927 = tpu.vector_load %arg6[%swap3A_926] {strides = array<i32>} : memref<32768xf32, #tpu.memory_space<vmem>>, vector<16xf32>,
          %swap3A_928 = vector.shape_cast %swap3A_927 : vector<16xf32> to vector<16xf32>
          %swap3A_929 = vector.shape_cast %gather3A_418 : vector<16xf32> to vector<16xf32>
          tpu.vector_store %arg6[%swap3A_926], %swap3A_929 {strides = array<i32>} : memref<32768xf32, #tpu.memory_space<vmem>>, vector<16xf32>,
          %add3A_930 = arith.constant 896 : i32
          %add3A_931 = arith.addi %mul3A_434, %add3A_930 : i32
          %add3A_932 = arith.constant 96 : i32
          %add3A_933 = arith.addi %add3A_931, %add3A_932 : i32
          %swap3A_934 = arith.index_cast %add3A_933 : i32 to index
          %swap3A_935 = tpu.vector_load %arg6[%swap3A_934] {strides = array<i32>} : memref<32768xf32, #tpu.memory_space<vmem>>, vector<16xf32>,
          %swap3A_936 = vector.shape_cast %swap3A_935 : vector<16xf32> to vector<16xf32>
          %swap3A_937 = vector.shape_cast %gather3A_418 : vector<16xf32> to vector<16xf32>
          tpu.vector_store %arg6[%swap3A_934], %swap3A_937 {strides = array<i32>} : memref<32768xf32, #tpu.memory_space<vmem>>, vector<16xf32>,
          %add3A_938 = arith.constant 896 : i32
          %add3A_939 = arith.addi %mul3A_434, %add3A_938 : i32
          %add3A_940 = arith.constant 112 : i32
          %add3A_941 = arith.addi %add3A_939, %add3A_940 : i32
          %swap3A_942 = arith.index_cast %add3A_941 : i32 to index
          %swap3A_943 = tpu.vector_load %arg6[%swap3A_942] {strides = array<i32>} : memref<32768xf32, #tpu.memory_space<vmem>>, vector<16xf32>,
          %swap3A_944 = vector.shape_cast %swap3A_943 : vector<16xf32> to vector<16xf32>
          %swap3A_945 = vector.shape_cast %gather3A_418 : vector<16xf32> to vector<16xf32>
          tpu.vector_store %arg6[%swap3A_942], %swap3A_945 {strides = array<i32>} : memref<32768xf32, #tpu.memory_space<vmem>>, vector<16xf32>,
          %scan3A_946 = arith.constant 0 : i32
          scf.yield %scan3A_946 : i32
        }
        %scan3A_425 = arith.constant 32 : i32
        %mul3A_426 = arith.constant 32768 : i32
        %mul3A_427 = arith.muli %add3A_276, %mul3A_426 : i32
        %dma_start3A_428 = tpu.memref_slice %arg3[%mul3A_427] : memref<52428800xf32, #tpu.memory_space<hbm>> -> memref<32768xf32, #tpu.memory_space<hbm>>
        %dma_start3A_429 = tpu.memref_slice %arg3[%mul3A_427] : memref<52428800xf32, #tpu.memory_space<hbm>> -> memref<32768xf32, #tpu.memory_space<hbm>>
        tpu.enqueue_dma source(%arg6 : memref<32768xf32, #tpu.memory_space<vmem>>) target(%dma_start3A_429 : memref<32768xf32, #tpu.memory_space<hbm>>) target_semaphore(%arg8 : memref<!tpu.dma_semaphore, #tpu.memory_space<semaphore_mem>>)
        %cond3A_430 = arith.constant 0 : i32
        scf.yield %cond3A_430 : i32
      }
      %scan3A_299 = arith.constant 0 : i32
      scf.yield %scan3A_299 : i32
    }
    %scan3A_252 = arith.constant 48 : i32
    %mul3A_253 = arith.constant 50 : i32
    %mul3A_254 = arith.muli %add3A, %mul3A_253 : i32
    %add3A_255 = arith.constant 50 : i32
    %add3A_256 = arith.addi %mul3A_254, %add3A_255 : i32
    %sub3A_257 = arith.constant 2 : i32
    %sub3A_258 = arith.subi %add3A_256, %sub3A_257 : i32
    %mul3A_259 = arith.constant 32768 : i32
    %mul3A_260 = arith.muli %sub3A_258, %mul3A_259 : i32
    %dma_wait3A = tpu.memref_slice %arg3[%mul3A_260] : memref<52428800xf32, #tpu.memory_space<hbm>> -> memref<32768xf32, #tpu.memory_space<hbm>>
    %dma_wait3A_261 = tpu.memref_slice %arg3[%mul3A_260] : memref<52428800xf32, #tpu.memory_space<hbm>> -> memref<32768xf32, #tpu.memory_space<hbm>>
    tpu.wait_dma2 semaphore(%arg7 : memref<!tpu.dma_semaphore, #tpu.memory_space<semaphore_mem>>) src(%arg5 : memref<32768xf32, #tpu.memory_space<vmem>>) dst(%dma_wait3A_261 : memref<32768xf32, #tpu.memory_space<hbm>>)
    %mul3A_262 = arith.constant 50 : i32
    %mul3A_263 = arith.muli %add3A, %mul3A_262 : i32
    %add3A_264 = arith.constant 50 : i32
    %add3A_265 = arith.addi %mul3A_263, %add3A_264 : i32
    %sub3A_266 = arith.constant 1 : i32
    %sub3A_267 = arith.subi %add3A_265, %sub3A_266 : i32
    %mul3A_268 = arith.constant 32768 : i32
    %mul3A_269 = arith.muli %sub3A_267, %mul3A_268 : i32
    %dma_wait3A_270 = tpu.memref_slice %arg3[%mul3A_269] : memref<52428800xf32, #tpu.memory_space<hbm>> -> memref<32768xf32, #tpu.memory_space<hbm>>
    %dma_wait3A_271 = tpu.memref_slice %arg3[%mul3A_269] : memref<52428800xf32, #tpu.memory_space<hbm>> -> memref<32768xf32, #tpu.memory_space<hbm>>
    tpu.wait_dma2 semaphore(%arg8 : memref<!tpu.dma_semaphore, #tpu.memory_space<semaphore_mem>>) src(%arg6 : memref<32768xf32, #tpu.memory_space<vmem>>) dst(%dma_wait3A_271 : memref<32768xf32, #tpu.memory_space<hbm>>)
    return
  }
}

</mosaic_0001>

<sc_bundles>
// kernel: kernel.3.cloned.1.call-start
scs
__scs_entry_jumppad:
0x0: {  	(pc) =	sbr.rel $0x88, $3  }
0x1: {  	(tag) =	ssettag $0x0;
	lr =	simm.s32 $0x1  }
0x2: {  	[smem:$0x3FA0] =	sst lr;
	_ =	strace $0xD0000000  }
0x3: {  	_ = 	snop  }
0x4: {  	_ = 	snop  }
0x5: {  	_ = 	snop  }
0x6: {  	_ = 	snop  }
0x7: {  	_ = 	snop  }
__scs_overlays_trampoline_lowered:
0x8: {  	[smem:$0x3FAF] =	sst s0  }
0x9: {  	[smem:$0x3FB0] =	sst s1  }
0xa: {  	[smem:$0x3FB1] =	sst s2  }
0xb: {  	[smem:$0x3FB2] =	sst s3  }
0xc: {  	[smem:$0x3FB3] =	sst s4  }
0xd: {  	[smem:$0x3FB4] =	sst s5  }
0xe: {  	[smem:$0x3FB5] =	sst s6  }
0xf: {  	[smem:$0x3FB6] =	sst s7  }
0x10: {  	[smem:$0x3FB7] =	sst s8  }
0x11: {  	[smem:$0x3FB8] =	sst s9;
	s0 =	simm.s32 @!p0 $0x0  }
0x12: {  	s1 =	sld [smem:$0x3F9E];
	s0 =	simm.s32 @p0 $0x1  }
0x13: {  	[smem:$0x3FB9] =	sst s0;
	s0 =	simm.s32 @!p1 $0x0  }
0x14: {  	s2 =	sld [smem:$0x3F9D];
	s0 =	simm.s32 @p1 $0x1  }
0x15: {  	[smem:$0x3FBA] =	sst s0;
	s0 =	simm.s32 @!p2 $0x0  }
0x16: {  	s3 =	sld [smem:$0x3FDB];
	s0 =	simm.s32 @p2 $0x1  }
0x17: {  	s4 =	simm.s32 $0x1BF5;
	[smem:$0x3FBC] =	sst s0  }
0x18: {  	s0 =	sld [smem:$0x3F9F];
	_ =	swait.ge [sflag:s4], $0x0  }
0x19: {  	s7 =	sld [smem:$0x3FA0]  }
0x1a: {  	s8 =	sadd.s32 $0xFFFFE003, lr  }
0x1b: {  	s9 =	sadd.s32 $0xFFFFFEF7, lr;
	s5 =	simm.s32 $0xFFFFFFFF;
	p2 =	slt.u32 s8, $0xFFFFF086  }
0x1c: {  	p1 =	slt.u32 s9, $0xF7A;
	s5 =	simm.s32 @!p2 $0x0  }
0x1d: {  	s5 =	simm.s32 @p1 $0x1;
	p0 =	seq.s32 s7, s2  }
0x1e: {  	s7 =	smul.u32 @!p0 $0xF7A, s2;
	p2 =	seq.s32 @!p0 s5, $0x0  }
0x1f: {  	s9 =	smul.u32 $0xF7A, s1;
	s8 =	simm.s32 @!p0 $0x1BF5;
	p2 =	por !p2, p0  }
0x20: {  	[sflag:s8] =	ssyncset.s32 @!p0 $0xFFFFF086;
	s6 =	sadd.s32 @!p0 s3, s7;
	s7 =	simm.s32 @!p0 $0x108  }
0x21: {  	s3 =	sadd.s32 s3, s9;
	s6 =	sadd.s32 @!p0 $0x88, s6;
	s7 =	simm.s32 @p2 $0x1082  }
0x22: {  	[simem:s7], [sflag:s8] =	dma.local @!p0 [hbm:s6], $0xF7A  }
0x23: {  	s9 =	sor.u32 $0xD0000000, s2;
	s6 =	simm.s32 $0x108;
	_ =	swait.ge @!p0 [sflag:s8], $0x0  }
0x24: {  	s3 =	sadd.s32 $0x88, s3;
	s6 =	simm.s32 @!p1 $0x1082;
	[sflag:s4] =	ssyncset.s32 $0xFFFFF086  }
0x25: {  	[simem:s6], [sflag:s4] =	dma.local [hbm:s3], $0xF7A  }
0x26: {  	[smem:$0x3FA0] =	sst s1;
	(tag) =	ssettag s2;
	_ =	strace s9  }
0x27: {  	s1 =	sld [smem:$0x3FB0]  }
0x28: {  	s2 =	sld [smem:$0x3FB1]  }
0x29: {  	s4 =	sld [smem:$0x3FB3]  }
0x2a: {  	p0 =	seq.s32 s5, $0x0;
	s5 =	sld [smem:$0x3FB4]  }
0x2b: {  	s6 =	sld [smem:$0x3FB5]  }
0x2c: {  	s7 =	sld [smem:$0x3FB6]  }
0x2d: {  	s3 =	simm.s32 $0x108;
	s8 =	sld [smem:$0x3FB7]  }
0x2e: {  	s3 =	simm.s32 @!p0 $0x1082;
	s9 =	sld [smem:$0x3FB8]  }
0x2f: {  	lr =	sadd.s32 s0, s3;
	s0 =	sld [smem:$0x3FAF]  }
0x30: {  	s3 =	sld [smem:$0x3FB2]  }
0x31: {  	[smem:$0x3FBB] =	sst s10  }
0x32: {  	s10 =	sld [smem:$0x3FB9];
	_ =	sdelay $0x3  }
0x33: {  	p0 =	seq.s32 s10, $0x1;
	s10 =	sld [smem:$0x3FBB];
	_ =	sdelay $0x3  }
0x34: {  	[smem:$0x3FBB] =	sst s10  }
0x35: {  	s10 =	sld [smem:$0x3FBA];
	_ =	sdelay $0x3  }
0x36: {  	p1 =	seq.s32 s10, $0x1;
	s10 =	sld [smem:$0x3FBB];
	_ =	sdelay $0x3  }
0x37: {  	[smem:$0x3FBB] =	sst s10  }
0x38: {  	s10 =	sld [smem:$0x3FBC]  }
0x39: {  	_ = 	snop;
	(pc) =	sbr.ind lr, $3  }
0x3a: {  	_ = 	snop  }
0x3b: {  	_ = 	snop  }
0x3c: {  	p2 =	seq.s32 s10, $0x1;
	s10 =	sld [smem:$0x3FBB]  }
0x3d: {  	_ =	shalt  }
0x3e: {  	_ =	shalt  }
0x3f: {  	_ =	shalt  }
0x40: {  	_ =	shalt  }
0x41: {  	_ =	shalt  }
0x42: {  	_ =	shalt  }
0x43: {  	_ =	shalt  }
0x44: {  	_ =	shalt  }
0x45: {  	_ =	shalt  }
0x46: {  	_ =	shalt  }
0x47: {  	_ =	shalt  }
0x48: {  	_ =	shalt  }
0x49: {  	_ =	shalt  }
0x4a: {  	_ =	shalt  }
0x4b: {  	_ =	shalt  }
0x4c: {  	_ =	shalt  }
0x4d: {  	_ =	shalt  }
0x4e: {  	_ =	shalt  }
0x4f: {  	_ =	shalt  }
0x50: {  	_ =	shalt  }
0x51: {  	_ =	shalt  }
0x52: {  	_ =	shalt  }
0x53: {  	_ =	shalt  }
0x54: {  	_ =	shalt  }
0x55: {  	_ =	shalt  }
0x56: {  	_ =	shalt  }
0x57: {  	_ =	shalt  }
0x58: {  	_ =	shalt  }
0x59: {  	_ =	shalt  }
0x5a: {  	_ =	shalt  }
0x5b: {  	_ =	shalt  }
0x5c: {  	_ =	shalt  }
0x5d: {  	_ =	shalt  }
0x5e: {  	_ =	shalt  }
0x5f: {  	_ =	shalt  }
0x60: {  	_ =	shalt  }
0x61: {  	_ =	shalt  }
0x62: {  	_ =	shalt  }
0x63: {  	_ =	shalt  }
0x64: {  	_ =	shalt  }
0x65: {  	_ =	shalt  }
0x66: {  	_ =	shalt  }
0x67: {  	_ =	shalt  }
0x68: {  	_ =	shalt  }
0x69: {  	_ =	shalt  }
0x6a: {  	_ =	shalt  }
0x6b: {  	_ =	shalt  }
0x6c: {  	_ =	shalt  }
0x6d: {  	_ =	shalt  }
0x6e: {  	_ =	shalt  }
0x6f: {  	_ =	shalt  }
0x70: {  	_ =	shalt  }
0x71: {  	_ =	shalt  }
0x72: {  	_ =	shalt  }
0x73: {  	_ =	shalt  }
0x74: {  	_ =	shalt  }
0x75: {  	_ =	shalt  }
0x76: {  	_ =	shalt  }
0x77: {  	_ =	shalt  }
0x78: {  	_ =	shalt  }
0x79: {  	_ =	shalt  }
0x7a: {  	_ =	shalt  }
0x7b: {  	_ =	shalt  }
0x7c: {  	_ =	shalt  }
0x7d: {  	_ =	shalt  }
0x7e: {  	_ =	shalt  }
0x7f: {  	_ =	shalt  }
0x80: {  	_ =	shalt  }
0x81: {  	_ =	shalt  }
0x82: {  	_ =	shalt  }
0x83: {  	_ =	shalt  }
0x84: {  	_ =	shalt  }
0x85: {  	_ =	shalt  }
0x86: {  	_ =	shalt  }
0x87: {  	_ =	shalt  }
.Lfunc_end0:
.L_simem_size_0:
called_computation_lowered:
.L_overlay_start_0:
0x88: {  	s2 =	sld [smem:$0x3FD9]  }
0x89: {  	s3 =	sld [smem:$0x3FFE];
	_ =	sdelay $0x1  }
0x8a: {  	s1 =	srdreg.scid  }
0x8b: {  	s0 =	sand.u32 $0x1, s1  }
0x8c: {  	s17 =	sshll.u32 s0, $0xA;
	s2 =	sadd.s32 s3, s2  }
0x8d: {  	s2 =	sadd.s32 s2, s17  }
0x8e: {  	[smem:$0x3FC7] =	sst s2  }
0x8f: {  	_ = 	snop  }
0x90: {  	s2 =	sld [smem:$0x3FD0];
	(tm) =	ssettm $0x1  }
0x91: {  	s18 =	sld [smem:$0x3FFB];
	_ =	sdelay $0x3  }
0x92: {  	_ =	strace s18  }
0x93: {  	s3 =	sld [smem:$0x3FFC];
	_ =	sdelay $0x3  }
0x94: {  	_ =	strace s3  }
0x95: {  	s3 =	sld [smem:$0x3FFD];
	_ =	sdelay $0x3  }
0x96: {  	_ =	strace s3  }
0x97: {  	_ =	strace $0x8FFFFFFF  }
0x98: {  	s19 =	sld [smem:$0x3FDB];
	_ =	sdelay $0x1  }
0x99: {  	s4 =	simm.s32 $_scs_section_size  }
0x9a: {  	s5 =	simm.s32 $_size__tile_overlayer_lowered;
	s6 =	simm.s32 $_tile_overlayer_lowered  }
0x9b: {  	s22 =	simm.s32 $0x1BFF;
	s21 =	sshll.u32 s6, $0x1;
	s3 =	sadd.s32 s4, s19  }
0x9c: {  	s7 =	simm.s32 $0x0;
	s20 =	sshll.u32 s5, $0x1;
	s5 =	sadd.s32 s21, s3  }
0x9d: {  	[timem:s7], [sflag:s22] =	dma.local [hbm:s5], s20  }
0x9e: {  	_ =	swait.ge [sflag:s22], s20  }
0x9f: {  	s4 =	ssub.s32 $0x0, s20;
	[sflag:s22] =	ssyncset.done $0x0  }
0xa0: {  	[sflag:s22] =	ssyncadd.s32 s4;
	_ =	sdelay $0x1  }
0xa1: {  	s23 =	simm.s32 $0x1B8B  }
0xa2: {  	_ =	swait.ge [sflag:s23], $0x1  }
0xa3: {  	[sflag:s23] =	ssyncset.done $0x0  }
0xa4: {  	s25 =	simm.s32 $0x1B8E;
	s24 =	sld [smem:$0x3FFE];
	[sflag:s23] =	ssyncadd.s32 $0xFFFFFFFF  }
0xa5: {  	s26 =	simm.s32 $execute0_lowered;
	[smem:$0x3FD2] =	sst s25  }
0xa6: {  	s5 =	sshll.u32 s26, $0x1;
	_ =	strace $0x80000046;
	[dreg:$0x1] =	wrdreg $0xFFFFFFFF  }
0xa7: {  	s28 =	simm.s32 $_size_execute0_lowered;
	s3 =	sadd.s32 s3, s5;
	[dreg:$0x0] =	wrdreg $0x0  }
0xa8: {  	s5 =	sshll.u32 s28, $0x1;
	[dreg:$0x2] =	wrdreg s3  }
0xa9: {  	[dreg:$0x3] =	wrdreg s5  }
0xaa: {  	[dreg:$0x4] =	wrdreg $0xC0  }
0xab: {  	_ =	task [dreg:s7], $0x5FFFF  }
0xac: {  	[dreg:$0x1] =	wrdreg $0xFFFFFFFF  }
0xad: {  	[dreg:$0x0] =	wrdreg $0x60  }
0xae: {  	[dreg:$0x2] =	wrdreg s24  }
0xaf: {  	[dreg:$0x3] =	wrdreg s2  }
0xb0: {  	[dreg:$0x4] =	wrdreg $0x9  }
0xb1: {  	_ =	task.clear_ibuf [dreg:s7], $0x5FFFF;
	_ =	strace $0x90000046  }
0xb2: {  	s29 =	simm.s32 $0x9;
	_ =	strace $0x80000048  }
0xb3: {  	_ =	swait.ge [sflag:s29], $0x1  }
0xb4: {  	[sflag:s29] =	ssyncadd.s32 $0xFFFFFFFF  }
0xb5: {  	_ =	strace $0x90000048  }
0xb6: {  	_ =	sfence  }
0xb7: {  	s30 =	sld [smem:$0x0];
	_ =	sdelay $0x2  }
0xb8: {  	s31 =	sshll.u32 s1, $0xD;
	s1 =	sshrl.u32 s1, $0x2  }
0xb9: {  	s3 =	sand.u32 $0x4000, s31;
	s1 =	sadd.s32 s1, s30  }
0xba: {  	s0 =	sor.u32 s3, s0;
	s1 =	sshll.u32 s1, $0x11  }
0xbb: {  	s0 =	sor.u32 s1, s0  }
0xbc: {  	s0 =	sadd.s32 $0x8F2B, s0  }
0xbd: {  	[sflag:s0] =	ssyncadd.remote.s32 $0x1  }
0xbe: {  	_ =	sfence.sel $0xFFFF  }
0xbf: {  	[dreg:$0x0] =	wrdreg $0xFFFFFFFF;
	(pc) =	sbr.abs _section_cstart, $3  }
0xc0: {  	[dreg:$0x1] =	wrdreg $0xFFFFFFFF  }
0xc1: {  	_ =	task.clear_ibuf [dreg:s7], $0x2FFFF;
	_ =	strace $0x9FFFFFFF  }
0xc2: {  	(tm) =	ssettm $0x7FFFFFFF  }
0xc3: {  	_ =	shalt  }
tec
execute0_lowered:
.L_overlay_start_1:
0x0: {  	(tag) =	ssettag $0x1  }
0x1: {  	s4 =	rddreg [dreg:$0x0]  }
0x2: {  	s2 =	rddreg [dreg:$0x1]  }
0x3: {  	s0 =	rddreg [dreg:$0x2]  }
0x4: {  	s5 =	srdreg.scid;
	s1 =	stileid.u32;
	s3 =	simm.s32 $0x0  }
0x5: {  	s12 =	simm.s32 $0x3200;
	s5 =	sand.u32 $0x1, s5;
	s6 =	sshll.u32 s1, $0x1  }
0x6: {  	s13 =	simm.s32 $0xB200;
	s7 =	ssub.s32 $0x2, s5;
	s5 =	sor.u32 s5, s6  }
0x7: {  	s14 =	simm.s32 $0x1;
	s15 =	simm.s32 $0x2;
	s8 =	smul.u32 $0x640, s5  }
0x8: {  	s16 =	simm.s32 $0x0;
	[smem:$0x7FF] =	sst s3;
	s28 =	smul.u32 $0x32000, s5  }
0x9: {  	v0 =	vimm.s32 $0x0;
	s4 =	sadd.s32 $0x400, s4;
	_ =	strace $0x80000047;
	s9 =	smul.u32 $0x190, s5  }
.Ltmp0:
0xa: {  	v1 =	vimm.s32 $0x1;
	v2 =	vimm.s32 $0x2;
	v3 =	vimm.s32 $0x3;
	s26 =	sshrl.u32 s7, $0x1;
	s29 =	sshll.u32 s5, $0x4;
	(pc) =	sbr.rel .LBB2_1-.Ltmp0, $4  }
0xb: {  	v4 =	vimm.s32 $0x4;
	v5 =	vimm.s32 $0x5;
	v6 =	vimm.s32 $0x6;
	s5 =	smul.u32 $0x32, s5;
	s10 =	ssub.s32 s7, s26;
	s11 =	sand.u32 $0x30, s29  }
0xc: {  	v7 =	vimm.s32 $0x7;
	v8 =	vimm.s32 $0x8;
	v9 =	vimm.s32 $0x9;
	s8 =	sand.u32 $0xFF00, s8;
	s7 =	sadd.s32 s2, s28;
	s31 =	sand.u32 $0x3FC0, s9  }
0xd: {  	v10 =	vimm.s32 $0xA;
	v11 =	vimm.s32 $0xB;
	v12 =	vimm.s32 $0xC;
	s10 =	smax.u32 s10, $0x1;
	s30 =	sshrl.u32 s8, $0x2;
	s8 =	sor.u32 s11, s31  }
0xe: {  	v13 =	vimm.s32 $0xD;
	v14 =	vimm.s32 $0xE;
	v15 =	vimm.s32 $0xF;
	s9 =	sadd.s32 $0x1000, s7;
	s6 =	sor.u32 s11, s30;
	s11 =	simm.s32 $0x3  }
.LBB2_14:
0xf: {  	s16 =	sadd.s32 $0x1, s16  }
0x10: {  	_ =	swait.ge [sflag:s14], $0x8000;
	p0 =	sne.s32 s16, s10  }
.Ltmp1:
0x11: {  	[sflag:s14] =	ssyncset.done $0x0;
	(pc) =	sbr.rel @!p0 .LBB2_15-.Ltmp1, $4  }
0x12: {  	[sflag:s14] =	ssyncadd.s32 $0xFFFF8000  }
0x13: {  	_ =	swait.ge [sflag:s15], $0x8000  }
0x14: {  	[sflag:s15] =	ssyncset.done $0x0  }
0x15: {  	[sflag:s15] =	ssyncadd.s32 $0xFFFF8000  }
.LBB2_1:
0x16: {  	[tilespmem:s3], [sflag:$0x3] =	stream.linear.gather [hbm4b:s4+s3], $0x3200, $0x38;
	[tilespmem:$0x13200] =	vst v63  }
0x17: {  	_ =	swait.ge [sflag:s11], $0x3200  }
0x18: {  	[sflag:s11] =	ssyncset.done $0x0  }
0x19: {  	[sflag:s11] =	ssyncadd.s32 $0xFFFFCE00  }
0x1a: {  	v16 =	vld [tilespmem:s6+$0x0];
	_ =	sdelay $0x4  }
0x1b: {  	v23 =	vperm.xlane v16, v0;
	v22 =	vperm.xlane v16, v1  }
0x1c: {  	v21 =	vperm.xlane v16, v2;
	v20 =	vperm.xlane v16, v3  }
0x1d: {  	v19 =	vperm.xlane v16, v4;
	v18 =	vperm.xlane v16, v5  }
0x1e: {  	v17 =	vperm.xlane v16, v6;
	v16 =	vperm.xlane v16, v7  }
0x1f: {  	s17 =	simm.s32 $0x0;
	s18 =	simm.s32 $0x1000  }
.LBB2_2:
0x20: {  	p0 =	sne.s32 s18, $0x1F000;
	[tilespmem:s17+$0x35F0] =	vst v16  }
0x21: {  	[tilespmem:s17+$0x3200] =	vst v23  }
0x22: {  	[tilespmem:s17+$0x3210] =	vst v23  }
0x23: {  	[tilespmem:s17+$0x3220] =	vst v23  }
0x24: {  	[tilespmem:s17+$0x3230] =	vst v23  }
0x25: {  	[tilespmem:s17+$0x3240] =	vst v23  }
0x26: {  	[tilespmem:s17+$0x3250] =	vst v23  }
0x27: {  	[tilespmem:s17+$0x3260] =	vst v23  }
0x28: {  	[tilespmem:s17+$0x3270] =	vst v23  }
0x29: {  	[tilespmem:s17+$0x3280] =	vst v22  }
0x2a: {  	[tilespmem:s17+$0x3290] =	vst v22  }
0x2b: {  	[tilespmem:s17+$0x32A0] =	vst v22  }
0x2c: {  	[tilespmem:s17+$0x32B0] =	vst v22  }
0x2d: {  	[tilespmem:s17+$0x32C0] =	vst v22  }
0x2e: {  	[tilespmem:s17+$0x32D0] =	vst v22  }
0x2f: {  	[tilespmem:s17+$0x32E0] =	vst v22  }
0x30: {  	[tilespmem:s17+$0x32F0] =	vst v22  }
0x31: {  	[tilespmem:s17+$0x3300] =	vst v21  }
0x32: {  	[tilespmem:s17+$0x3310] =	vst v21  }
0x33: {  	[tilespmem:s17+$0x3320] =	vst v21  }
0x34: {  	[tilespmem:s17+$0x3330] =	vst v21  }
0x35: {  	[tilespmem:s17+$0x3340] =	vst v21  }
0x36: {  	[tilespmem:s17+$0x3350] =	vst v21  }
0x37: {  	[tilespmem:s17+$0x3360] =	vst v21  }
0x38: {  	[tilespmem:s17+$0x3370] =	vst v21  }
0x39: {  	[tilespmem:s17+$0x3380] =	vst v20  }
0x3a: {  	[tilespmem:s17+$0x3390] =	vst v20  }
0x3b: {  	[tilespmem:s17+$0x33A0] =	vst v20  }
0x3c: {  	[tilespmem:s17+$0x33B0] =	vst v20  }
0x3d: {  	[tilespmem:s17+$0x33C0] =	vst v20  }
0x3e: {  	[tilespmem:s17+$0x33D0] =	vst v20  }
0x3f: {  	[tilespmem:s17+$0x33E0] =	vst v20  }
0x40: {  	[tilespmem:s17+$0x33F0] =	vst v20  }
0x41: {  	[tilespmem:s17+$0x3400] =	vst v19  }
0x42: {  	[tilespmem:s17+$0x3410] =	vst v19  }
0x43: {  	[tilespmem:s17+$0x3420] =	vst v19  }
0x44: {  	[tilespmem:s17+$0x3430] =	vst v19  }
0x45: {  	[tilespmem:s17+$0x3440] =	vst v19  }
0x46: {  	[tilespmem:s17+$0x3450] =	vst v19  }
0x47: {  	[tilespmem:s17+$0x3460] =	vst v19  }
0x48: {  	[tilespmem:s17+$0x3470] =	vst v19  }
0x49: {  	[tilespmem:s17+$0x3480] =	vst v18  }
0x4a: {  	[tilespmem:s17+$0x3490] =	vst v18  }
0x4b: {  	[tilespmem:s17+$0x34A0] =	vst v18  }
0x4c: {  	[tilespmem:s17+$0x34B0] =	vst v18  }
0x4d: {  	[tilespmem:s17+$0x34C0] =	vst v18  }
0x4e: {  	[tilespmem:s17+$0x34D0] =	vst v18  }
0x4f: {  	[tilespmem:s17+$0x34E0] =	vst v18  }
0x50: {  	[tilespmem:s17+$0x34F0] =	vst v18  }
0x51: {  	[tilespmem:s17+$0x3500] =	vst v17  }
0x52: {  	[tilespmem:s17+$0x3510] =	vst v17  }
0x53: {  	[tilespmem:s17+$0x3520] =	vst v17  }
0x54: {  	[tilespmem:s17+$0x3530] =	vst v17  }
0x55: {  	[tilespmem:s17+$0x3540] =	vst v17  }
0x56: {  	[tilespmem:s17+$0x3550] =	vst v17  }
0x57: {  	[tilespmem:s17+$0x3560] =	vst v17  }
0x58: {  	[tilespmem:s17+$0x3570] =	vst v17  }
0x59: {  	[tilespmem:s17+$0x3580] =	vst v16  }
0x5a: {  	[tilespmem:s17+$0x3590] =	vst v16  }
.Ltmp2:
0x5b: {  	[tilespmem:s17+$0x35A0] =	vst v16;
	(pc) =	sbr.rel @p0 .LBB2_2-.Ltmp2, $4  }
0x5c: {  	[tilespmem:s17+$0x35B0] =	vst v16  }
0x5d: {  	[tilespmem:s17+$0x35C0] =	vst v16  }
0x5e: {  	[tilespmem:s17+$0x35D0] =	vst v16  }
0x5f: {  	[tilespmem:s17+$0x35E0] =	vst v16;
	s17 =	sshra.s32 s18, $0x2;
	s18 =	sadd.s32 $0x1000, s18  }
0x60: {  	[tilespmem:s17+$0x35F0] =	vst v16  }
0x61: {  	[tilespmem:s17+$0x3200] =	vst v23  }
0x62: {  	[tilespmem:s17+$0x3210] =	vst v23  }
0x63: {  	[tilespmem:s17+$0x3220] =	vst v23  }
0x64: {  	[tilespmem:s17+$0x3230] =	vst v23  }
0x65: {  	[tilespmem:s17+$0x3240] =	vst v23  }
0x66: {  	[tilespmem:s17+$0x3250] =	vst v23  }
0x67: {  	[tilespmem:s17+$0x3260] =	vst v23  }
0x68: {  	[tilespmem:s17+$0x3270] =	vst v23  }
0x69: {  	[tilespmem:s17+$0x3280] =	vst v22  }
0x6a: {  	[tilespmem:s17+$0x3290] =	vst v22  }
0x6b: {  	[tilespmem:s17+$0x32A0] =	vst v22  }
0x6c: {  	[tilespmem:s17+$0x32B0] =	vst v22  }
0x6d: {  	[tilespmem:s17+$0x32C0] =	vst v22  }
0x6e: {  	[tilespmem:s17+$0x32D0] =	vst v22  }
0x6f: {  	[tilespmem:s17+$0x32E0] =	vst v22  }
0x70: {  	[tilespmem:s17+$0x32F0] =	vst v22  }
0x71: {  	[tilespmem:s17+$0x3300] =	vst v21  }
0x72: {  	[tilespmem:s17+$0x3310] =	vst v21  }
0x73: {  	[tilespmem:s17+$0x3320] =	vst v21  }
0x74: {  	[tilespmem:s17+$0x3330] =	vst v21  }
0x75: {  	[tilespmem:s17+$0x3340] =	vst v21  }
0x76: {  	[tilespmem:s17+$0x3350] =	vst v21  }
0x77: {  	[tilespmem:s17+$0x3360] =	vst v21  }
0x78: {  	[tilespmem:s17+$0x3370] =	vst v21  }
0x79: {  	[tilespmem:s17+$0x3380] =	vst v20  }
0x7a: {  	[tilespmem:s17+$0x3390] =	vst v20  }
0x7b: {  	[tilespmem:s17+$0x33A0] =	vst v20  }
0x7c: {  	[tilespmem:s17+$0x33B0] =	vst v20  }
0x7d: {  	[tilespmem:s17+$0x33C0] =	vst v20  }
0x7e: {  	[tilespmem:s17+$0x33D0] =	vst v20  }
0x7f: {  	[tilespmem:s17+$0x33E0] =	vst v20  }
0x80: {  	[tilespmem:s17+$0x33F0] =	vst v20  }
0x81: {  	[tilespmem:s17+$0x3400] =	vst v19  }
0x82: {  	[tilespmem:s17+$0x3410] =	vst v19  }
0x83: {  	[tilespmem:s17+$0x3420] =	vst v19  }
0x84: {  	[tilespmem:s17+$0x3430] =	vst v19  }
0x85: {  	[tilespmem:s17+$0x3440] =	vst v19  }
0x86: {  	[tilespmem:s17+$0x3450] =	vst v19  }
0x87: {  	[tilespmem:s17+$0x3460] =	vst v19  }
0x88: {  	[tilespmem:s17+$0x3470] =	vst v19  }
0x89: {  	[tilespmem:s17+$0x3480] =	vst v18  }
0x8a: {  	[tilespmem:s17+$0x3490] =	vst v18  }
0x8b: {  	[tilespmem:s17+$0x34A0] =	vst v18  }
0x8c: {  	[tilespmem:s17+$0x34B0] =	vst v18  }
0x8d: {  	[tilespmem:s17+$0x34C0] =	vst v18  }
0x8e: {  	[tilespmem:s17+$0x34D0] =	vst v18  }
0x8f: {  	[tilespmem:s17+$0x34E0] =	vst v18  }
0x90: {  	[tilespmem:s17+$0x34F0] =	vst v18  }
0x91: {  	[tilespmem:s17+$0x3500] =	vst v17  }
0x92: {  	[tilespmem:s17+$0x3510] =	vst v17  }
0x93: {  	[tilespmem:s17+$0x3520] =	vst v17  }
0x94: {  	[tilespmem:s17+$0x3530] =	vst v17  }
0x95: {  	[tilespmem:s17+$0x3540] =	vst v17  }
0x96: {  	[tilespmem:s17+$0x3550] =	vst v17  }
0x97: {  	[tilespmem:s17+$0x3560] =	vst v17  }
0x98: {  	[tilespmem:s17+$0x3570] =	vst v17  }
0x99: {  	[tilespmem:s17+$0x3580] =	vst v16  }
0x9a: {  	[tilespmem:s17+$0x3590] =	vst v16  }
0x9b: {  	[tilespmem:s17+$0x35A0] =	vst v16  }
0x9c: {  	[tilespmem:s17+$0x35B0] =	vst v16  }
0x9d: {  	[tilespmem:s17+$0x35C0] =	vst v16  }
0x9e: {  	[tilespmem:s17+$0x35D0] =	vst v16  }
0x9f: {  	[tilespmem:s17+$0x35E0] =	vst v16;
	s31 =	simm.s32 $0x0  }
0xa0: {  	[hbm4b:s7+s31] =	stream.linear.scatter [tilespmem:s12], [sflag:$0x1], $0x8000, $0x38;
	[tilespmem:$0x13200] =	vst v63  }
0xa1: {  	v16 =	vld [tilespmem:s8+$0x0];
	_ =	sdelay $0x4  }
0xa2: {  	v23 =	vperm.xlane v16, v8;
	v22 =	vperm.xlane v16, v9  }
0xa3: {  	v21 =	vperm.xlane v16, v10;
	v20 =	vperm.xlane v16, v11  }
0xa4: {  	v19 =	vperm.xlane v16, v12;
	v18 =	vperm.xlane v16, v13  }
0xa5: {  	v17 =	vperm.xlane v16, v14;
	v16 =	vperm.xlane v16, v15  }
0xa6: {  	s17 =	simm.s32 $0x0;
	s18 =	simm.s32 $0x1000  }
.LBB2_4:
0xa7: {  	p0 =	sne.s32 s18, $0x1F000;
	[tilespmem:s17+$0xB5F0] =	vst v16  }
0xa8: {  	[tilespmem:s17+$0xB200] =	vst v23  }
0xa9: {  	[tilespmem:s17+$0xB210] =	vst v23  }
0xaa: {  	[tilespmem:s17+$0xB220] =	vst v23  }
0xab: {  	[tilespmem:s17+$0xB230] =	vst v23  }
0xac: {  	[tilespmem:s17+$0xB240] =	vst v23  }
0xad: {  	[tilespmem:s17+$0xB250] =	vst v23  }
0xae: {  	[tilespmem:s17+$0xB260] =	vst v23  }
0xaf: {  	[tilespmem:s17+$0xB270] =	vst v23  }
0xb0: {  	[tilespmem:s17+$0xB280] =	vst v22  }
0xb1: {  	[tilespmem:s17+$0xB290] =	vst v22  }
0xb2: {  	[tilespmem:s17+$0xB2A0] =	vst v22  }
0xb3: {  	[tilespmem:s17+$0xB2B0] =	vst v22  }
0xb4: {  	[tilespmem:s17+$0xB2C0] =	vst v22  }
0xb5: {  	[tilespmem:s17+$0xB2D0] =	vst v22  }
0xb6: {  	[tilespmem:s17+$0xB2E0] =	vst v22  }
0xb7: {  	[tilespmem:s17+$0xB2F0] =	vst v22  }
0xb8: {  	[tilespmem:s17+$0xB300] =	vst v21  }
0xb9: {  	[tilespmem:s17+$0xB310] =	vst v21  }
0xba: {  	[tilespmem:s17+$0xB320] =	vst v21  }
0xbb: {  	[tilespmem:s17+$0xB330] =	vst v21  }
0xbc: {  	[tilespmem:s17+$0xB340] =	vst v21  }
0xbd: {  	[tilespmem:s17+$0xB350] =	vst v21  }
0xbe: {  	[tilespmem:s17+$0xB360] =	vst v21  }
0xbf: {  	[tilespmem:s17+$0xB370] =	vst v21  }
0xc0: {  	[tilespmem:s17+$0xB380] =	vst v20  }
0xc1: {  	[tilespmem:s17+$0xB390] =	vst v20  }
0xc2: {  	[tilespmem:s17+$0xB3A0] =	vst v20  }
0xc3: {  	[tilespmem:s17+$0xB3B0] =	vst v20  }
0xc4: {  	[tilespmem:s17+$0xB3C0] =	vst v20  }
0xc5: {  	[tilespmem:s17+$0xB3D0] =	vst v20  }
0xc6: {  	[tilespmem:s17+$0xB3E0] =	vst v20  }
0xc7: {  	[tilespmem:s17+$0xB3F0] =	vst v20  }
0xc8: {  	[tilespmem:s17+$0xB400] =	vst v19  }
0xc9: {  	[tilespmem:s17+$0xB410] =	vst v19  }
0xca: {  	[tilespmem:s17+$0xB420] =	vst v19  }
0xcb: {  	[tilespmem:s17+$0xB430] =	vst v19  }
0xcc: {  	[tilespmem:s17+$0xB440] =	vst v19  }
0xcd: {  	[tilespmem:s17+$0xB450] =	vst v19  }
0xce: {  	[tilespmem:s17+$0xB460] =	vst v19  }
0xcf: {  	[tilespmem:s17+$0xB470] =	vst v19  }
0xd0: {  	[tilespmem:s17+$0xB480] =	vst v18  }
0xd1: {  	[tilespmem:s17+$0xB490] =	vst v18  }
0xd2: {  	[tilespmem:s17+$0xB4A0] =	vst v18  }
0xd3: {  	[tilespmem:s17+$0xB4B0] =	vst v18  }
0xd4: {  	[tilespmem:s17+$0xB4C0] =	vst v18  }
0xd5: {  	[tilespmem:s17+$0xB4D0] =	vst v18  }
0xd6: {  	[tilespmem:s17+$0xB4E0] =	vst v18  }
0xd7: {  	[tilespmem:s17+$0xB4F0] =	vst v18  }
0xd8: {  	[tilespmem:s17+$0xB500] =	vst v17  }
0xd9: {  	[tilespmem:s17+$0xB510] =	vst v17  }
0xda: {  	[tilespmem:s17+$0xB520] =	vst v17  }
0xdb: {  	[tilespmem:s17+$0xB530] =	vst v17  }
0xdc: {  	[tilespmem:s17+$0xB540] =	vst v17  }
0xdd: {  	[tilespmem:s17+$0xB550] =	vst v17  }
0xde: {  	[tilespmem:s17+$0xB560] =	vst v17  }
0xdf: {  	[tilespmem:s17+$0xB570] =	vst v17  }
0xe0: {  	[tilespmem:s17+$0xB580] =	vst v16  }
0xe1: {  	[tilespmem:s17+$0xB590] =	vst v16  }
.Ltmp3:
0xe2: {  	[tilespmem:s17+$0xB5A0] =	vst v16;
	(pc) =	sbr.rel @p0 .LBB2_4-.Ltmp3, $4  }
0xe3: {  	[tilespmem:s17+$0xB5B0] =	vst v16  }
0xe4: {  	[tilespmem:s17+$0xB5C0] =	vst v16  }
0xe5: {  	[tilespmem:s17+$0xB5D0] =	vst v16  }
0xe6: {  	[tilespmem:s17+$0xB5E0] =	vst v16;
	s17 =	sshra.s32 s18, $0x2;
	s18 =	sadd.s32 $0x1000, s18  }
0xe7: {  	[tilespmem:s17+$0xB5F0] =	vst v16  }
0xe8: {  	[tilespmem:s17+$0xB200] =	vst v23  }
0xe9: {  	[tilespmem:s17+$0xB210] =	vst v23  }
0xea: {  	[tilespmem:s17+$0xB220] =	vst v23  }
0xeb: {  	[tilespmem:s17+$0xB230] =	vst v23  }
0xec: {  	[tilespmem:s17+$0xB240] =	vst v23  }
0xed: {  	[tilespmem:s17+$0xB250] =	vst v23  }
0xee: {  	[tilespmem:s17+$0xB260] =	vst v23  }
0xef: {  	[tilespmem:s17+$0xB270] =	vst v23  }
0xf0: {  	[tilespmem:s17+$0xB280] =	vst v22  }
0xf1: {  	[tilespmem:s17+$0xB290] =	vst v22  }
0xf2: {  	[tilespmem:s17+$0xB2A0] =	vst v22  }
0xf3: {  	[tilespmem:s17+$0xB2B0] =	vst v22  }
0xf4: {  	[tilespmem:s17+$0xB2C0] =	vst v22  }
0xf5: {  	[tilespmem:s17+$0xB2D0] =	vst v22  }
0xf6: {  	[tilespmem:s17+$0xB2E0] =	vst v22  }
0xf7: {  	[tilespmem:s17+$0xB2F0] =	vst v22  }
0xf8: {  	[tilespmem:s17+$0xB300] =	vst v21  }
0xf9: {  	[tilespmem:s17+$0xB310] =	vst v21  }
0xfa: {  	[tilespmem:s17+$0xB320] =	vst v21  }
0xfb: {  	[tilespmem:s17+$0xB330] =	vst v21  }
0xfc: {  	[tilespmem:s17+$0xB340] =	vst v21  }
0xfd: {  	[tilespmem:s17+$0xB350] =	vst v21  }
0xfe: {  	[tilespmem:s17+$0xB360] =	vst v21  }
0xff: {  	[tilespmem:s17+$0xB370] =	vst v21  }
0x100: {  	[tilespmem:s17+$0xB380] =	vst v20  }
0x101: {  	[tilespmem:s17+$0xB390] =	vst v20  }
0x102: {  	[tilespmem:s17+$0xB3A0] =	vst v20  }
0x103: {  	[tilespmem:s17+$0xB3B0] =	vst v20  }
0x104: {  	[tilespmem:s17+$0xB3C0] =	vst v20  }
0x105: {  	[tilespmem:s17+$0xB3D0] =	vst v20  }
0x106: {  	[tilespmem:s17+$0xB3E0] =	vst v20  }
0x107: {  	[tilespmem:s17+$0xB3F0] =	vst v20  }
0x108: {  	[tilespmem:s17+$0xB400] =	vst v19  }
0x109: {  	[tilespmem:s17+$0xB410] =	vst v19  }
0x10a: {  	[tilespmem:s17+$0xB420] =	vst v19  }
0x10b: {  	[tilespmem:s17+$0xB430] =	vst v19  }
0x10c: {  	[tilespmem:s17+$0xB440] =	vst v19  }
0x10d: {  	[tilespmem:s17+$0xB450] =	vst v19  }
0x10e: {  	[tilespmem:s17+$0xB460] =	vst v19  }
0x10f: {  	[tilespmem:s17+$0xB470] =	vst v19  }
0x110: {  	[tilespmem:s17+$0xB480] =	vst v18  }
0x111: {  	[tilespmem:s17+$0xB490] =	vst v18  }
0x112: {  	[tilespmem:s17+$0xB4A0] =	vst v18  }
0x113: {  	[tilespmem:s17+$0xB4B0] =	vst v18  }
0x114: {  	[tilespmem:s17+$0xB4C0] =	vst v18  }
0x115: {  	[tilespmem:s17+$0xB4D0] =	vst v18  }
0x116: {  	[tilespmem:s17+$0xB4E0] =	vst v18  }
0x117: {  	[tilespmem:s17+$0xB4F0] =	vst v18  }
0x118: {  	[tilespmem:s17+$0xB500] =	vst v17  }
0x119: {  	[tilespmem:s17+$0xB510] =	vst v17  }
0x11a: {  	[tilespmem:s17+$0xB520] =	vst v17  }
0x11b: {  	[tilespmem:s17+$0xB530] =	vst v17  }
0x11c: {  	[tilespmem:s17+$0xB540] =	vst v17  }
0x11d: {  	[tilespmem:s17+$0xB550] =	vst v17  }
0x11e: {  	[tilespmem:s17+$0xB560] =	vst v17  }
0x11f: {  	[tilespmem:s17+$0xB570] =	vst v17  }
0x120: {  	[tilespmem:s17+$0xB580] =	vst v16  }
0x121: {  	[tilespmem:s17+$0xB590] =	vst v16  }
0x122: {  	[tilespmem:s17+$0xB5A0] =	vst v16  }
.Ltmp4:
0x123: {  	[tilespmem:s17+$0xB5B0] =	vst v16;
	(pc) =	sbr.rel .LBB2_6-.Ltmp4, $4  }
0x124: {  	[tilespmem:s17+$0xB5C0] =	vst v16  }
0x125: {  	[tilespmem:s17+$0xB5D0] =	vst v16  }
0x126: {  	[tilespmem:s17+$0xB5E0] =	vst v16;
	s17 =	simm.s32 $0x2  }
0x127: {  	[hbm4b:s9+s3] =	stream.linear.scatter [tilespmem:s13], [sflag:$0x2], $0x8000, $0x38;
	[tilespmem:$0x13200] =	vst v63  }
.LBB2_12:
0x128: {  	[tilespmem:s19+$0xB5F0] =	vst v16  }
0x129: {  	[tilespmem:s19+$0xB200] =	vst v23  }
0x12a: {  	[tilespmem:s19+$0xB210] =	vst v23  }
0x12b: {  	[tilespmem:s19+$0xB220] =	vst v23  }
0x12c: {  	[tilespmem:s19+$0xB230] =	vst v23  }
0x12d: {  	[tilespmem:s19+$0xB240] =	vst v23  }
0x12e: {  	[tilespmem:s19+$0xB250] =	vst v23  }
0x12f: {  	[tilespmem:s19+$0xB260] =	vst v23  }
0x130: {  	[tilespmem:s19+$0xB270] =	vst v23  }
0x131: {  	[tilespmem:s19+$0xB280] =	vst v22  }
0x132: {  	[tilespmem:s19+$0xB290] =	vst v22  }
0x133: {  	[tilespmem:s19+$0xB2A0] =	vst v22  }
0x134: {  	[tilespmem:s19+$0xB2B0] =	vst v22  }
0x135: {  	[tilespmem:s19+$0xB2C0] =	vst v22  }
0x136: {  	[tilespmem:s19+$0xB2D0] =	vst v22  }
0x137: {  	[tilespmem:s19+$0xB2E0] =	vst v22  }
0x138: {  	[tilespmem:s19+$0xB2F0] =	vst v22  }
0x139: {  	[tilespmem:s19+$0xB300] =	vst v21  }
0x13a: {  	[tilespmem:s19+$0xB310] =	vst v21  }
0x13b: {  	[tilespmem:s19+$0xB320] =	vst v21  }
0x13c: {  	[tilespmem:s19+$0xB330] =	vst v21  }
0x13d: {  	[tilespmem:s19+$0xB340] =	vst v21  }
0x13e: {  	[tilespmem:s19+$0xB350] =	vst v21  }
0x13f: {  	[tilespmem:s19+$0xB360] =	vst v21  }
0x140: {  	[tilespmem:s19+$0xB370] =	vst v21  }
0x141: {  	[tilespmem:s19+$0xB380] =	vst v20  }
0x142: {  	[tilespmem:s19+$0xB390] =	vst v20  }
0x143: {  	[tilespmem:s19+$0xB3A0] =	vst v20  }
0x144: {  	[tilespmem:s19+$0xB3B0] =	vst v20  }
0x145: {  	[tilespmem:s19+$0xB3C0] =	vst v20  }
0x146: {  	[tilespmem:s19+$0xB3D0] =	vst v20  }
0x147: {  	[tilespmem:s19+$0xB3E0] =	vst v20  }
0x148: {  	[tilespmem:s19+$0xB3F0] =	vst v20  }
0x149: {  	[tilespmem:s19+$0xB400] =	vst v19  }
0x14a: {  	[tilespmem:s19+$0xB410] =	vst v19  }
0x14b: {  	[tilespmem:s19+$0xB420] =	vst v19  }
0x14c: {  	[tilespmem:s19+$0xB430] =	vst v19  }
0x14d: {  	[tilespmem:s19+$0xB440] =	vst v19  }
0x14e: {  	[tilespmem:s19+$0xB450] =	vst v19  }
0x14f: {  	[tilespmem:s19+$0xB460] =	vst v19  }
0x150: {  	[tilespmem:s19+$0xB470] =	vst v19  }
0x151: {  	[tilespmem:s19+$0xB480] =	vst v18  }
0x152: {  	[tilespmem:s19+$0xB490] =	vst v18  }
0x153: {  	[tilespmem:s19+$0xB4A0] =	vst v18  }
0x154: {  	[tilespmem:s19+$0xB4B0] =	vst v18  }
0x155: {  	[tilespmem:s19+$0xB4C0] =	vst v18  }
0x156: {  	[tilespmem:s19+$0xB4D0] =	vst v18  }
0x157: {  	[tilespmem:s19+$0xB4E0] =	vst v18  }
0x158: {  	[tilespmem:s19+$0xB4F0] =	vst v18  }
0x159: {  	[tilespmem:s19+$0xB500] =	vst v17  }
0x15a: {  	[tilespmem:s19+$0xB510] =	vst v17  }
0x15b: {  	[tilespmem:s19+$0xB520] =	vst v17  }
0x15c: {  	[tilespmem:s19+$0xB530] =	vst v17  }
0x15d: {  	[tilespmem:s19+$0xB540] =	vst v17  }
0x15e: {  	[tilespmem:s19+$0xB550] =	vst v17  }
0x15f: {  	[tilespmem:s19+$0xB560] =	vst v17  }
0x160: {  	[tilespmem:s19+$0xB570] =	vst v17  }
0x161: {  	[tilespmem:s19+$0xB580] =	vst v16  }
0x162: {  	[tilespmem:s19+$0xB590] =	vst v16  }
0x163: {  	[tilespmem:s19+$0xB5A0] =	vst v16  }
0x164: {  	[tilespmem:s19+$0xB5B0] =	vst v16  }
0x165: {  	[tilespmem:s19+$0xB5C0] =	vst v16;
	s18 =	sshll.u32 s18, $0xC  }
0x166: {  	[tilespmem:s19+$0xB5D0] =	vst v16;
	s18 =	sand.u32 $0x1FFFF000, s18  }
0x167: {  	[tilespmem:s19+$0xB5E0] =	vst v16;
	s18 =	sadd.s32 s2, s18  }
0x168: {  	[hbm4b:s18+s3] =	stream.linear.scatter [tilespmem:s13], [sflag:$0x2], $0x8000, $0x38;
	[tilespmem:$0x13200] =	vst v63  }
.LBB2_13:
0x169: {  	s17 =	sadd.s32 $0x1, s17  }
0x16a: {  	p0 =	sne.s32 s17, $0x32  }
.Ltmp5:
0x16b: {  	_ = 	snop;
	(pc) =	sbr.rel @!p0 .LBB2_14-.Ltmp5, $1  }
0x16c: {  	_ =	sdelay $0x3  }
.LBB2_6:
0x16d: {  	s19 =	sand.u32 $0x1, s17  }
0x16e: {  	p0 =	seq.s32 s19, $0x1  }
.Ltmp6:
0x16f: {  	_ = 	snop;
	(pc) =	sbr.rel @p0 .LBB2_10-.Ltmp6, $3  }
0x170: {  	_ =	sdelay $0x1  }
0x171: {  	s18 =	sadd.s32 s5, s17  }
0x172: {  	s19 =	sshll.u32 s18, $0x3  }
0x173: {  	_ =	swait.ge [sflag:s14], $0x8000  }
0x174: {  	s20 =	sand.u32 $0x30, s19;
	s31 =	sand.u32 $0x1FFFFFC0, s19;
	[sflag:s14] =	ssyncset.done $0x0  }
0x175: {  	s19 =	sor.u32 s20, s31;
	[sflag:s14] =	ssyncadd.s32 $0xFFFF8000  }
0x176: {  	v16 =	vld [tilespmem:s19+$0x0];
	_ =	sdelay $0x4  }
0x177: {  	v23 =	vperm.xlane v16, v0;
	v22 =	vperm.xlane v16, v1  }
0x178: {  	v21 =	vperm.xlane v16, v2;
	v20 =	vperm.xlane v16, v3  }
0x179: {  	v19 =	vperm.xlane v16, v4;
	v18 =	vperm.xlane v16, v5  }
0x17a: {  	v17 =	vperm.xlane v16, v6;
	v16 =	vperm.xlane v16, v7  }
0x17b: {  	s20 =	simm.s32 $0x1000;
	s19 =	simm.s32 $0x0  }
.LBB2_8:
0x17c: {  	p0 =	sne.s32 s20, $0x1F000;
	[tilespmem:s19+$0x35F0] =	vst v16  }
0x17d: {  	[tilespmem:s19+$0x3200] =	vst v23  }
0x17e: {  	[tilespmem:s19+$0x3210] =	vst v23  }
0x17f: {  	[tilespmem:s19+$0x3220] =	vst v23  }
0x180: {  	[tilespmem:s19+$0x3230] =	vst v23  }
0x181: {  	[tilespmem:s19+$0x3240] =	vst v23  }
0x182: {  	[tilespmem:s19+$0x3250] =	vst v23  }
0x183: {  	[tilespmem:s19+$0x3260] =	vst v23  }
0x184: {  	[tilespmem:s19+$0x3270] =	vst v23  }
0x185: {  	[tilespmem:s19+$0x3280] =	vst v22  }
0x186: {  	[tilespmem:s19+$0x3290] =	vst v22  }
0x187: {  	[tilespmem:s19+$0x32A0] =	vst v22  }
0x188: {  	[tilespmem:s19+$0x32B0] =	vst v22  }
0x189: {  	[tilespmem:s19+$0x32C0] =	vst v22  }
0x18a: {  	[tilespmem:s19+$0x32D0] =	vst v22  }
0x18b: {  	[tilespmem:s19+$0x32E0] =	vst v22  }
0x18c: {  	[tilespmem:s19+$0x32F0] =	vst v22  }
0x18d: {  	[tilespmem:s19+$0x3300] =	vst v21  }
0x18e: {  	[tilespmem:s19+$0x3310] =	vst v21  }
0x18f: {  	[tilespmem:s19+$0x3320] =	vst v21  }
0x190: {  	[tilespmem:s19+$0x3330] =	vst v21  }
0x191: {  	[tilespmem:s19+$0x3340] =	vst v21  }
0x192: {  	[tilespmem:s19+$0x3350] =	vst v21  }
0x193: {  	[tilespmem:s19+$0x3360] =	vst v21  }
0x194: {  	[tilespmem:s19+$0x3370] =	vst v21  }
0x195: {  	[tilespmem:s19+$0x3380] =	vst v20  }
0x196: {  	[tilespmem:s19+$0x3390] =	vst v20  }
0x197: {  	[tilespmem:s19+$0x33A0] =	vst v20  }
0x198: {  	[tilespmem:s19+$0x33B0] =	vst v20  }
0x199: {  	[tilespmem:s19+$0x33C0] =	vst v20  }
0x19a: {  	[tilespmem:s19+$0x33D0] =	vst v20  }
0x19b: {  	[tilespmem:s19+$0x33E0] =	vst v20  }
0x19c: {  	[tilespmem:s19+$0x33F0] =	vst v20  }
0x19d: {  	[tilespmem:s19+$0x3400] =	vst v19  }
0x19e: {  	[tilespmem:s19+$0x3410] =	vst v19  }
0x19f: {  	[tilespmem:s19+$0x3420] =	vst v19  }
0x1a0: {  	[tilespmem:s19+$0x3430] =	vst v19  }
0x1a1: {  	[tilespmem:s19+$0x3440] =	vst v19  }
0x1a2: {  	[tilespmem:s19+$0x3450] =	vst v19  }
0x1a3: {  	[tilespmem:s19+$0x3460] =	vst v19  }
0x1a4: {  	[tilespmem:s19+$0x3470] =	vst v19  }
0x1a5: {  	[tilespmem:s19+$0x3480] =	vst v18  }
0x1a6: {  	[tilespmem:s19+$0x3490] =	vst v18  }
0x1a7: {  	[tilespmem:s19+$0x34A0] =	vst v18  }
0x1a8: {  	[tilespmem:s19+$0x34B0] =	vst v18  }
0x1a9: {  	[tilespmem:s19+$0x34C0] =	vst v18  }
0x1aa: {  	[tilespmem:s19+$0x34D0] =	vst v18  }
0x1ab: {  	[tilespmem:s19+$0x34E0] =	vst v18  }
0x1ac: {  	[tilespmem:s19+$0x34F0] =	vst v18  }
0x1ad: {  	[tilespmem:s19+$0x3500] =	vst v17  }
0x1ae: {  	[tilespmem:s19+$0x3510] =	vst v17  }
0x1af: {  	[tilespmem:s19+$0x3520] =	vst v17  }
0x1b0: {  	[tilespmem:s19+$0x3530] =	vst v17  }
0x1b1: {  	[tilespmem:s19+$0x3540] =	vst v17  }
0x1b2: {  	[tilespmem:s19+$0x3550] =	vst v17  }
0x1b3: {  	[tilespmem:s19+$0x3560] =	vst v17  }
0x1b4: {  	[tilespmem:s19+$0x3570] =	vst v17  }
0x1b5: {  	[tilespmem:s19+$0x3580] =	vst v16  }
0x1b6: {  	[tilespmem:s19+$0x3590] =	vst v16  }
.Ltmp7:
0x1b7: {  	[tilespmem:s19+$0x35A0] =	vst v16;
	(pc) =	sbr.rel @p0 .LBB2_8-.Ltmp7, $4  }
0x1b8: {  	[tilespmem:s19+$0x35B0] =	vst v16  }
0x1b9: {  	[tilespmem:s19+$0x35C0] =	vst v16  }
0x1ba: {  	[tilespmem:s19+$0x35D0] =	vst v16  }
0x1bb: {  	[tilespmem:s19+$0x35E0] =	vst v16;
	s19 =	sshra.s32 s20, $0x2;
	s20 =	sadd.s32 $0x1000, s20  }
0x1bc: {  	[tilespmem:s19+$0x35F0] =	vst v16  }
0x1bd: {  	[tilespmem:s19+$0x3200] =	vst v23  }
0x1be: {  	[tilespmem:s19+$0x3210] =	vst v23  }
0x1bf: {  	[tilespmem:s19+$0x3220] =	vst v23  }
0x1c0: {  	[tilespmem:s19+$0x3230] =	vst v23  }
0x1c1: {  	[tilespmem:s19+$0x3240] =	vst v23  }
0x1c2: {  	[tilespmem:s19+$0x3250] =	vst v23  }
0x1c3: {  	[tilespmem:s19+$0x3260] =	vst v23  }
0x1c4: {  	[tilespmem:s19+$0x3270] =	vst v23  }
0x1c5: {  	[tilespmem:s19+$0x3280] =	vst v22  }
0x1c6: {  	[tilespmem:s19+$0x3290] =	vst v22  }
0x1c7: {  	[tilespmem:s19+$0x32A0] =	vst v22  }
0x1c8: {  	[tilespmem:s19+$0x32B0] =	vst v22  }
0x1c9: {  	[tilespmem:s19+$0x32C0] =	vst v22  }
0x1ca: {  	[tilespmem:s19+$0x32D0] =	vst v22  }
0x1cb: {  	[tilespmem:s19+$0x32E0] =	vst v22  }
0x1cc: {  	[tilespmem:s19+$0x32F0] =	vst v22  }
0x1cd: {  	[tilespmem:s19+$0x3300] =	vst v21  }
0x1ce: {  	[tilespmem:s19+$0x3310] =	vst v21  }
0x1cf: {  	[tilespmem:s19+$0x3320] =	vst v21  }
0x1d0: {  	[tilespmem:s19+$0x3330] =	vst v21  }
0x1d1: {  	[tilespmem:s19+$0x3340] =	vst v21  }
0x1d2: {  	[tilespmem:s19+$0x3350] =	vst v21  }
0x1d3: {  	[tilespmem:s19+$0x3360] =	vst v21  }
0x1d4: {  	[tilespmem:s19+$0x3370] =	vst v21  }
0x1d5: {  	[tilespmem:s19+$0x3380] =	vst v20  }
0x1d6: {  	[tilespmem:s19+$0x3390] =	vst v20  }
0x1d7: {  	[tilespmem:s19+$0x33A0] =	vst v20  }
0x1d8: {  	[tilespmem:s19+$0x33B0] =	vst v20  }
0x1d9: {  	[tilespmem:s19+$0x33C0] =	vst v20  }
0x1da: {  	[tilespmem:s19+$0x33D0] =	vst v20  }
0x1db: {  	[tilespmem:s19+$0x33E0] =	vst v20  }
0x1dc: {  	[tilespmem:s19+$0x33F0] =	vst v20  }
0x1dd: {  	[tilespmem:s19+$0x3400] =	vst v19  }
0x1de: {  	[tilespmem:s19+$0x3410] =	vst v19  }
0x1df: {  	[tilespmem:s19+$0x3420] =	vst v19  }
0x1e0: {  	[tilespmem:s19+$0x3430] =	vst v19  }
0x1e1: {  	[tilespmem:s19+$0x3440] =	vst v19  }
0x1e2: {  	[tilespmem:s19+$0x3450] =	vst v19  }
0x1e3: {  	[tilespmem:s19+$0x3460] =	vst v19  }
0x1e4: {  	[tilespmem:s19+$0x3470] =	vst v19  }
0x1e5: {  	[tilespmem:s19+$0x3480] =	vst v18  }
0x1e6: {  	[tilespmem:s19+$0x3490] =	vst v18  }
0x1e7: {  	[tilespmem:s19+$0x34A0] =	vst v18  }
0x1e8: {  	[tilespmem:s19+$0x34B0] =	vst v18  }
0x1e9: {  	[tilespmem:s19+$0x34C0] =	vst v18  }
0x1ea: {  	[tilespmem:s19+$0x34D0] =	vst v18  }
0x1eb: {  	[tilespmem:s19+$0x34E0] =	vst v18  }
0x1ec: {  	[tilespmem:s19+$0x34F0] =	vst v18  }
0x1ed: {  	[tilespmem:s19+$0x3500] =	vst v17  }
0x1ee: {  	[tilespmem:s19+$0x3510] =	vst v17  }
0x1ef: {  	[tilespmem:s19+$0x3520] =	vst v17  }
0x1f0: {  	[tilespmem:s19+$0x3530] =	vst v17  }
0x1f1: {  	[tilespmem:s19+$0x3540] =	vst v17  }
0x1f2: {  	[tilespmem:s19+$0x3550] =	vst v17  }
0x1f3: {  	[tilespmem:s19+$0x3560] =	vst v17  }
0x1f4: {  	[tilespmem:s19+$0x3570] =	vst v17  }
0x1f5: {  	[tilespmem:s19+$0x3580] =	vst v16  }
0x1f6: {  	[tilespmem:s19+$0x3590] =	vst v16  }
0x1f7: {  	[tilespmem:s19+$0x35A0] =	vst v16  }
.Ltmp8:
0x1f8: {  	[tilespmem:s19+$0x35B0] =	vst v16;
	(pc) =	sbr.rel .LBB2_13-.Ltmp8, $4  }
0x1f9: {  	[tilespmem:s19+$0x35C0] =	vst v16;
	s18 =	sshll.u32 s18, $0xC  }
0x1fa: {  	[tilespmem:s19+$0x35D0] =	vst v16;
	s18 =	sand.u32 $0x1FFFE000, s18  }
0x1fb: {  	[tilespmem:s19+$0x35E0] =	vst v16;
	s18 =	sadd.s32 s2, s18  }
0x1fc: {  	[hbm4b:s18+s3] =	stream.linear.scatter [tilespmem:s12], [sflag:$0x1], $0x8000, $0x38;
	[tilespmem:$0x13200] =	vst v63  }
.LBB2_10:
0x1fd: {  	_ =	swait.ge [sflag:s15], $0x8000  }
0x1fe: {  	[sflag:s15] =	ssyncset.done $0x0  }
0x1ff: {  	s19 =	sand.u32 $0x7FFFFFF0, s19;
	[sflag:s15] =	ssyncadd.s32 $0xFFFF8000  }
0x200: {  	v16 =	vld [tilespmem:s19+$0x0];
	_ =	sdelay $0x4  }
0x201: {  	v23 =	vperm.xlane v16, v8;
	v22 =	vperm.xlane v16, v9  }
0x202: {  	v21 =	vperm.xlane v16, v10;
	v20 =	vperm.xlane v16, v11  }
0x203: {  	v19 =	vperm.xlane v16, v12;
	v18 =	vperm.xlane v16, v13  }
0x204: {  	v17 =	vperm.xlane v16, v14;
	v16 =	vperm.xlane v16, v15  }
0x205: {  	s20 =	simm.s32 $0x1000;
	s19 =	simm.s32 $0x0  }
.LBB2_11:
0x206: {  	p0 =	sne.s32 s20, $0x1F000;
	[tilespmem:s19+$0xB5F0] =	vst v16  }
0x207: {  	[tilespmem:s19+$0xB200] =	vst v23  }
0x208: {  	[tilespmem:s19+$0xB210] =	vst v23  }
0x209: {  	[tilespmem:s19+$0xB220] =	vst v23  }
0x20a: {  	[tilespmem:s19+$0xB230] =	vst v23  }
0x20b: {  	[tilespmem:s19+$0xB240] =	vst v23  }
0x20c: {  	[tilespmem:s19+$0xB250] =	vst v23  }
0x20d: {  	[tilespmem:s19+$0xB260] =	vst v23  }
0x20e: {  	[tilespmem:s19+$0xB270] =	vst v23  }
0x20f: {  	[tilespmem:s19+$0xB280] =	vst v22  }
0x210: {  	[tilespmem:s19+$0xB290] =	vst v22  }
0x211: {  	[tilespmem:s19+$0xB2A0] =	vst v22  }
0x212: {  	[tilespmem:s19+$0xB2B0] =	vst v22  }
0x213: {  	[tilespmem:s19+$0xB2C0] =	vst v22  }
0x214: {  	[tilespmem:s19+$0xB2D0] =	vst v22  }
0x215: {  	[tilespmem:s19+$0xB2E0] =	vst v22  }
0x216: {  	[tilespmem:s19+$0xB2F0] =	vst v22  }
0x217: {  	[tilespmem:s19+$0xB300] =	vst v21  }
0x218: {  	[tilespmem:s19+$0xB310] =	vst v21  }
0x219: {  	[tilespmem:s19+$0xB320] =	vst v21  }
0x21a: {  	[tilespmem:s19+$0xB330] =	vst v21  }
0x21b: {  	[tilespmem:s19+$0xB340] =	vst v21  }
0x21c: {  	[tilespmem:s19+$0xB350] =	vst v21  }
0x21d: {  	[tilespmem:s19+$0xB360] =	vst v21  }
0x21e: {  	[tilespmem:s19+$0xB370] =	vst v21  }
0x21f: {  	[tilespmem:s19+$0xB380] =	vst v20  }
0x220: {  	[tilespmem:s19+$0xB390] =	vst v20  }
0x221: {  	[tilespmem:s19+$0xB3A0] =	vst v20  }
0x222: {  	[tilespmem:s19+$0xB3B0] =	vst v20  }
0x223: {  	[tilespmem:s19+$0xB3C0] =	vst v20  }
0x224: {  	[tilespmem:s19+$0xB3D0] =	vst v20  }
0x225: {  	[tilespmem:s19+$0xB3E0] =	vst v20  }
0x226: {  	[tilespmem:s19+$0xB3F0] =	vst v20  }
0x227: {  	[tilespmem:s19+$0xB400] =	vst v19  }
0x228: {  	[tilespmem:s19+$0xB410] =	vst v19  }
0x229: {  	[tilespmem:s19+$0xB420] =	vst v19  }
0x22a: {  	[tilespmem:s19+$0xB430] =	vst v19  }
0x22b: {  	[tilespmem:s19+$0xB440] =	vst v19  }
0x22c: {  	[tilespmem:s19+$0xB450] =	vst v19  }
0x22d: {  	[tilespmem:s19+$0xB460] =	vst v19  }
0x22e: {  	[tilespmem:s19+$0xB470] =	vst v19  }
0x22f: {  	[tilespmem:s19+$0xB480] =	vst v18  }
0x230: {  	[tilespmem:s19+$0xB490] =	vst v18  }
0x231: {  	[tilespmem:s19+$0xB4A0] =	vst v18  }
0x232: {  	[tilespmem:s19+$0xB4B0] =	vst v18  }
0x233: {  	[tilespmem:s19+$0xB4C0] =	vst v18  }
0x234: {  	[tilespmem:s19+$0xB4D0] =	vst v18  }
0x235: {  	[tilespmem:s19+$0xB4E0] =	vst v18  }
0x236: {  	[tilespmem:s19+$0xB4F0] =	vst v18  }
0x237: {  	[tilespmem:s19+$0xB500] =	vst v17  }
0x238: {  	[tilespmem:s19+$0xB510] =	vst v17  }
0x239: {  	[tilespmem:s19+$0xB520] =	vst v17  }
0x23a: {  	[tilespmem:s19+$0xB530] =	vst v17  }
0x23b: {  	[tilespmem:s19+$0xB540] =	vst v17  }
0x23c: {  	[tilespmem:s19+$0xB550] =	vst v17  }
0x23d: {  	[tilespmem:s19+$0xB560] =	vst v17  }
0x23e: {  	[tilespmem:s19+$0xB570] =	vst v17  }
0x23f: {  	[tilespmem:s19+$0xB580] =	vst v16  }
0x240: {  	[tilespmem:s19+$0xB590] =	vst v16  }
.Ltmp9:
0x241: {  	[tilespmem:s19+$0xB5A0] =	vst v16;
	(pc) =	sbr.rel @p0 .LBB2_11-.Ltmp9, $4  }
0x242: {  	[tilespmem:s19+$0xB5B0] =	vst v16  }
0x243: {  	[tilespmem:s19+$0xB5C0] =	vst v16  }
0x244: {  	[tilespmem:s19+$0xB5D0] =	vst v16  }
0x245: {  	[tilespmem:s19+$0xB5E0] =	vst v16;
	s19 =	sshra.s32 s20, $0x2;
	s20 =	sadd.s32 $0x1000, s20  }
.Ltmp10:
0x246: {  	_ = 	snop;
	(pc) =	sbr.rel .LBB2_12-.Ltmp10, $1  }
0x247: {  	_ =	sdelay $0x3  }
.LBB2_15:
0x248: {  	_ =	sfence.sel $0x180000  }
0x249: {  	[bflag:$0x0] =	sbarrier.arrive $0xFFFF  }
0x24a: {  	p0 =	sne.s32 s1, $0x0;
	_ =	strace $0x90000047  }
0x24b: {  	s0 =	sadd.s32 @!p0 $0x100000, s0;
	[bflag:$0x2] =	sbarrier.arrive $0xFFFF  }
0x24c: {  	[sflag:s0] =	ssyncadd.tile.s32 @!p0 $0x1;
	_ =	shalt  }
.Lfunc_end2:
_tile_overlayer_lowered:
.L_overlay_start_2:
0x24d: {  	(tag) =	ssettag $0x2  }
0x24e: {  	s0 =	rddreg [dreg:$0x0];
	s2 =	stileid.u32  }
0x24f: {  	s1 =	rddreg [dreg:$0x1];
	p0 =	sne.s32 s2, $0x0  }
0x250: {  	s3 =	rddreg [dreg:$0x2];
	[bflag:$0x3] =	sbarrier.arrive $0xFFFF;
	s2 =	simm.s32 @!p0 $0x1C03  }
0x251: {  	[timem:s3], [sflag:s2] =	dma.local @!p0 [hbm:s0], s1  }
0x252: {  	s0 =	simm.s32 @!p0 $0x3  }
0x253: {  	_ =	swait.ge @!p0 [sflag:s0], s1  }
0x254: {  	s1 =	ssub.s32 @!p0 $0x0, s1;
	[sflag:s0] =	ssyncset.done @!p0 $0x0  }
0x255: {  	[sflag:s0] =	ssyncadd.s32 @!p0 s1  }
0x256: {  	[bflag:$0x3] =	sbarrier.arrive $0xFFFF  }
0x257: {  	_ =	shalt  }

</sc_bundles>
